<compile_context>
chip_gen: v7x
topology: tpu7x:2x2x1
jax: 0.10.2.dev20260603
libtpu: 0.0.44.dev20260713+nightly
codegen_flags: <defaults>
</compile_context>

<pallas_src>
import functools

import numpy as np

import jax
import jax.numpy as jnp
from jax import lax
from jax.experimental import pallas as pl
from jax.experimental.pallas import tpu as pltpu
from jax.experimental.pallas import tpu_sc as plsc

NC = 2
NS = 16
EPC = 128
SEG = 40
SPLIT = (80, 80)
LANES = 128
_SC_PARAMS = None


def _sc_params():
    global _SC_PARAMS
    if _SC_PARAMS is None:
        _SC_PARAMS = pltpu.CompilerParams(needs_layout_passes=False)
    return _SC_PARAMS


def _pad_sizes(n, e):
    npad = ((n + 1 + LANES - 1) // LANES) * LANES
    npad = ((npad + NS * LANES - 1) // (NS * LANES)) * (NS * LANES)
    total = (e + EPC - 1) // EPC
    unit = NS * (SPLIT[0] + SPLIT[1])
    scale = (total + unit - 1) // unit
    na, nb = SPLIT[0] * scale, SPLIT[1] * scale
    return npad, na, nb


@functools.lru_cache(maxsize=None)
def _deg_call(npad, na, nb):
    nr = npad // LANES
    rpt = nr // NS
    pool = NS * (na + nb)
    mesh = plsc.VectorSubcoreMesh(core_axis_name="c", subcore_axis_name="s")

    def body(edge_hbm, deg_out, dstv, hist, rowidx, sdeg):
        cid = lax.axis_index("c")
        sid = lax.axis_index("s")
        my_n = jnp.where(cid == 0, na, nb)
        my_base = pl.multiple_of(
            jnp.where(cid == 0, sid * na, NS * na + sid * nb), 8)
        z16 = jnp.zeros((16,), jnp.float32)

        def zero_row(r, carry):
            for c in range(LANES // 16):
                hist[r, pl.ds(c * 16, 16)] = z16
            return carry

        lax.fori_loop(0, nr, zero_row, 0)
        for c in range(nr // 16):
            rowidx[pl.ds(c * 16, 16)] = lax.iota(jnp.int32, 16) + c * 16

        pltpu.sync_copy(hist.at[pl.ds(sid * rpt, rpt)],
                        sdeg.at[pl.ds(sid * rpt, rpt)])
        plsc.subcore_barrier()

        ones = jnp.ones((16,), jnp.float32)

        def seg_body(s, carry):
            off = pl.multiple_of(my_base + s * SEG, 8)
            pltpu.sync_copy(edge_hbm.at[1, pl.ds(off, SEG)], dstv)

            def acc(i, c2):
                r = i // (EPC // 16)
                c = i % (EPC // 16)
                idx = dstv[r, pl.ds(c * 16, 16)]
                row = jnp.right_shift(idx, 7)
                col = jnp.bitwise_and(idx, LANES - 1)
                plsc.addupdate_scatter(hist, [row, col], ones)
                return c2

            lax.fori_loop(0, SEG * (EPC // 16), acc, 0)
            return carry

        lax.fori_loop(0, my_n // SEG, seg_body, 0)

        pltpu.sync_copy(hist, sdeg.at[rowidx], add=True)
        plsc.subcore_barrier()

        @pl.when(sid == 0)
        def _():
            pltpu.sync_copy(sdeg, deg_out.at[cid])

    return pl.kernel(
        body,
        mesh=mesh,
        out_type=jax.ShapeDtypeStruct((NC, nr, LANES), jnp.float32),
        scratch_types=[
            pltpu.VMEM((SEG, EPC), jnp.int32),
            pltpu.VMEM((nr, LANES), jnp.float32),
            pltpu.VMEM((nr,), jnp.int32),
            pltpu.VMEM_SHARED((nr, LANES), jnp.float32),
        ],
        compiler_params=_sc_params(),
    )


@functools.lru_cache(maxsize=None)
def _scatter_call(npad, na, nb, h):
    rpt = npad // NS
    mesh = plsc.VectorSubcoreMesh(core_axis_name="c", subcore_axis_name="s")

    def body(g_hbm, edge_hbm, s_out,
             srcv, dstv, rows0, rows1, s_sh, sem0, sem1):
        cid = lax.axis_index("c")
        sid = lax.axis_index("s")
        my_n = jnp.where(cid == 0, na, nb)
        my_base = pl.multiple_of(
            jnp.where(cid == 0, sid * na, NS * na + sid * nb), 8)

        z16 = jnp.zeros((16,), jnp.float32)

        def zero_row(r, carry):
            for c in range(h // 16):
                rows0[r, pl.ds(c * 16, 16)] = z16
            return carry

        lax.fori_loop(0, EPC, zero_row, 0)

        def zs(k, carry):
            pltpu.sync_copy(rows0, s_sh.at[pl.ds(sid * rpt + k * EPC, EPC)])
            return carry

        lax.fori_loop(0, rpt // EPC, zs, 0)
        plsc.subcore_barrier()

        def seg_body(s, carry):
            off = pl.multiple_of(my_base + s * SEG, 8)
            pltpu.sync_copy(edge_hbm.at[0, pl.ds(off, SEG)], srcv)
            pltpu.sync_copy(edge_hbm.at[1, pl.ds(off, SEG)], dstv)
            pltpu.async_copy(g_hbm.at[srcv.at[0]], rows0, sem0)
            pltpu.async_copy(g_hbm.at[srcv.at[1]], rows1, sem1)

            def step(t, c2):
                j = 2 * t
                pltpu.make_async_copy(g_hbm.at[srcv.at[0]], rows0, sem0).wait()
                pltpu.sync_copy(rows0, s_sh.at[dstv.at[j]], add=True)

                @pl.when(j + 2 < SEG)
                def _():
                    pltpu.async_copy(g_hbm.at[srcv.at[j + 2]], rows0, sem0)

                pltpu.make_async_copy(g_hbm.at[srcv.at[1]], rows1, sem1).wait()
                pltpu.sync_copy(rows1, s_sh.at[dstv.at[j + 1]], add=True)

                @pl.when(j + 3 < SEG)
                def _():
                    pltpu.async_copy(g_hbm.at[srcv.at[j + 3]], rows1, sem1)

                return c2

            lax.fori_loop(0, SEG // 2, step, 0)
            return carry

        lax.fori_loop(0, my_n // SEG, seg_body, 0)
        plsc.subcore_barrier()
        pltpu.sync_copy(s_sh.at[pl.ds(sid * rpt, rpt)],
                        s_out.at[cid, pl.ds(sid * rpt, rpt)])

    return pl.kernel(
        body,
        mesh=mesh,
        out_type=jax.ShapeDtypeStruct((NC, npad, h), jnp.float32),
        scratch_types=[
            pltpu.VMEM((SEG, EPC), jnp.int32),
            pltpu.VMEM((SEG, EPC), jnp.int32),
            pltpu.VMEM((EPC, h), jnp.float32),
            pltpu.VMEM((EPC, h), jnp.float32),
            pltpu.VMEM_SHARED((npad, h), jnp.float32),
            pltpu.SemaphoreType.DMA,
            pltpu.SemaphoreType.DMA,
        ],
        compiler_params=_sc_params(),
    )


BLK = 512


def _t1_body(x_ref, w_ref, da_ref, db_ref, o_ref):
    dinv = lax.rsqrt(da_ref[...] + db_ref[...] + 1.0)
    o_ref[...] = jnp.dot(x_ref[...], w_ref[...],
                         preferred_element_type=jnp.float32) * dinv


def _t2_body(n, sa_ref, sb_ref, g_ref, da_ref, db_ref, b_ref, w_ref, o_ref):
    i = pl.program_id(0)
    dinv = lax.rsqrt(da_ref[...] + db_ref[...] + 1.0)
    h1 = jnp.tanh((sa_ref[0] + sb_ref[0] + g_ref[...]) * dinv + b_ref[...])
    g2 = jnp.dot(h1, w_ref[...], preferred_element_type=jnp.float32) * dinv
    rows = lax.broadcasted_iota(jnp.int32, (BLK, 1), 0) + i * BLK
    o_ref[...] = jnp.where(rows < n, g2, 0.0)


def _t3_body(sa_ref, sb_ref, g_ref, da_ref, db_ref, b_ref, w_ref, bf_ref,
             o_ref):
    dinv = lax.rsqrt(da_ref[...] + db_ref[...] + 1.0)
    h2 = jnp.tanh((sa_ref[0] + sb_ref[0] + g_ref[...]) * dinv + b_ref[...])
    o_ref[...] = jnp.tanh(jnp.dot(h2, w_ref[...],
                                  preferred_element_type=jnp.float32)
                          + bf_ref[...])


def _row_spec(i_dim):
    return pl.BlockSpec((BLK, i_dim), lambda i: (i, 0))


def _part_spec(c):
    return pl.BlockSpec((1, BLK, H_BLK), lambda i, c=c: (c, i, 0))


H_BLK = 128


def _full_spec(a, b):
    return pl.BlockSpec((a, b), lambda i: (0, 0))


def kernel(x, edge_index, W1, b1, W2, b2, Wfc, bfc):
    n, d = x.shape
    h = W1.shape[1]
    e = edge_index.shape[1]
    npad, na, nb = _pad_sizes(n, e)
    pool = NS * (na + nb)
    epad = pool * EPC

    pad_np = (n + (np.arange(epad - e, dtype=np.int32) % (npad - n)))
    pad2 = jnp.asarray(
        np.broadcast_to(pad_np.reshape(1, -1, EPC), (2, (epad - e) // EPC,
                                                     EPC)))
    edge_p = jnp.concatenate(
        [edge_index.astype(jnp.int32).reshape(2, e // EPC, EPC), pad2],
        axis=1)

    deg2 = _deg_call(npad, na, nb)(edge_p)
    dega = deg2[0].reshape(npad, 1)
    degb = deg2[1].reshape(npad, 1)

    grid = (npad // BLK,)

    g1 = pl.pallas_call(
        _t1_body,
        grid=grid,
        in_specs=[_row_spec(d), _full_spec(d, h), _row_spec(1), _row_spec(1)],
        out_specs=_row_spec(h),
        out_shape=jax.ShapeDtypeStruct((npad, h), jnp.float32),
    )(x, W1, dega, degb)

    scat = _scatter_call(npad, na, nb, h)
    s1 = scat(g1, edge_p)

    g2 = pl.pallas_call(
        functools.partial(_t2_body, n),
        grid=grid,
        in_specs=[_part_spec(0), _part_spec(1), _row_spec(h), _row_spec(1),
                  _row_spec(1), _full_spec(1, h), _full_spec(h, h)],
        out_specs=_row_spec(h),
        out_shape=jax.ShapeDtypeStruct((npad, h), jnp.float32),
    )(s1, s1, g1, dega, degb, b1.reshape(1, h), W2)

    s2 = scat(g2, edge_p)

    out = pl.pallas_call(
        _t3_body,
        grid=grid,
        in_specs=[_part_spec(0), _part_spec(1), _row_spec(h), _row_spec(1),
                  _row_spec(1), _full_spec(1, h), _full_spec(h, h),
                  _full_spec(1, h)],
        out_specs=_row_spec(h),
        out_shape=jax.ShapeDtypeStruct((n, h), jnp.float32),
    )(s2, s2, g2, dega, degb, b2.reshape(1, h), Wfc,
      bfc.reshape(1, h))

    return out

# --- scband reference (transcript-rebuilt; emitter-appended) ---
"""Pipeline reference for scband-mouse-gcn-32203664786076 (READ-ONLY COPY).

The authoritative reference and input builder live on the scoring server;
editing this copy changes nothing except your own understanding.
"""

import jax, jax.numpy as jnp
import numpy as np

N = 10000
E = 320000
D = 128
H = 128


def _glorot(key, shape):
    scale = 1.0 / np.sqrt(shape[0])
    return jax.random.uniform(key, shape, minval=-scale, maxval=scale, dtype=jnp.float32)


def setup_inputs(seed: int = 0) -> dict:
    key = jax.random.key(seed)
    ks = jax.random.split(key, 9)
    x = jax.random.normal(ks[0], (N, D), dtype=jnp.float32)
    edge_index = jax.random.randint(ks[1], (2, E), 0, N)
    W1 = _glorot(ks[2], (D, H))
    b1 = jnp.zeros((H,), dtype=jnp.float32)
    W2 = _glorot(ks[3], (H, H))
    b2 = jnp.zeros((H,), dtype=jnp.float32)
    Wfc = _glorot(ks[4], (H, H))
    bfc = jax.random.uniform(ks[5], (H,), minval=-1.0/np.sqrt(H), maxval=1.0/np.sqrt(H), dtype=jnp.float32)
    return {"x": x, "edge_index": edge_index, "W1": W1, "b1": b1, "W2": W2, "b2": b2, "Wfc": Wfc, "bfc": bfc}


def _gcn_conv(x, edge_index, W, b):
    # Faithful PyG GCNConv: linear -> symmetric-normalized propagate (with self-loops) -> + bias
    n = x.shape[0]
    loop = jnp.arange(n, dtype=edge_index.dtype)
    src = jnp.concatenate([edge_index[0], loop])
    dst = jnp.concatenate([edge_index[1], loop])
    w = jnp.ones(src.shape[0], dtype=x.dtype)
    deg = jnp.zeros((n,), dtype=x.dtype).at[dst].add(w)
    deg_inv_sqrt = jnp.where(deg > 0, deg ** -0.5, 0.0)
    norm = deg_inv_sqrt[src] * w * deg_inv_sqrt[dst]
    h = x @ W
    msg = h[src] * norm[:, None]
    out = jnp.zeros_like(h).at[dst].add(msg)
    return out + b


def reference(x, edge_index, W1, b1, W2, b2, Wfc, bfc):
    h = _gcn_conv(x, edge_index, W1, b1)
    h = jnp.tanh(h)
    # dropout p=0.0 -> identity
    h = _gcn_conv(h, edge_index, W2, b2)
    h = jnp.tanh(h)
    out = h @ Wfc + bfc
    out = jnp.tanh(out)
    return out

if __name__ == "__main__":
    import jax
    _d = setup_inputs()
    print(jax.jit(kernel)(*tuple(_d.values())))

</pallas_src>

<mosaic_0001>
#map = affine_map<(d0, d1) -> (0, 0, 0)>
module attributes {stable_mosaic.version = 14 : i64} {
  func.func @body(%arg0: i32, %arg1: i32, %arg2: memref<2x2560x128xi32, #tpu.memory_space<hbm>>, %arg3: memref<2x80x128xf32, #tpu.memory_space<hbm>>, %arg4: memref<40x128xi32, #tpu.memory_space<vmem>>, %arg5: memref<80x128xf32, #tpu.memory_space<vmem>>, %arg6: memref<80xi32, #tpu.memory_space<vmem>>, %arg7: memref<80x128xf32, #tpu.memory_space<vmem_shared>>) attributes {dimension_semantics = [#tpu.dimension_semantics<core_parallel>, #tpu.dimension_semantics<subcore_parallel>], iteration_bounds = array<i64: 2, 16>, scalar_prefetch = 0 : i64, scratch_operands = 4 : i64, tpu.core_type = #tpu.core_type<sc_vector_subcore>, window_params = [{transform_indices = #map}, {transform_indices = #map}]} {
    %eq3A = arith.constant 0 : i32
    %eq3A_0 = arith.cmpi eq, %arg0, %eq3A : i32
    %jit3A = arith.constant 80 : i32
    %jit3A_1 = arith.constant 80 : i32
    %select_n3A = arith.select %eq3A_0, %jit3A, %jit3A_1 : i32
    %eq3A_2 = arith.constant 0 : i32
    %eq3A_3 = arith.cmpi eq, %arg0, %eq3A_2 : i32
    %mul3A = arith.constant 80 : i32
    %mul3A_4 = arith.muli %arg1, %mul3A : i32
    %mul3A_5 = arith.constant 80 : i32
    %mul3A_6 = arith.muli %arg1, %mul3A_5 : i32
    %add3A = arith.constant 1280 : i32
    %add3A_7 = arith.addi %add3A, %mul3A_6 : i32
    %select_n3A_8 = arith.select %eq3A_3, %mul3A_4, %add3A_7 : i32
    %multiple_of3A = tpu.assume_multiple %select_n3A_8, 8 : i32
    %broadcast_in_dim3A = arith.constant 0.000000e+00 : f32
    %broadcast_in_dim3A_9 = vector.broadcast %broadcast_in_dim3A : f32 to vector<16xf32>
    %scan3A = arith.constant 0 : i32
    %scan3A_10 = arith.constant 0 : i32
    %scan3A_11 = arith.constant 80 : i32
    %scan3A_12 = arith.addi %scan3A_10, %scan3A_11 : i32
    %scan3A_13 = arith.constant 1 : i32
    scf.for %scan3A_80 = %scan3A_10 to %scan3A_12 step %scan3A_13  : i32 {
      %swap3A_81 = arith.index_cast %scan3A_80 : i32 to index
      %swap3A_82 = arith.constant 0 : index
      %swap3A_83 = tpu.vector_load %arg5[%swap3A_81, %swap3A_82] {strides = array<i32>} : memref<80x128xf32, #tpu.memory_space<vmem>>, vector<16xf32>,
      tpu.vector_store %arg5[%swap3A_81, %swap3A_82], %broadcast_in_dim3A_9 {strides = array<i32>} : memref<80x128xf32, #tpu.memory_space<vmem>>, vector<16xf32>,
      %swap3A_84 = arith.index_cast %scan3A_80 : i32 to index
      %swap3A_85 = arith.constant 16 : index
      %swap3A_86 = tpu.vector_load %arg5[%swap3A_84, %swap3A_85] {strides = array<i32>} : memref<80x128xf32, #tpu.memory_space<vmem>>, vector<16xf32>,
      tpu.vector_store %arg5[%swap3A_84, %swap3A_85], %broadcast_in_dim3A_9 {strides = array<i32>} : memref<80x128xf32, #tpu.memory_space<vmem>>, vector<16xf32>,
      %swap3A_87 = arith.index_cast %scan3A_80 : i32 to index
      %swap3A_88 = arith.constant 32 : index
      %swap3A_89 = tpu.vector_load %arg5[%swap3A_87, %swap3A_88] {strides = array<i32>} : memref<80x128xf32, #tpu.memory_space<vmem>>, vector<16xf32>,
      tpu.vector_store %arg5[%swap3A_87, %swap3A_88], %broadcast_in_dim3A_9 {strides = array<i32>} : memref<80x128xf32, #tpu.memory_space<vmem>>, vector<16xf32>,
      %swap3A_90 = arith.index_cast %scan3A_80 : i32 to index
      %swap3A_91 = arith.constant 48 : index
      %swap3A_92 = tpu.vector_load %arg5[%swap3A_90, %swap3A_91] {strides = array<i32>} : memref<80x128xf32, #tpu.memory_space<vmem>>, vector<16xf32>,
      tpu.vector_store %arg5[%swap3A_90, %swap3A_91], %broadcast_in_dim3A_9 {strides = array<i32>} : memref<80x128xf32, #tpu.memory_space<vmem>>, vector<16xf32>,
      %swap3A_93 = arith.index_cast %scan3A_80 : i32 to index
      %swap3A_94 = arith.constant 64 : index
      %swap3A_95 = tpu.vector_load %arg5[%swap3A_93, %swap3A_94] {strides = array<i32>} : memref<80x128xf32, #tpu.memory_space<vmem>>, vector<16xf32>,
      tpu.vector_store %arg5[%swap3A_93, %swap3A_94], %broadcast_in_dim3A_9 {strides = array<i32>} : memref<80x128xf32, #tpu.memory_space<vmem>>, vector<16xf32>,
      %swap3A_96 = arith.index_cast %scan3A_80 : i32 to index
      %swap3A_97 = arith.constant 80 : index
      %swap3A_98 = tpu.vector_load %arg5[%swap3A_96, %swap3A_97] {strides = array<i32>} : memref<80x128xf32, #tpu.memory_space<vmem>>, vector<16xf32>,
      tpu.vector_store %arg5[%swap3A_96, %swap3A_97], %broadcast_in_dim3A_9 {strides = array<i32>} : memref<80x128xf32, #tpu.memory_space<vmem>>, vector<16xf32>,
      %swap3A_99 = arith.index_cast %scan3A_80 : i32 to index
      %swap3A_100 = arith.constant 96 : index
      %swap3A_101 = tpu.vector_load %arg5[%swap3A_99, %swap3A_100] {strides = array<i32>} : memref<80x128xf32, #tpu.memory_space<vmem>>, vector<16xf32>,
      tpu.vector_store %arg5[%swap3A_99, %swap3A_100], %broadcast_in_dim3A_9 {strides = array<i32>} : memref<80x128xf32, #tpu.memory_space<vmem>>, vector<16xf32>,
      %swap3A_102 = arith.index_cast %scan3A_80 : i32 to index
      %swap3A_103 = arith.constant 112 : index
      %swap3A_104 = tpu.vector_load %arg5[%swap3A_102, %swap3A_103] {strides = array<i32>} : memref<80x128xf32, #tpu.memory_space<vmem>>, vector<16xf32>,
      tpu.vector_store %arg5[%swap3A_102, %swap3A_103], %broadcast_in_dim3A_9 {strides = array<i32>} : memref<80x128xf32, #tpu.memory_space<vmem>>, vector<16xf32>,
    }
    %scan3A_14 = arith.constant 80 : i32
    %iota3A = tpu.iota {dimensions = array<i32: 0>} : vector<16xi32>
    %add3A_15 = arith.constant 0 : i32
    %add3A_16 = vector.broadcast %add3A_15 : i32 to vector<16xi32>
    %add3A_17 = arith.addi %iota3A, %add3A_16 : vector<16xi32>
    %swap3A = arith.constant 0 : index
    %swap3A_18 = tpu.vector_load %arg6[%swap3A] {strides = array<i32>} : memref<80xi32, #tpu.memory_space<vmem>>, vector<16xi32>,
    tpu.vector_store %arg6[%swap3A], %add3A_17 {strides = array<i32>} : memref<80xi32, #tpu.memory_space<vmem>>, vector<16xi32>,
    %iota3A_19 = tpu.iota {dimensions = array<i32: 0>} : vector<16xi32>
    %add3A_20 = arith.constant 16 : i32
    %add3A_21 = vector.broadcast %add3A_20 : i32 to vector<16xi32>
    %add3A_22 = arith.addi %iota3A_19, %add3A_21 : vector<16xi32>
    %swap3A_23 = arith.constant 16 : index
    %swap3A_24 = tpu.vector_load %arg6[%swap3A_23] {strides = array<i32>} : memref<80xi32, #tpu.memory_space<vmem>>, vector<16xi32>,
    tpu.vector_store %arg6[%swap3A_23], %add3A_22 {strides = array<i32>} : memref<80xi32, #tpu.memory_space<vmem>>, vector<16xi32>,
    %iota3A_25 = tpu.iota {dimensions = array<i32: 0>} : vector<16xi32>
    %add3A_26 = arith.constant 32 : i32
    %add3A_27 = vector.broadcast %add3A_26 : i32 to vector<16xi32>
    %add3A_28 = arith.addi %iota3A_25, %add3A_27 : vector<16xi32>
    %swap3A_29 = arith.constant 32 : index
    %swap3A_30 = tpu.vector_load %arg6[%swap3A_29] {strides = array<i32>} : memref<80xi32, #tpu.memory_space<vmem>>, vector<16xi32>,
    tpu.vector_store %arg6[%swap3A_29], %add3A_28 {strides = array<i32>} : memref<80xi32, #tpu.memory_space<vmem>>, vector<16xi32>,
    %iota3A_31 = tpu.iota {dimensions = array<i32: 0>} : vector<16xi32>
    %add3A_32 = arith.constant 48 : i32
    %add3A_33 = vector.broadcast %add3A_32 : i32 to vector<16xi32>
    %add3A_34 = arith.addi %iota3A_31, %add3A_33 : vector<16xi32>
    %swap3A_35 = arith.constant 48 : index
    %swap3A_36 = tpu.vector_load %arg6[%swap3A_35] {strides = array<i32>} : memref<80xi32, #tpu.memory_space<vmem>>, vector<16xi32>,
    tpu.vector_store %arg6[%swap3A_35], %add3A_34 {strides = array<i32>} : memref<80xi32, #tpu.memory_space<vmem>>, vector<16xi32>,
    %iota3A_37 = tpu.iota {dimensions = array<i32: 0>} : vector<16xi32>
    %add3A_38 = arith.constant 64 : i32
    %add3A_39 = vector.broadcast %add3A_38 : i32 to vector<16xi32>
    %add3A_40 = arith.addi %iota3A_37, %add3A_39 : vector<16xi32>
    %swap3A_41 = arith.constant 64 : index
    %swap3A_42 = tpu.vector_load %arg6[%swap3A_41] {strides = array<i32>} : memref<80xi32, #tpu.memory_space<vmem>>, vector<16xi32>,
    tpu.vector_store %arg6[%swap3A_41], %add3A_40 {strides = array<i32>} : memref<80xi32, #tpu.memory_space<vmem>>, vector<16xi32>,
    %mul3A_43 = arith.constant 5 : i32
    %mul3A_44 = arith.muli %arg1, %mul3A_43 : i32
    %mul3A_45 = arith.constant 5 : i32
    %mul3A_46 = arith.muli %arg1, %mul3A_45 : i32
    "tpu.region"() ({
      %run_scoped3A = tpu.sem_alloc : memref<!tpu.dma_semaphore, #tpu.memory_space<semaphore_mem>>
      %dma_start3A = arith.constant 0 : i32
      %dma_start3A_80 = tpu.memref_slice %arg5[%mul3A_44, %dma_start3A] : memref<80x128xf32, #tpu.memory_space<vmem>> -> memref<5x128xf32, #tpu.memory_space<vmem>>
      %dma_start3A_81 = arith.constant 0 : i32
      %dma_start3A_82 = tpu.memref_slice %arg7[%mul3A_46, %dma_start3A_81] : memref<80x128xf32, #tpu.memory_space<vmem_shared>> -> memref<5x128xf32, #tpu.memory_space<vmem_shared>>
      %dma_start3A_83 = arith.constant 0 : i32
      %dma_start3A_84 = tpu.memref_slice %arg7[%mul3A_46, %dma_start3A_83] : memref<80x128xf32, #tpu.memory_space<vmem_shared>> -> memref<5x128xf32, #tpu.memory_space<vmem_shared>>
      %dma_start3A_85 = arith.constant 0 : i32
      %dma_start3A_86 = tpu.memref_slice %arg5[%mul3A_44, %dma_start3A_85] : memref<80x128xf32, #tpu.memory_space<vmem>> -> memref<5x128xf32, #tpu.memory_space<vmem>>
      tpu.enqueue_dma source(%dma_start3A_86 : memref<5x128xf32, #tpu.memory_space<vmem>>) target(%dma_start3A_84 : memref<5x128xf32, #tpu.memory_space<vmem_shared>>) target_semaphore(%run_scoped3A : memref<!tpu.dma_semaphore, #tpu.memory_space<semaphore_mem>>)
      %dma_wait3A = arith.constant 0 : i32
      %dma_wait3A_87 = tpu.memref_slice %arg5[%mul3A_44, %dma_wait3A] : memref<80x128xf32, #tpu.memory_space<vmem>> -> memref<5x128xf32, #tpu.memory_space<vmem>>
      %dma_wait3A_88 = arith.constant 0 : i32
      %dma_wait3A_89 = tpu.memref_slice %arg7[%mul3A_46, %dma_wait3A_88] : memref<80x128xf32, #tpu.memory_space<vmem_shared>> -> memref<5x128xf32, #tpu.memory_space<vmem_shared>>
      %dma_wait3A_90 = arith.constant 0 : i32
      %dma_wait3A_91 = tpu.memref_slice %arg7[%mul3A_46, %dma_wait3A_90] : memref<80x128xf32, #tpu.memory_space<vmem_shared>> -> memref<5x128xf32, #tpu.memory_space<vmem_shared>>
      %dma_wait3A_92 = arith.constant 0 : i32
      %dma_wait3A_93 = tpu.memref_slice %arg5[%mul3A_44, %dma_wait3A_92] : memref<80x128xf32, #tpu.memory_space<vmem>> -> memref<5x128xf32, #tpu.memory_space<vmem>>
      tpu.wait_dma2 semaphore(%run_scoped3A : memref<!tpu.dma_semaphore, #tpu.memory_space<semaphore_mem>>) src(%dma_wait3A_93 : memref<5x128xf32, #tpu.memory_space<vmem>>) dst(%dma_wait3A_91 : memref<5x128xf32, #tpu.memory_space<vmem_shared>>)
      tpu.yield
    }) : () -> ()
    %barrier3A = arith.constant 0 : index
    tpu.barrier barrier_id(%barrier3A)
    %broadcast_in_dim3A_47 = arith.constant 1.000000e+00 : f32
    %broadcast_in_dim3A_48 = vector.broadcast %broadcast_in_dim3A_47 : f32 to vector<16xf32>
    %jit3A_49 = arith.constant 40 : i32
    %div3A = arith.divsi %select_n3A, %jit3A_49 : i32
    %sign3A = arith.constant 0 : i32
    %sign3A_50 = arith.cmpi sgt, %select_n3A, %sign3A : i32
    %sign3A_51 = arith.extui %sign3A_50 : i1 to i32
    %sign3A_52 = arith.constant 0 : i32
    %sign3A_53 = arith.cmpi slt, %select_n3A, %sign3A_52 : i32
    %sign3A_54 = arith.extui %sign3A_53 : i1 to i32
    %sign3A_55 = arith.subi %sign3A_51, %sign3A_54 : i32
    %sign3A_56 = arith.constant 0 : i32
    %sign3A_57 = arith.cmpi sgt, %jit3A_49, %sign3A_56 : i32
    %sign3A_58 = arith.extui %sign3A_57 : i1 to i32
    %sign3A_59 = arith.constant 0 : i32
    %sign3A_60 = arith.cmpi slt, %jit3A_49, %sign3A_59 : i32
    %sign3A_61 = arith.extui %sign3A_60 : i1 to i32
    %sign3A_62 = arith.subi %sign3A_58, %sign3A_61 : i32
    %ne3A = arith.cmpi ne, %sign3A_55, %sign3A_62 : i32
    %rem3A = arith.remsi %select_n3A, %jit3A_49 : i32
    %ne3A_63 = arith.constant 0 : i32
    %ne3A_64 = arith.cmpi ne, %rem3A, %ne3A_63 : i32
    %and3A = arith.andi %ne3A, %ne3A_64 : i1
    %sub3A = arith.constant 1 : i32
    %sub3A_65 = arith.subi %div3A, %sub3A : i32
    %select_n3A_66 = arith.select %and3A, %sub3A_65, %div3A : i32
    %while3A = arith.constant 0 : i32
    %while3A_67 = arith.constant 0 : i32
    %while3A_68 = arith.subi %select_n3A_66, %while3A_67 : i32
    %while3A_69 = arith.addi %while3A_67, %while3A_68 : i32
    %while3A_70 = arith.constant 1 : i32
    %while3A_71 = arith.divsi %while3A_68, %while3A_70 : i32
    %while3A_72 = arith.muli %while3A_71, %while3A_70 : i32
    %while3A_73 = arith.addi %while3A_67, %while3A_72 : i32
    %while3A_74 = arith.constant 1 : i32
    scf.for %while3A_80 = %while3A_67 to %while3A_73 step %while3A_74  : i32 {
      %mul3A_81 = arith.constant 40 : i32
      %mul3A_82 = arith.muli %while3A_80, %mul3A_81 : i32
      %add3A_83 = arith.addi %multiple_of3A, %mul3A_82 : i32
      %multiple_of3A_84 = tpu.assume_multiple %add3A_83, 8 : i32
      %run_scoped3A = arith.constant 1 : i32
      "tpu.region"() ({
        %run_scoped3A_91 = tpu.sem_alloc : memref<!tpu.dma_semaphore, #tpu.memory_space<semaphore_mem>>
        %dma_start3A = arith.constant 0 : i32
        %dma_start3A_92 = tpu.memref_slice %arg2[%run_scoped3A, %multiple_of3A_84, %dma_start3A] : memref<2x2560x128xi32, #tpu.memory_space<hbm>> -> memref<1x40x128xi32, #tpu.memory_space<hbm>>
        %dma_start3A_93 = tpu.memref_squeeze %dma_start3A_92 : memref<1x40x128xi32, #tpu.memory_space<hbm>> -> memref<40x128xi32, #tpu.memory_space<hbm>>
        %dma_start3A_94 = arith.constant 0 : i32
        %dma_start3A_95 = tpu.memref_slice %arg2[%run_scoped3A, %multiple_of3A_84, %dma_start3A_94] : memref<2x2560x128xi32, #tpu.memory_space<hbm>> -> memref<1x40x128xi32, #tpu.memory_space<hbm>>
        %dma_start3A_96 = tpu.memref_squeeze %dma_start3A_95 : memref<1x40x128xi32, #tpu.memory_space<hbm>> -> memref<40x128xi32, #tpu.memory_space<hbm>>
        tpu.enqueue_dma source(%dma_start3A_96 : memref<40x128xi32, #tpu.memory_space<hbm>>) target(%arg4 : memref<40x128xi32, #tpu.memory_space<vmem>>) target_semaphore(%run_scoped3A_91 : memref<!tpu.dma_semaphore, #tpu.memory_space<semaphore_mem>>)
        %dma_wait3A = arith.constant 0 : i32
        %dma_wait3A_97 = tpu.memref_slice %arg2[%run_scoped3A, %multiple_of3A_84, %dma_wait3A] : memref<2x2560x128xi32, #tpu.memory_space<hbm>> -> memref<1x40x128xi32, #tpu.memory_space<hbm>>
        %dma_wait3A_98 = tpu.memref_squeeze %dma_wait3A_97 : memref<1x40x128xi32, #tpu.memory_space<hbm>> -> memref<40x128xi32, #tpu.memory_space<hbm>>
        %dma_wait3A_99 = arith.constant 0 : i32
        %dma_wait3A_100 = tpu.memref_slice %arg2[%run_scoped3A, %multiple_of3A_84, %dma_wait3A_99] : memref<2x2560x128xi32, #tpu.memory_space<hbm>> -> memref<1x40x128xi32, #tpu.memory_space<hbm>>
        %dma_wait3A_101 = tpu.memref_squeeze %dma_wait3A_100 : memref<1x40x128xi32, #tpu.memory_space<hbm>> -> memref<40x128xi32, #tpu.memory_space<hbm>>
        tpu.wait_dma2 semaphore(%run_scoped3A_91 : memref<!tpu.dma_semaphore, #tpu.memory_space<semaphore_mem>>) src(%dma_wait3A_101 : memref<40x128xi32, #tpu.memory_space<hbm>>) dst(%arg4 : memref<40x128xi32, #tpu.memory_space<vmem>>)
        tpu.yield
      }) : () -> ()
      %scan3A_85 = arith.constant 0 : i32
      %scan3A_86 = arith.constant 0 : i32
      %scan3A_87 = arith.constant 320 : i32
      %scan3A_88 = arith.addi %scan3A_86, %scan3A_87 : i32
      %scan3A_89 = arith.constant 1 : i32
      scf.for %scan3A_91 = %scan3A_86 to %scan3A_88 step %scan3A_89  : i32 {
        %jit3A_92 = arith.constant 8 : i32
        %div3A_93 = arith.divsi %scan3A_91, %jit3A_92 : i32
        %sign3A_94 = arith.constant 0 : i32
        %sign3A_95 = arith.cmpi sgt, %scan3A_91, %sign3A_94 : i32
        %sign3A_96 = arith.extui %sign3A_95 : i1 to i32
        %sign3A_97 = arith.constant 0 : i32
        %sign3A_98 = arith.cmpi slt, %scan3A_91, %sign3A_97 : i32
        %sign3A_99 = arith.extui %sign3A_98 : i1 to i32
        %sign3A_100 = arith.subi %sign3A_96, %sign3A_99 : i32
        %sign3A_101 = arith.constant 0 : i32
        %sign3A_102 = arith.cmpi sgt, %jit3A_92, %sign3A_101 : i32
        %sign3A_103 = arith.extui %sign3A_102 : i1 to i32
        %sign3A_104 = arith.constant 0 : i32
        %sign3A_105 = arith.cmpi slt, %jit3A_92, %sign3A_104 : i32
        %sign3A_106 = arith.extui %sign3A_105 : i1 to i32
        %sign3A_107 = arith.subi %sign3A_103, %sign3A_106 : i32
        %ne3A_108 = arith.cmpi ne, %sign3A_100, %sign3A_107 : i32
        %rem3A_109 = arith.remsi %scan3A_91, %jit3A_92 : i32
        %ne3A_110 = arith.constant 0 : i32
        %ne3A_111 = arith.cmpi ne, %rem3A_109, %ne3A_110 : i32
        %and3A_112 = arith.andi %ne3A_108, %ne3A_111 : i1
        %sub3A_113 = arith.constant 1 : i32
        %sub3A_114 = arith.subi %div3A_93, %sub3A_113 : i32
        %select_n3A_115 = arith.select %and3A_112, %sub3A_114, %div3A_93 : i32
        %jit3A_116 = arith.constant 8 : i32
        %eq3A_117 = arith.constant 0 : i32
        %eq3A_118 = arith.cmpi eq, %jit3A_116, %eq3A_117 : i32
        %jit3A_119 = arith.constant 1 : i32
        %select_n3A_120 = arith.select %eq3A_118, %jit3A_119, %jit3A_116 : i32
        %rem3A_121 = arith.remsi %scan3A_91, %select_n3A_120 : i32
        %ne3A_122 = arith.constant 0 : i32
        %ne3A_123 = arith.cmpi ne, %rem3A_121, %ne3A_122 : i32
        %lt3A = arith.constant 0 : i32
        %lt3A_124 = arith.cmpi slt, %rem3A_121, %lt3A : i32
        %lt3A_125 = arith.constant 0 : i32
        %lt3A_126 = arith.cmpi slt, %select_n3A_120, %lt3A_125 : i32
        %ne3A_127 = arith.xori %lt3A_124, %lt3A_126 : i1
        %and3A_128 = arith.andi %ne3A_127, %ne3A_123 : i1
        %add3A_129 = arith.addi %rem3A_121, %select_n3A_120 : i32
        %select_n3A_130 = arith.select %and3A_128, %add3A_129, %rem3A_121 : i32
        %mul3A_131 = arith.constant 16 : i32
        %mul3A_132 = arith.muli %select_n3A_130, %mul3A_131 : i32
        %get3A = arith.index_cast %select_n3A_115 : i32 to index
        %get3A_133 = arith.index_cast %mul3A_132 : i32 to index
        %get3A_134 = tpu.vector_load %arg4[%get3A, %get3A_133] {strides = array<i32>} : memref<40x128xi32, #tpu.memory_space<vmem>>, vector<16xi32>,
        %shift_right_arithmetic3A = arith.constant 7 : i32
        %shift_right_arithmetic3A_135 = vector.broadcast %shift_right_arithmetic3A : i32 to vector<16xi32>
        %shift_right_arithmetic3A_136 = arith.shrsi %get3A_134, %shift_right_arithmetic3A_135 : vector<16xi32>
        %and3A_137 = arith.constant 127 : i32
        %and3A_138 = vector.broadcast %and3A_137 : i32 to vector<16xi32>
        %and3A_139 = arith.andi %get3A_134, %and3A_138 : vector<16xi32>
        tpu.vector_store_idx %arg5[%shift_right_arithmetic3A_136, %and3A_139], %broadcast_in_dim3A_48 {add = true} : memref<80x128xf32, #tpu.memory_space<vmem>>[vector<16xi32>, vector<16xi32>], vector<16xf32>,
      }
      %scan3A_90 = arith.constant 320 : i32
    }
    %while3A_75 = arith.constant 1 : i32
    scf.for %while3A_80 = %while3A_73 to %while3A_69 step %while3A_75  : i32 {
      %mul3A_81 = arith.constant 40 : i32
      %mul3A_82 = arith.muli %while3A_80, %mul3A_81 : i32
      %add3A_83 = arith.addi %multiple_of3A, %mul3A_82 : i32
      %multiple_of3A_84 = tpu.assume_multiple %add3A_83, 8 : i32
      %run_scoped3A = arith.constant 1 : i32
      "tpu.region"() ({
        %run_scoped3A_91 = tpu.sem_alloc : memref<!tpu.dma_semaphore, #tpu.memory_space<semaphore_mem>>
        %dma_start3A = arith.constant 0 : i32
        %dma_start3A_92 = tpu.memref_slice %arg2[%run_scoped3A, %multiple_of3A_84, %dma_start3A] : memref<2x2560x128xi32, #tpu.memory_space<hbm>> -> memref<1x40x128xi32, #tpu.memory_space<hbm>>
        %dma_start3A_93 = tpu.memref_squeeze %dma_start3A_92 : memref<1x40x128xi32, #tpu.memory_space<hbm>> -> memref<40x128xi32, #tpu.memory_space<hbm>>
        %dma_start3A_94 = arith.constant 0 : i32
        %dma_start3A_95 = tpu.memref_slice %arg2[%run_scoped3A, %multiple_of3A_84, %dma_start3A_94] : memref<2x2560x128xi32, #tpu.memory_space<hbm>> -> memref<1x40x128xi32, #tpu.memory_space<hbm>>
        %dma_start3A_96 = tpu.memref_squeeze %dma_start3A_95 : memref<1x40x128xi32, #tpu.memory_space<hbm>> -> memref<40x128xi32, #tpu.memory_space<hbm>>
        tpu.enqueue_dma source(%dma_start3A_96 : memref<40x128xi32, #tpu.memory_space<hbm>>) target(%arg4 : memref<40x128xi32, #tpu.memory_space<vmem>>) target_semaphore(%run_scoped3A_91 : memref<!tpu.dma_semaphore, #tpu.memory_space<semaphore_mem>>)
        %dma_wait3A = arith.constant 0 : i32
        %dma_wait3A_97 = tpu.memref_slice %arg2[%run_scoped3A, %multiple_of3A_84, %dma_wait3A] : memref<2x2560x128xi32, #tpu.memory_space<hbm>> -> memref<1x40x128xi32, #tpu.memory_space<hbm>>
        %dma_wait3A_98 = tpu.memref_squeeze %dma_wait3A_97 : memref<1x40x128xi32, #tpu.memory_space<hbm>> -> memref<40x128xi32, #tpu.memory_space<hbm>>
        %dma_wait3A_99 = arith.constant 0 : i32
        %dma_wait3A_100 = tpu.memref_slice %arg2[%run_scoped3A, %multiple_of3A_84, %dma_wait3A_99] : memref<2x2560x128xi32, #tpu.memory_space<hbm>> -> memref<1x40x128xi32, #tpu.memory_space<hbm>>
        %dma_wait3A_101 = tpu.memref_squeeze %dma_wait3A_100 : memref<1x40x128xi32, #tpu.memory_space<hbm>> -> memref<40x128xi32, #tpu.memory_space<hbm>>
        tpu.wait_dma2 semaphore(%run_scoped3A_91 : memref<!tpu.dma_semaphore, #tpu.memory_space<semaphore_mem>>) src(%dma_wait3A_101 : memref<40x128xi32, #tpu.memory_space<hbm>>) dst(%arg4 : memref<40x128xi32, #tpu.memory_space<vmem>>)
        tpu.yield
      }) : () -> ()
      %scan3A_85 = arith.constant 0 : i32
      %scan3A_86 = arith.constant 0 : i32
      %scan3A_87 = arith.constant 320 : i32
      %scan3A_88 = arith.addi %scan3A_86, %scan3A_87 : i32
      %scan3A_89 = arith.constant 1 : i32
      scf.for %scan3A_91 = %scan3A_86 to %scan3A_88 step %scan3A_89  : i32 {
        %jit3A_92 = arith.constant 8 : i32
        %div3A_93 = arith.divsi %scan3A_91, %jit3A_92 : i32
        %sign3A_94 = arith.constant 0 : i32
        %sign3A_95 = arith.cmpi sgt, %scan3A_91, %sign3A_94 : i32
        %sign3A_96 = arith.extui %sign3A_95 : i1 to i32
        %sign3A_97 = arith.constant 0 : i32
        %sign3A_98 = arith.cmpi slt, %scan3A_91, %sign3A_97 : i32
        %sign3A_99 = arith.extui %sign3A_98 : i1 to i32
        %sign3A_100 = arith.subi %sign3A_96, %sign3A_99 : i32
        %sign3A_101 = arith.constant 0 : i32
        %sign3A_102 = arith.cmpi sgt, %jit3A_92, %sign3A_101 : i32
        %sign3A_103 = arith.extui %sign3A_102 : i1 to i32
        %sign3A_104 = arith.constant 0 : i32
        %sign3A_105 = arith.cmpi slt, %jit3A_92, %sign3A_104 : i32
        %sign3A_106 = arith.extui %sign3A_105 : i1 to i32
        %sign3A_107 = arith.subi %sign3A_103, %sign3A_106 : i32
        %ne3A_108 = arith.cmpi ne, %sign3A_100, %sign3A_107 : i32
        %rem3A_109 = arith.remsi %scan3A_91, %jit3A_92 : i32
        %ne3A_110 = arith.constant 0 : i32
        %ne3A_111 = arith.cmpi ne, %rem3A_109, %ne3A_110 : i32
        %and3A_112 = arith.andi %ne3A_108, %ne3A_111 : i1
        %sub3A_113 = arith.constant 1 : i32
        %sub3A_114 = arith.subi %div3A_93, %sub3A_113 : i32
        %select_n3A_115 = arith.select %and3A_112, %sub3A_114, %div3A_93 : i32
        %jit3A_116 = arith.constant 8 : i32
        %eq3A_117 = arith.constant 0 : i32
        %eq3A_118 = arith.cmpi eq, %jit3A_116, %eq3A_117 : i32
        %jit3A_119 = arith.constant 1 : i32
        %select_n3A_120 = arith.select %eq3A_118, %jit3A_119, %jit3A_116 : i32
        %rem3A_121 = arith.remsi %scan3A_91, %select_n3A_120 : i32
        %ne3A_122 = arith.constant 0 : i32
        %ne3A_123 = arith.cmpi ne, %rem3A_121, %ne3A_122 : i32
        %lt3A = arith.constant 0 : i32
        %lt3A_124 = arith.cmpi slt, %rem3A_121, %lt3A : i32
        %lt3A_125 = arith.constant 0 : i32
        %lt3A_126 = arith.cmpi slt, %select_n3A_120, %lt3A_125 : i32
        %ne3A_127 = arith.xori %lt3A_124, %lt3A_126 : i1
        %and3A_128 = arith.andi %ne3A_127, %ne3A_123 : i1
        %add3A_129 = arith.addi %rem3A_121, %select_n3A_120 : i32
        %select_n3A_130 = arith.select %and3A_128, %add3A_129, %rem3A_121 : i32
        %mul3A_131 = arith.constant 16 : i32
        %mul3A_132 = arith.muli %select_n3A_130, %mul3A_131 : i32
        %get3A = arith.index_cast %select_n3A_115 : i32 to index
        %get3A_133 = arith.index_cast %mul3A_132 : i32 to index
        %get3A_134 = tpu.vector_load %arg4[%get3A, %get3A_133] {strides = array<i32>} : memref<40x128xi32, #tpu.memory_space<vmem>>, vector<16xi32>,
        %shift_right_arithmetic3A = arith.constant 7 : i32
        %shift_right_arithmetic3A_135 = vector.broadcast %shift_right_arithmetic3A : i32 to vector<16xi32>
        %shift_right_arithmetic3A_136 = arith.shrsi %get3A_134, %shift_right_arithmetic3A_135 : vector<16xi32>
        %and3A_137 = arith.constant 127 : i32
        %and3A_138 = vector.broadcast %and3A_137 : i32 to vector<16xi32>
        %and3A_139 = arith.andi %get3A_134, %and3A_138 : vector<16xi32>
        tpu.vector_store_idx %arg5[%shift_right_arithmetic3A_136, %and3A_139], %broadcast_in_dim3A_48 {add = true} : memref<80x128xf32, #tpu.memory_space<vmem>>[vector<16xi32>, vector<16xi32>], vector<16xf32>,
      }
      %scan3A_90 = arith.constant 320 : i32
    }
    "tpu.region"() ({
      %run_scoped3A = tpu.sem_alloc : memref<!tpu.dma_semaphore, #tpu.memory_space<semaphore_mem>>
      %dma_start3A = arith.constant 0 : i32
      %dma_start3A_80 = arith.constant 0 : i32
      %dma_start3A_81 = tpu.memref_slice %arg7[%dma_start3A, %dma_start3A_80] : memref<80x128xf32, #tpu.memory_space<vmem_shared>> -> memref<80x128xf32, #tpu.memory_space<vmem_shared>>
      tpu.enqueue_indirect_dma source(%arg5 : memref<80x128xf32, #tpu.memory_space<vmem>>) target(%dma_start3A_81 : memref<80x128xf32, #tpu.memory_space<vmem_shared>>) offsets(%arg6 : memref<80xi32, #tpu.memory_space<vmem>>) semaphore(%run_scoped3A : memref<!tpu.dma_semaphore, #tpu.memory_space<semaphore_mem>>) {add = true}
      %dma_wait3A = arith.constant 0 : i32
      %dma_wait3A_82 = arith.constant 0 : i32
      %dma_wait3A_83 = tpu.memref_slice %arg7[%dma_wait3A, %dma_wait3A_82] : memref<80x128xf32, #tpu.memory_space<vmem_shared>> -> memref<80x128xf32, #tpu.memory_space<vmem_shared>>
      tpu.wait_indirect_dma semaphore(%run_scoped3A : memref<!tpu.dma_semaphore, #tpu.memory_space<semaphore_mem>>) src(%arg5 : memref<80x128xf32, #tpu.memory_space<vmem>>) dst(%dma_wait3A_83 : memref<80x128xf32, #tpu.memory_space<vmem_shared>>)
      tpu.yield
    }) : () -> ()
    %barrier3A_76 = arith.constant 0 : index
    tpu.barrier barrier_id(%barrier3A_76)
    %eq3A_77 = arith.constant 0 : i32
    %eq3A_78 = arith.cmpi eq, %arg1, %eq3A_77 : i32
    %convert_element_type3A = arith.extui %eq3A_78 : i1 to i32
    %cond3A = arith.constant 0 : i32
    %cond3A_79 = arith.cmpi ne, %convert_element_type3A, %cond3A : i32
    scf.if %cond3A_79 {
      "tpu.region"() ({
        %run_scoped3A = tpu.sem_alloc : memref<!tpu.dma_semaphore, #tpu.memory_space<semaphore_mem>>
        %dma_start3A = arith.constant 0 : i32
        %dma_start3A_80 = arith.constant 0 : i32
        %dma_start3A_81 = tpu.memref_slice %arg3[%arg0, %dma_start3A, %dma_start3A_80] : memref<2x80x128xf32, #tpu.memory_space<hbm>> -> memref<1x80x128xf32, #tpu.memory_space<hbm>>
        %dma_start3A_82 = tpu.memref_squeeze %dma_start3A_81 : memref<1x80x128xf32, #tpu.memory_space<hbm>> -> memref<80x128xf32, #tpu.memory_space<hbm>>
        tpu.enqueue_dma source(%arg7 : memref<80x128xf32, #tpu.memory_space<vmem_shared>>) target(%dma_start3A_82 : memref<80x128xf32, #tpu.memory_space<hbm>>) target_semaphore(%run_scoped3A : memref<!tpu.dma_semaphore, #tpu.memory_space<semaphore_mem>>)
        %dma_wait3A = arith.constant 0 : i32
        %dma_wait3A_83 = arith.constant 0 : i32
        %dma_wait3A_84 = tpu.memref_slice %arg3[%arg0, %dma_wait3A, %dma_wait3A_83] : memref<2x80x128xf32, #tpu.memory_space<hbm>> -> memref<1x80x128xf32, #tpu.memory_space<hbm>>
        %dma_wait3A_85 = tpu.memref_squeeze %dma_wait3A_84 : memref<1x80x128xf32, #tpu.memory_space<hbm>> -> memref<80x128xf32, #tpu.memory_space<hbm>>
        tpu.wait_dma2 semaphore(%run_scoped3A : memref<!tpu.dma_semaphore, #tpu.memory_space<semaphore_mem>>) src(%arg7 : memref<80x128xf32, #tpu.memory_space<vmem_shared>>) dst(%dma_wait3A_85 : memref<80x128xf32, #tpu.memory_space<hbm>>)
        tpu.yield
      }) : () -> ()
    } else {
    }
    return
  }
}

#map = affine_map<(d0, d1) -> (0, 0)>
#map1 = affine_map<(d0, d1) -> (0, 0, 0)>
module attributes {stable_mosaic.version = 14 : i64} {
  func.func @body(%arg0: i32, %arg1: i32, %arg2: memref<10240x128xf32, #tpu.memory_space<hbm>>, %arg3: memref<2x2560x128xi32, #tpu.memory_space<hbm>>, %arg4: memref<2x10240x128xf32, #tpu.memory_space<hbm>>, %arg5: memref<40x128xi32, #tpu.memory_space<vmem>>, %arg6: memref<40x128xi32, #tpu.memory_space<vmem>>, %arg7: memref<128x128xf32, #tpu.memory_space<vmem>>, %arg8: memref<128x128xf32, #tpu.memory_space<vmem>>, %arg9: memref<10240x128xf32, #tpu.memory_space<vmem_shared>>, %arg10: memref<!tpu.dma_semaphore, #tpu.memory_space<semaphore_mem>>, %arg11: memref<!tpu.dma_semaphore, #tpu.memory_space<semaphore_mem>>) attributes {dimension_semantics = [#tpu.dimension_semantics<core_parallel>, #tpu.dimension_semantics<subcore_parallel>], iteration_bounds = array<i64: 2, 16>, scalar_prefetch = 0 : i64, scratch_operands = 7 : i64, tpu.core_type = #tpu.core_type<sc_vector_subcore>, window_params = [{transform_indices = #map}, {transform_indices = #map1}, {transform_indices = #map1}]} {
    %eq3A = arith.constant 0 : i32
    %eq3A_0 = arith.cmpi eq, %arg0, %eq3A : i32
    %jit3A = arith.constant 80 : i32
    %jit3A_1 = arith.constant 80 : i32
    %select_n3A = arith.select %eq3A_0, %jit3A, %jit3A_1 : i32
    %eq3A_2 = arith.constant 0 : i32
    %eq3A_3 = arith.cmpi eq, %arg0, %eq3A_2 : i32
    %mul3A = arith.constant 80 : i32
    %mul3A_4 = arith.muli %arg1, %mul3A : i32
    %mul3A_5 = arith.constant 80 : i32
    %mul3A_6 = arith.muli %arg1, %mul3A_5 : i32
    %add3A = arith.constant 1280 : i32
    %add3A_7 = arith.addi %add3A, %mul3A_6 : i32
    %select_n3A_8 = arith.select %eq3A_3, %mul3A_4, %add3A_7 : i32
    %multiple_of3A = tpu.assume_multiple %select_n3A_8, 8 : i32
    %broadcast_in_dim3A = arith.constant 0.000000e+00 : f32
    %broadcast_in_dim3A_9 = vector.broadcast %broadcast_in_dim3A : f32 to vector<16xf32>
    %scan3A = arith.constant 0 : i32
    %scan3A_10 = arith.constant 0 : i32
    %scan3A_11 = arith.constant 128 : i32
    %scan3A_12 = arith.addi %scan3A_10, %scan3A_11 : i32
    %scan3A_13 = arith.constant 1 : i32
    scf.for %scan3A_53 = %scan3A_10 to %scan3A_12 step %scan3A_13  : i32 {
      %swap3A = arith.index_cast %scan3A_53 : i32 to index
      %swap3A_54 = arith.constant 0 : index
      %swap3A_55 = tpu.vector_load %arg7[%swap3A, %swap3A_54] {strides = array<i32>} : memref<128x128xf32, #tpu.memory_space<vmem>>, vector<16xf32>,
      tpu.vector_store %arg7[%swap3A, %swap3A_54], %broadcast_in_dim3A_9 {strides = array<i32>} : memref<128x128xf32, #tpu.memory_space<vmem>>, vector<16xf32>,
      %swap3A_56 = arith.index_cast %scan3A_53 : i32 to index
      %swap3A_57 = arith.constant 16 : index
      %swap3A_58 = tpu.vector_load %arg7[%swap3A_56, %swap3A_57] {strides = array<i32>} : memref<128x128xf32, #tpu.memory_space<vmem>>, vector<16xf32>,
      tpu.vector_store %arg7[%swap3A_56, %swap3A_57], %broadcast_in_dim3A_9 {strides = array<i32>} : memref<128x128xf32, #tpu.memory_space<vmem>>, vector<16xf32>,
      %swap3A_59 = arith.index_cast %scan3A_53 : i32 to index
      %swap3A_60 = arith.constant 32 : index
      %swap3A_61 = tpu.vector_load %arg7[%swap3A_59, %swap3A_60] {strides = array<i32>} : memref<128x128xf32, #tpu.memory_space<vmem>>, vector<16xf32>,
      tpu.vector_store %arg7[%swap3A_59, %swap3A_60], %broadcast_in_dim3A_9 {strides = array<i32>} : memref<128x128xf32, #tpu.memory_space<vmem>>, vector<16xf32>,
      %swap3A_62 = arith.index_cast %scan3A_53 : i32 to index
      %swap3A_63 = arith.constant 48 : index
      %swap3A_64 = tpu.vector_load %arg7[%swap3A_62, %swap3A_63] {strides = array<i32>} : memref<128x128xf32, #tpu.memory_space<vmem>>, vector<16xf32>,
      tpu.vector_store %arg7[%swap3A_62, %swap3A_63], %broadcast_in_dim3A_9 {strides = array<i32>} : memref<128x128xf32, #tpu.memory_space<vmem>>, vector<16xf32>,
      %swap3A_65 = arith.index_cast %scan3A_53 : i32 to index
      %swap3A_66 = arith.constant 64 : index
      %swap3A_67 = tpu.vector_load %arg7[%swap3A_65, %swap3A_66] {strides = array<i32>} : memref<128x128xf32, #tpu.memory_space<vmem>>, vector<16xf32>,
      tpu.vector_store %arg7[%swap3A_65, %swap3A_66], %broadcast_in_dim3A_9 {strides = array<i32>} : memref<128x128xf32, #tpu.memory_space<vmem>>, vector<16xf32>,
      %swap3A_68 = arith.index_cast %scan3A_53 : i32 to index
      %swap3A_69 = arith.constant 80 : index
      %swap3A_70 = tpu.vector_load %arg7[%swap3A_68, %swap3A_69] {strides = array<i32>} : memref<128x128xf32, #tpu.memory_space<vmem>>, vector<16xf32>,
      tpu.vector_store %arg7[%swap3A_68, %swap3A_69], %broadcast_in_dim3A_9 {strides = array<i32>} : memref<128x128xf32, #tpu.memory_space<vmem>>, vector<16xf32>,
      %swap3A_71 = arith.index_cast %scan3A_53 : i32 to index
      %swap3A_72 = arith.constant 96 : index
      %swap3A_73 = tpu.vector_load %arg7[%swap3A_71, %swap3A_72] {strides = array<i32>} : memref<128x128xf32, #tpu.memory_space<vmem>>, vector<16xf32>,
      tpu.vector_store %arg7[%swap3A_71, %swap3A_72], %broadcast_in_dim3A_9 {strides = array<i32>} : memref<128x128xf32, #tpu.memory_space<vmem>>, vector<16xf32>,
      %swap3A_74 = arith.index_cast %scan3A_53 : i32 to index
      %swap3A_75 = arith.constant 112 : index
      %swap3A_76 = tpu.vector_load %arg7[%swap3A_74, %swap3A_75] {strides = array<i32>} : memref<128x128xf32, #tpu.memory_space<vmem>>, vector<16xf32>,
      tpu.vector_store %arg7[%swap3A_74, %swap3A_75], %broadcast_in_dim3A_9 {strides = array<i32>} : memref<128x128xf32, #tpu.memory_space<vmem>>, vector<16xf32>,
    }
    %scan3A_14 = arith.constant 128 : i32
    %scan3A_15 = arith.constant 0 : i32
    %scan3A_16 = arith.constant 0 : i32
    %scan3A_17 = arith.constant 5 : i32
    %scan3A_18 = arith.addi %scan3A_16, %scan3A_17 : i32
    %scan3A_19 = arith.constant 1 : i32
    scf.for %scan3A_53 = %scan3A_16 to %scan3A_18 step %scan3A_19  : i32 {
      %mul3A_54 = arith.constant 640 : i32
      %mul3A_55 = arith.muli %arg1, %mul3A_54 : i32
      %mul3A_56 = arith.constant 128 : i32
      %mul3A_57 = arith.muli %scan3A_53, %mul3A_56 : i32
      %add3A_58 = arith.addi %mul3A_55, %mul3A_57 : i32
      "tpu.region"() ({
        %run_scoped3A = tpu.sem_alloc : memref<!tpu.dma_semaphore, #tpu.memory_space<semaphore_mem>>
        %dma_start3A = arith.constant 0 : i32
        %dma_start3A_59 = tpu.memref_slice %arg9[%add3A_58, %dma_start3A] : memref<10240x128xf32, #tpu.memory_space<vmem_shared>> -> memref<128x128xf32, #tpu.memory_space<vmem_shared>>
        %dma_start3A_60 = arith.constant 0 : i32
        %dma_start3A_61 = tpu.memref_slice %arg9[%add3A_58, %dma_start3A_60] : memref<10240x128xf32, #tpu.memory_space<vmem_shared>> -> memref<128x128xf32, #tpu.memory_space<vmem_shared>>
        tpu.enqueue_dma source(%arg7 : memref<128x128xf32, #tpu.memory_space<vmem>>) target(%dma_start3A_61 : memref<128x128xf32, #tpu.memory_space<vmem_shared>>) target_semaphore(%run_scoped3A : memref<!tpu.dma_semaphore, #tpu.memory_space<semaphore_mem>>)
        %dma_wait3A = arith.constant 0 : i32
        %dma_wait3A_62 = tpu.memref_slice %arg9[%add3A_58, %dma_wait3A] : memref<10240x128xf32, #tpu.memory_space<vmem_shared>> -> memref<128x128xf32, #tpu.memory_space<vmem_shared>>
        %dma_wait3A_63 = arith.constant 0 : i32
        %dma_wait3A_64 = tpu.memref_slice %arg9[%add3A_58, %dma_wait3A_63] : memref<10240x128xf32, #tpu.memory_space<vmem_shared>> -> memref<128x128xf32, #tpu.memory_space<vmem_shared>>
        tpu.wait_dma2 semaphore(%run_scoped3A : memref<!tpu.dma_semaphore, #tpu.memory_space<semaphore_mem>>) src(%arg7 : memref<128x128xf32, #tpu.memory_space<vmem>>) dst(%dma_wait3A_64 : memref<128x128xf32, #tpu.memory_space<vmem_shared>>)
        tpu.yield
      }) : () -> ()
    }
    %scan3A_20 = arith.constant 5 : i32
    %barrier3A = arith.constant 0 : index
    tpu.barrier barrier_id(%barrier3A)
    %jit3A_21 = arith.constant 40 : i32
    %div3A = arith.divsi %select_n3A, %jit3A_21 : i32
    %sign3A = arith.constant 0 : i32
    %sign3A_22 = arith.cmpi sgt, %select_n3A, %sign3A : i32
    %sign3A_23 = arith.extui %sign3A_22 : i1 to i32
    %sign3A_24 = arith.constant 0 : i32
    %sign3A_25 = arith.cmpi slt, %select_n3A, %sign3A_24 : i32
    %sign3A_26 = arith.extui %sign3A_25 : i1 to i32
    %sign3A_27 = arith.subi %sign3A_23, %sign3A_26 : i32
    %sign3A_28 = arith.constant 0 : i32
    %sign3A_29 = arith.cmpi sgt, %jit3A_21, %sign3A_28 : i32
    %sign3A_30 = arith.extui %sign3A_29 : i1 to i32
    %sign3A_31 = arith.constant 0 : i32
    %sign3A_32 = arith.cmpi slt, %jit3A_21, %sign3A_31 : i32
    %sign3A_33 = arith.extui %sign3A_32 : i1 to i32
    %sign3A_34 = arith.subi %sign3A_30, %sign3A_33 : i32
    %ne3A = arith.cmpi ne, %sign3A_27, %sign3A_34 : i32
    %rem3A = arith.remsi %select_n3A, %jit3A_21 : i32
    %ne3A_35 = arith.constant 0 : i32
    %ne3A_36 = arith.cmpi ne, %rem3A, %ne3A_35 : i32
    %and3A = arith.andi %ne3A, %ne3A_36 : i1
    %sub3A = arith.constant 1 : i32
    %sub3A_37 = arith.subi %div3A, %sub3A : i32
    %select_n3A_38 = arith.select %and3A, %sub3A_37, %div3A : i32
    %while3A = arith.constant 0 : i32
    %while3A_39 = arith.constant 0 : i32
    %while3A_40 = arith.subi %select_n3A_38, %while3A_39 : i32
    %while3A_41 = arith.addi %while3A_39, %while3A_40 : i32
    %while3A_42 = arith.constant 1 : i32
    %while3A_43 = arith.divsi %while3A_40, %while3A_42 : i32
    %while3A_44 = arith.muli %while3A_43, %while3A_42 : i32
    %while3A_45 = arith.addi %while3A_39, %while3A_44 : i32
    %while3A_46 = arith.constant 1 : i32
    scf.for %while3A_53 = %while3A_39 to %while3A_45 step %while3A_46  : i32 {
      %mul3A_54 = arith.constant 40 : i32
      %mul3A_55 = arith.muli %while3A_53, %mul3A_54 : i32
      %add3A_56 = arith.addi %multiple_of3A, %mul3A_55 : i32
      %multiple_of3A_57 = tpu.assume_multiple %add3A_56, 8 : i32
      %run_scoped3A = arith.constant 0 : i32
      "tpu.region"() ({
        %run_scoped3A_78 = tpu.sem_alloc : memref<!tpu.dma_semaphore, #tpu.memory_space<semaphore_mem>>
        %dma_start3A_79 = arith.constant 0 : i32
        %dma_start3A_80 = tpu.memref_slice %arg3[%run_scoped3A, %multiple_of3A_57, %dma_start3A_79] : memref<2x2560x128xi32, #tpu.memory_space<hbm>> -> memref<1x40x128xi32, #tpu.memory_space<hbm>>
        %dma_start3A_81 = tpu.memref_squeeze %dma_start3A_80 : memref<1x40x128xi32, #tpu.memory_space<hbm>> -> memref<40x128xi32, #tpu.memory_space<hbm>>
        %dma_start3A_82 = arith.constant 0 : i32
        %dma_start3A_83 = tpu.memref_slice %arg3[%run_scoped3A, %multiple_of3A_57, %dma_start3A_82] : memref<2x2560x128xi32, #tpu.memory_space<hbm>> -> memref<1x40x128xi32, #tpu.memory_space<hbm>>
        %dma_start3A_84 = tpu.memref_squeeze %dma_start3A_83 : memref<1x40x128xi32, #tpu.memory_space<hbm>> -> memref<40x128xi32, #tpu.memory_space<hbm>>
        tpu.enqueue_dma source(%dma_start3A_84 : memref<40x128xi32, #tpu.memory_space<hbm>>) target(%arg5 : memref<40x128xi32, #tpu.memory_space<vmem>>) target_semaphore(%run_scoped3A_78 : memref<!tpu.dma_semaphore, #tpu.memory_space<semaphore_mem>>)
        %dma_wait3A = arith.constant 0 : i32
        %dma_wait3A_85 = tpu.memref_slice %arg3[%run_scoped3A, %multiple_of3A_57, %dma_wait3A] : memref<2x2560x128xi32, #tpu.memory_space<hbm>> -> memref<1x40x128xi32, #tpu.memory_space<hbm>>
        %dma_wait3A_86 = tpu.memref_squeeze %dma_wait3A_85 : memref<1x40x128xi32, #tpu.memory_space<hbm>> -> memref<40x128xi32, #tpu.memory_space<hbm>>
        %dma_wait3A_87 = arith.constant 0 : i32
        %dma_wait3A_88 = tpu.memref_slice %arg3[%run_scoped3A, %multiple_of3A_57, %dma_wait3A_87] : memref<2x2560x128xi32, #tpu.memory_space<hbm>> -> memref<1x40x128xi32, #tpu.memory_space<hbm>>
        %dma_wait3A_89 = tpu.memref_squeeze %dma_wait3A_88 : memref<1x40x128xi32, #tpu.memory_space<hbm>> -> memref<40x128xi32, #tpu.memory_space<hbm>>
        tpu.wait_dma2 semaphore(%run_scoped3A_78 : memref<!tpu.dma_semaphore, #tpu.memory_space<semaphore_mem>>) src(%dma_wait3A_89 : memref<40x128xi32, #tpu.memory_space<hbm>>) dst(%arg5 : memref<40x128xi32, #tpu.memory_space<vmem>>)
        tpu.yield
      }) : () -> ()
      %run_scoped3A_58 = arith.constant 1 : i32
      "tpu.region"() ({
        %run_scoped3A_78 = tpu.sem_alloc : memref<!tpu.dma_semaphore, #tpu.memory_space<semaphore_mem>>
        %dma_start3A_79 = arith.constant 0 : i32
        %dma_start3A_80 = tpu.memref_slice %arg3[%run_scoped3A_58, %multiple_of3A_57, %dma_start3A_79] : memref<2x2560x128xi32, #tpu.memory_space<hbm>> -> memref<1x40x128xi32, #tpu.memory_space<hbm>>
        %dma_start3A_81 = tpu.memref_squeeze %dma_start3A_80 : memref<1x40x128xi32, #tpu.memory_space<hbm>> -> memref<40x128xi32, #tpu.memory_space<hbm>>
        %dma_start3A_82 = arith.constant 0 : i32
        %dma_start3A_83 = tpu.memref_slice %arg3[%run_scoped3A_58, %multiple_of3A_57, %dma_start3A_82] : memref<2x2560x128xi32, #tpu.memory_space<hbm>> -> memref<1x40x128xi32, #tpu.memory_space<hbm>>
        %dma_start3A_84 = tpu.memref_squeeze %dma_start3A_83 : memref<1x40x128xi32, #tpu.memory_space<hbm>> -> memref<40x128xi32, #tpu.memory_space<hbm>>
        tpu.enqueue_dma source(%dma_start3A_84 : memref<40x128xi32, #tpu.memory_space<hbm>>) target(%arg6 : memref<40x128xi32, #tpu.memory_space<vmem>>) target_semaphore(%run_scoped3A_78 : memref<!tpu.dma_semaphore, #tpu.memory_space<semaphore_mem>>)
        %dma_wait3A = arith.constant 0 : i32
        %dma_wait3A_85 = tpu.memref_slice %arg3[%run_scoped3A_58, %multiple_of3A_57, %dma_wait3A] : memref<2x2560x128xi32, #tpu.memory_space<hbm>> -> memref<1x40x128xi32, #tpu.memory_space<hbm>>
        %dma_wait3A_86 = tpu.memref_squeeze %dma_wait3A_85 : memref<1x40x128xi32, #tpu.memory_space<hbm>> -> memref<40x128xi32, #tpu.memory_space<hbm>>
        %dma_wait3A_87 = arith.constant 0 : i32
        %dma_wait3A_88 = tpu.memref_slice %arg3[%run_scoped3A_58, %multiple_of3A_57, %dma_wait3A_87] : memref<2x2560x128xi32, #tpu.memory_space<hbm>> -> memref<1x40x128xi32, #tpu.memory_space<hbm>>
        %dma_wait3A_89 = tpu.memref_squeeze %dma_wait3A_88 : memref<1x40x128xi32, #tpu.memory_space<hbm>> -> memref<40x128xi32, #tpu.memory_space<hbm>>
        tpu.wait_dma2 semaphore(%run_scoped3A_78 : memref<!tpu.dma_semaphore, #tpu.memory_space<semaphore_mem>>) src(%dma_wait3A_89 : memref<40x128xi32, #tpu.memory_space<hbm>>) dst(%arg6 : memref<40x128xi32, #tpu.memory_space<vmem>>)
        tpu.yield
      }) : () -> ()
      %dma_start3A = arith.constant 0 : i32
      %dma_start3A_59 = arith.constant 0 : i32
      %dma_start3A_60 = tpu.memref_slice %arg5[%dma_start3A, %dma_start3A_59] : memref<40x128xi32, #tpu.memory_space<vmem>> -> memref<1x128xi32, #tpu.memory_space<vmem>>
      %dma_start3A_61 = tpu.memref_squeeze %dma_start3A_60 : memref<1x128xi32, #tpu.memory_space<vmem>> -> memref<128xi32, #tpu.memory_space<vmem>>
      %dma_start3A_62 = arith.constant 0 : i32
      %dma_start3A_63 = arith.constant 0 : i32
      %dma_start3A_64 = tpu.memref_slice %arg2[%dma_start3A_62, %dma_start3A_63] : memref<10240x128xf32, #tpu.memory_space<hbm>> -> memref<10240x128xf32, #tpu.memory_space<hbm>>
      tpu.enqueue_indirect_dma source(%dma_start3A_64 : memref<10240x128xf32, #tpu.memory_space<hbm>>) target(%arg7 : memref<128x128xf32, #tpu.memory_space<vmem>>) offsets(%dma_start3A_61 : memref<128xi32, #tpu.memory_space<vmem>>) semaphore(%arg10 : memref<!tpu.dma_semaphore, #tpu.memory_space<semaphore_mem>>)
      %dma_start3A_65 = arith.constant 1 : i32
      %dma_start3A_66 = arith.constant 0 : i32
      %dma_start3A_67 = tpu.memref_slice %arg5[%dma_start3A_65, %dma_start3A_66] : memref<40x128xi32, #tpu.memory_space<vmem>> -> memref<1x128xi32, #tpu.memory_space<vmem>>
      %dma_start3A_68 = tpu.memref_squeeze %dma_start3A_67 : memref<1x128xi32, #tpu.memory_space<vmem>> -> memref<128xi32, #tpu.memory_space<vmem>>
      %dma_start3A_69 = arith.constant 0 : i32
      %dma_start3A_70 = arith.constant 0 : i32
      %dma_start3A_71 = tpu.memref_slice %arg2[%dma_start3A_69, %dma_start3A_70] : memref<10240x128xf32, #tpu.memory_space<hbm>> -> memref<10240x128xf32, #tpu.memory_space<hbm>>
      tpu.enqueue_indirect_dma source(%dma_start3A_71 : memref<10240x128xf32, #tpu.memory_space<hbm>>) target(%arg8 : memref<128x128xf32, #tpu.memory_space<vmem>>) offsets(%dma_start3A_68 : memref<128xi32, #tpu.memory_space<vmem>>) semaphore(%arg11 : memref<!tpu.dma_semaphore, #tpu.memory_space<semaphore_mem>>)
      %scan3A_72 = arith.constant 0 : i32
      %scan3A_73 = arith.constant 0 : i32
      %scan3A_74 = arith.constant 20 : i32
      %scan3A_75 = arith.addi %scan3A_73, %scan3A_74 : i32
      %scan3A_76 = arith.constant 1 : i32
      scf.for %scan3A_78 = %scan3A_73 to %scan3A_75 step %scan3A_76  : i32 {
        %mul3A_79 = arith.constant 2 : i32
        %mul3A_80 = arith.muli %mul3A_79, %scan3A_78 : i32
        %dma_wait3A = arith.constant 0 : i32
        %dma_wait3A_81 = arith.constant 0 : i32
        %dma_wait3A_82 = tpu.memref_slice %arg5[%dma_wait3A, %dma_wait3A_81] : memref<40x128xi32, #tpu.memory_space<vmem>> -> memref<1x128xi32, #tpu.memory_space<vmem>>
        %dma_wait3A_83 = tpu.memref_squeeze %dma_wait3A_82 : memref<1x128xi32, #tpu.memory_space<vmem>> -> memref<128xi32, #tpu.memory_space<vmem>>
        %dma_wait3A_84 = arith.constant 0 : i32
        %dma_wait3A_85 = arith.constant 0 : i32
        %dma_wait3A_86 = tpu.memref_slice %arg2[%dma_wait3A_84, %dma_wait3A_85] : memref<10240x128xf32, #tpu.memory_space<hbm>> -> memref<10240x128xf32, #tpu.memory_space<hbm>>
        tpu.wait_indirect_dma semaphore(%arg10 : memref<!tpu.dma_semaphore, #tpu.memory_space<semaphore_mem>>) src(%dma_wait3A_86 : memref<10240x128xf32, #tpu.memory_space<hbm>>) dst(%arg7 : memref<128x128xf32, #tpu.memory_space<vmem>>)
        "tpu.region"() ({
          %run_scoped3A_107 = tpu.sem_alloc : memref<!tpu.dma_semaphore, #tpu.memory_space<semaphore_mem>>
          %dma_start3A_108 = arith.constant 0 : i32
          %dma_start3A_109 = tpu.memref_slice %arg6[%mul3A_80, %dma_start3A_108] : memref<40x128xi32, #tpu.memory_space<vmem>> -> memref<1x128xi32, #tpu.memory_space<vmem>>
          %dma_start3A_110 = tpu.memref_squeeze %dma_start3A_109 : memref<1x128xi32, #tpu.memory_space<vmem>> -> memref<128xi32, #tpu.memory_space<vmem>>
          %dma_start3A_111 = arith.constant 0 : i32
          %dma_start3A_112 = arith.constant 0 : i32
          %dma_start3A_113 = tpu.memref_slice %arg9[%dma_start3A_111, %dma_start3A_112] : memref<10240x128xf32, #tpu.memory_space<vmem_shared>> -> memref<10240x128xf32, #tpu.memory_space<vmem_shared>>
          tpu.enqueue_indirect_dma source(%arg7 : memref<128x128xf32, #tpu.memory_space<vmem>>) target(%dma_start3A_113 : memref<10240x128xf32, #tpu.memory_space<vmem_shared>>) offsets(%dma_start3A_110 : memref<128xi32, #tpu.memory_space<vmem>>) semaphore(%run_scoped3A_107 : memref<!tpu.dma_semaphore, #tpu.memory_space<semaphore_mem>>) {add = true}
          %dma_wait3A_114 = arith.constant 0 : i32
          %dma_wait3A_115 = tpu.memref_slice %arg6[%mul3A_80, %dma_wait3A_114] : memref<40x128xi32, #tpu.memory_space<vmem>> -> memref<1x128xi32, #tpu.memory_space<vmem>>
          %dma_wait3A_116 = tpu.memref_squeeze %dma_wait3A_115 : memref<1x128xi32, #tpu.memory_space<vmem>> -> memref<128xi32, #tpu.memory_space<vmem>>
          %dma_wait3A_117 = arith.constant 0 : i32
          %dma_wait3A_118 = arith.constant 0 : i32
          %dma_wait3A_119 = tpu.memref_slice %arg9[%dma_wait3A_117, %dma_wait3A_118] : memref<10240x128xf32, #tpu.memory_space<vmem_shared>> -> memref<10240x128xf32, #tpu.memory_space<vmem_shared>>
          tpu.wait_indirect_dma semaphore(%run_scoped3A_107 : memref<!tpu.dma_semaphore, #tpu.memory_space<semaphore_mem>>) src(%arg7 : memref<128x128xf32, #tpu.memory_space<vmem>>) dst(%dma_wait3A_119 : memref<10240x128xf32, #tpu.memory_space<vmem_shared>>)
          tpu.yield
        }) : () -> ()
        %add3A_87 = arith.constant 2 : i32
        %add3A_88 = arith.addi %mul3A_80, %add3A_87 : i32
        %lt3A = arith.constant 40 : i32
        %lt3A_89 = arith.cmpi slt, %add3A_88, %lt3A : i32
        %convert_element_type3A = arith.extui %lt3A_89 : i1 to i32
        %cond3A = arith.constant 0 : i32
        %cond3A_90 = arith.cmpi ne, %convert_element_type3A, %cond3A : i32
        scf.if %cond3A_90 {
          %add3A_107 = arith.constant 2 : i32
          %add3A_108 = arith.addi %mul3A_80, %add3A_107 : i32
          %dma_start3A_109 = arith.constant 0 : i32
          %dma_start3A_110 = tpu.memref_slice %arg5[%add3A_108, %dma_start3A_109] : memref<40x128xi32, #tpu.memory_space<vmem>> -> memref<1x128xi32, #tpu.memory_space<vmem>>
          %dma_start3A_111 = tpu.memref_squeeze %dma_start3A_110 : memref<1x128xi32, #tpu.memory_space<vmem>> -> memref<128xi32, #tpu.memory_space<vmem>>
          %dma_start3A_112 = arith.constant 0 : i32
          %dma_start3A_113 = arith.constant 0 : i32
          %dma_start3A_114 = tpu.memref_slice %arg2[%dma_start3A_112, %dma_start3A_113] : memref<10240x128xf32, #tpu.memory_space<hbm>> -> memref<10240x128xf32, #tpu.memory_space<hbm>>
          tpu.enqueue_indirect_dma source(%dma_start3A_114 : memref<10240x128xf32, #tpu.memory_space<hbm>>) target(%arg7 : memref<128x128xf32, #tpu.memory_space<vmem>>) offsets(%dma_start3A_111 : memref<128xi32, #tpu.memory_space<vmem>>) semaphore(%arg10 : memref<!tpu.dma_semaphore, #tpu.memory_space<semaphore_mem>>)
        } else {
        }
        %dma_wait3A_91 = arith.constant 1 : i32
        %dma_wait3A_92 = arith.constant 0 : i32
        %dma_wait3A_93 = tpu.memref_slice %arg5[%dma_wait3A_91, %dma_wait3A_92] : memref<40x128xi32, #tpu.memory_space<vmem>> -> memref<1x128xi32, #tpu.memory_space<vmem>>
        %dma_wait3A_94 = tpu.memref_squeeze %dma_wait3A_93 : memref<1x128xi32, #tpu.memory_space<vmem>> -> memref<128xi32, #tpu.memory_space<vmem>>
        %dma_wait3A_95 = arith.constant 0 : i32
        %dma_wait3A_96 = arith.constant 0 : i32
        %dma_wait3A_97 = tpu.memref_slice %arg2[%dma_wait3A_95, %dma_wait3A_96] : memref<10240x128xf32, #tpu.memory_space<hbm>> -> memref<10240x128xf32, #tpu.memory_space<hbm>>
        tpu.wait_indirect_dma semaphore(%arg11 : memref<!tpu.dma_semaphore, #tpu.memory_space<semaphore_mem>>) src(%dma_wait3A_97 : memref<10240x128xf32, #tpu.memory_space<hbm>>) dst(%arg8 : memref<128x128xf32, #tpu.memory_space<vmem>>)
        %add3A_98 = arith.constant 1 : i32
        %add3A_99 = arith.addi %mul3A_80, %add3A_98 : i32
        "tpu.region"() ({
          %run_scoped3A_107 = tpu.sem_alloc : memref<!tpu.dma_semaphore, #tpu.memory_space<semaphore_mem>>
          %dma_start3A_108 = arith.constant 0 : i32
          %dma_start3A_109 = tpu.memref_slice %arg6[%add3A_99, %dma_start3A_108] : memref<40x128xi32, #tpu.memory_space<vmem>> -> memref<1x128xi32, #tpu.memory_space<vmem>>
          %dma_start3A_110 = tpu.memref_squeeze %dma_start3A_109 : memref<1x128xi32, #tpu.memory_space<vmem>> -> memref<128xi32, #tpu.memory_space<vmem>>
          %dma_start3A_111 = arith.constant 0 : i32
          %dma_start3A_112 = arith.constant 0 : i32
          %dma_start3A_113 = tpu.memref_slice %arg9[%dma_start3A_111, %dma_start3A_112] : memref<10240x128xf32, #tpu.memory_space<vmem_shared>> -> memref<10240x128xf32, #tpu.memory_space<vmem_shared>>
          tpu.enqueue_indirect_dma source(%arg8 : memref<128x128xf32, #tpu.memory_space<vmem>>) target(%dma_start3A_113 : memref<10240x128xf32, #tpu.memory_space<vmem_shared>>) offsets(%dma_start3A_110 : memref<128xi32, #tpu.memory_space<vmem>>) semaphore(%run_scoped3A_107 : memref<!tpu.dma_semaphore, #tpu.memory_space<semaphore_mem>>) {add = true}
          %dma_wait3A_114 = arith.constant 0 : i32
          %dma_wait3A_115 = tpu.memref_slice %arg6[%add3A_99, %dma_wait3A_114] : memref<40x128xi32, #tpu.memory_space<vmem>> -> memref<1x128xi32, #tpu.memory_space<vmem>>
          %dma_wait3A_116 = tpu.memref_squeeze %dma_wait3A_115 : memref<1x128xi32, #tpu.memory_space<vmem>> -> memref<128xi32, #tpu.memory_space<vmem>>
          %dma_wait3A_117 = arith.constant 0 : i32
          %dma_wait3A_118 = arith.constant 0 : i32
          %dma_wait3A_119 = tpu.memref_slice %arg9[%dma_wait3A_117, %dma_wait3A_118] : memref<10240x128xf32, #tpu.memory_space<vmem_shared>> -> memref<10240x128xf32, #tpu.memory_space<vmem_shared>>
          tpu.wait_indirect_dma semaphore(%run_scoped3A_107 : memref<!tpu.dma_semaphore, #tpu.memory_space<semaphore_mem>>) src(%arg8 : memref<128x128xf32, #tpu.memory_space<vmem>>) dst(%dma_wait3A_119 : memref<10240x128xf32, #tpu.memory_space<vmem_shared>>)
          tpu.yield
        }) : () -> ()
        %add3A_100 = arith.constant 3 : i32
        %add3A_101 = arith.addi %mul3A_80, %add3A_100 : i32
        %lt3A_102 = arith.constant 40 : i32
        %lt3A_103 = arith.cmpi slt, %add3A_101, %lt3A_102 : i32
        %convert_element_type3A_104 = arith.extui %lt3A_103 : i1 to i32
        %cond3A_105 = arith.constant 0 : i32
        %cond3A_106 = arith.cmpi ne, %convert_element_type3A_104, %cond3A_105 : i32
        scf.if %cond3A_106 {
          %add3A_107 = arith.constant 3 : i32
          %add3A_108 = arith.addi %mul3A_80, %add3A_107 : i32
          %dma_start3A_109 = arith.constant 0 : i32
          %dma_start3A_110 = tpu.memref_slice %arg5[%add3A_108, %dma_start3A_109] : memref<40x128xi32, #tpu.memory_space<vmem>> -> memref<1x128xi32, #tpu.memory_space<vmem>>
          %dma_start3A_111 = tpu.memref_squeeze %dma_start3A_110 : memref<1x128xi32, #tpu.memory_space<vmem>> -> memref<128xi32, #tpu.memory_space<vmem>>
          %dma_start3A_112 = arith.constant 0 : i32
          %dma_start3A_113 = arith.constant 0 : i32
          %dma_start3A_114 = tpu.memref_slice %arg2[%dma_start3A_112, %dma_start3A_113] : memref<10240x128xf32, #tpu.memory_space<hbm>> -> memref<10240x128xf32, #tpu.memory_space<hbm>>
          tpu.enqueue_indirect_dma source(%dma_start3A_114 : memref<10240x128xf32, #tpu.memory_space<hbm>>) target(%arg8 : memref<128x128xf32, #tpu.memory_space<vmem>>) offsets(%dma_start3A_111 : memref<128xi32, #tpu.memory_space<vmem>>) semaphore(%arg11 : memref<!tpu.dma_semaphore, #tpu.memory_space<semaphore_mem>>)
        } else {
        }
      }
      %scan3A_77 = arith.constant 20 : i32
    }
    %while3A_47 = arith.constant 1 : i32
    scf.for %while3A_53 = %while3A_45 to %while3A_41 step %while3A_47  : i32 {
      %mul3A_54 = arith.constant 40 : i32
      %mul3A_55 = arith.muli %while3A_53, %mul3A_54 : i32
      %add3A_56 = arith.addi %multiple_of3A, %mul3A_55 : i32
      %multiple_of3A_57 = tpu.assume_multiple %add3A_56, 8 : i32
      %run_scoped3A = arith.constant 0 : i32
      "tpu.region"() ({
        %run_scoped3A_78 = tpu.sem_alloc : memref<!tpu.dma_semaphore, #tpu.memory_space<semaphore_mem>>
        %dma_start3A_79 = arith.constant 0 : i32
        %dma_start3A_80 = tpu.memref_slice %arg3[%run_scoped3A, %multiple_of3A_57, %dma_start3A_79] : memref<2x2560x128xi32, #tpu.memory_space<hbm>> -> memref<1x40x128xi32, #tpu.memory_space<hbm>>
        %dma_start3A_81 = tpu.memref_squeeze %dma_start3A_80 : memref<1x40x128xi32, #tpu.memory_space<hbm>> -> memref<40x128xi32, #tpu.memory_space<hbm>>
        %dma_start3A_82 = arith.constant 0 : i32
        %dma_start3A_83 = tpu.memref_slice %arg3[%run_scoped3A, %multiple_of3A_57, %dma_start3A_82] : memref<2x2560x128xi32, #tpu.memory_space<hbm>> -> memref<1x40x128xi32, #tpu.memory_space<hbm>>
        %dma_start3A_84 = tpu.memref_squeeze %dma_start3A_83 : memref<1x40x128xi32, #tpu.memory_space<hbm>> -> memref<40x128xi32, #tpu.memory_space<hbm>>
        tpu.enqueue_dma source(%dma_start3A_84 : memref<40x128xi32, #tpu.memory_space<hbm>>) target(%arg5 : memref<40x128xi32, #tpu.memory_space<vmem>>) target_semaphore(%run_scoped3A_78 : memref<!tpu.dma_semaphore, #tpu.memory_space<semaphore_mem>>)
        %dma_wait3A = arith.constant 0 : i32
        %dma_wait3A_85 = tpu.memref_slice %arg3[%run_scoped3A, %multiple_of3A_57, %dma_wait3A] : memref<2x2560x128xi32, #tpu.memory_space<hbm>> -> memref<1x40x128xi32, #tpu.memory_space<hbm>>
        %dma_wait3A_86 = tpu.memref_squeeze %dma_wait3A_85 : memref<1x40x128xi32, #tpu.memory_space<hbm>> -> memref<40x128xi32, #tpu.memory_space<hbm>>
        %dma_wait3A_87 = arith.constant 0 : i32
        %dma_wait3A_88 = tpu.memref_slice %arg3[%run_scoped3A, %multiple_of3A_57, %dma_wait3A_87] : memref<2x2560x128xi32, #tpu.memory_space<hbm>> -> memref<1x40x128xi32, #tpu.memory_space<hbm>>
        %dma_wait3A_89 = tpu.memref_squeeze %dma_wait3A_88 : memref<1x40x128xi32, #tpu.memory_space<hbm>> -> memref<40x128xi32, #tpu.memory_space<hbm>>
        tpu.wait_dma2 semaphore(%run_scoped3A_78 : memref<!tpu.dma_semaphore, #tpu.memory_space<semaphore_mem>>) src(%dma_wait3A_89 : memref<40x128xi32, #tpu.memory_space<hbm>>) dst(%arg5 : memref<40x128xi32, #tpu.memory_space<vmem>>)
        tpu.yield
      }) : () -> ()
      %run_scoped3A_58 = arith.constant 1 : i32
      "tpu.region"() ({
        %run_scoped3A_78 = tpu.sem_alloc : memref<!tpu.dma_semaphore, #tpu.memory_space<semaphore_mem>>
        %dma_start3A_79 = arith.constant 0 : i32
        %dma_start3A_80 = tpu.memref_slice %arg3[%run_scoped3A_58, %multiple_of3A_57, %dma_start3A_79] : memref<2x2560x128xi32, #tpu.memory_space<hbm>> -> memref<1x40x128xi32, #tpu.memory_space<hbm>>
        %dma_start3A_81 = tpu.memref_squeeze %dma_start3A_80 : memref<1x40x128xi32, #tpu.memory_space<hbm>> -> memref<40x128xi32, #tpu.memory_space<hbm>>
        %dma_start3A_82 = arith.constant 0 : i32
        %dma_start3A_83 = tpu.memref_slice %arg3[%run_scoped3A_58, %multiple_of3A_57, %dma_start3A_82] : memref<2x2560x128xi32, #tpu.memory_space<hbm>> -> memref<1x40x128xi32, #tpu.memory_space<hbm>>
        %dma_start3A_84 = tpu.memref_squeeze %dma_start3A_83 : memref<1x40x128xi32, #tpu.memory_space<hbm>> -> memref<40x128xi32, #tpu.memory_space<hbm>>
        tpu.enqueue_dma source(%dma_start3A_84 : memref<40x128xi32, #tpu.memory_space<hbm>>) target(%arg6 : memref<40x128xi32, #tpu.memory_space<vmem>>) target_semaphore(%run_scoped3A_78 : memref<!tpu.dma_semaphore, #tpu.memory_space<semaphore_mem>>)
        %dma_wait3A = arith.constant 0 : i32
        %dma_wait3A_85 = tpu.memref_slice %arg3[%run_scoped3A_58, %multiple_of3A_57, %dma_wait3A] : memref<2x2560x128xi32, #tpu.memory_space<hbm>> -> memref<1x40x128xi32, #tpu.memory_space<hbm>>
        %dma_wait3A_86 = tpu.memref_squeeze %dma_wait3A_85 : memref<1x40x128xi32, #tpu.memory_space<hbm>> -> memref<40x128xi32, #tpu.memory_space<hbm>>
        %dma_wait3A_87 = arith.constant 0 : i32
        %dma_wait3A_88 = tpu.memref_slice %arg3[%run_scoped3A_58, %multiple_of3A_57, %dma_wait3A_87] : memref<2x2560x128xi32, #tpu.memory_space<hbm>> -> memref<1x40x128xi32, #tpu.memory_space<hbm>>
        %dma_wait3A_89 = tpu.memref_squeeze %dma_wait3A_88 : memref<1x40x128xi32, #tpu.memory_space<hbm>> -> memref<40x128xi32, #tpu.memory_space<hbm>>
        tpu.wait_dma2 semaphore(%run_scoped3A_78 : memref<!tpu.dma_semaphore, #tpu.memory_space<semaphore_mem>>) src(%dma_wait3A_89 : memref<40x128xi32, #tpu.memory_space<hbm>>) dst(%arg6 : memref<40x128xi32, #tpu.memory_space<vmem>>)
        tpu.yield
      }) : () -> ()
      %dma_start3A = arith.constant 0 : i32
      %dma_start3A_59 = arith.constant 0 : i32
      %dma_start3A_60 = tpu.memref_slice %arg5[%dma_start3A, %dma_start3A_59] : memref<40x128xi32, #tpu.memory_space<vmem>> -> memref<1x128xi32, #tpu.memory_space<vmem>>
      %dma_start3A_61 = tpu.memref_squeeze %dma_start3A_60 : memref<1x128xi32, #tpu.memory_space<vmem>> -> memref<128xi32, #tpu.memory_space<vmem>>
      %dma_start3A_62 = arith.constant 0 : i32
      %dma_start3A_63 = arith.constant 0 : i32
      %dma_start3A_64 = tpu.memref_slice %arg2[%dma_start3A_62, %dma_start3A_63] : memref<10240x128xf32, #tpu.memory_space<hbm>> -> memref<10240x128xf32, #tpu.memory_space<hbm>>
      tpu.enqueue_indirect_dma source(%dma_start3A_64 : memref<10240x128xf32, #tpu.memory_space<hbm>>) target(%arg7 : memref<128x128xf32, #tpu.memory_space<vmem>>) offsets(%dma_start3A_61 : memref<128xi32, #tpu.memory_space<vmem>>) semaphore(%arg10 : memref<!tpu.dma_semaphore, #tpu.memory_space<semaphore_mem>>)
      %dma_start3A_65 = arith.constant 1 : i32
      %dma_start3A_66 = arith.constant 0 : i32
      %dma_start3A_67 = tpu.memref_slice %arg5[%dma_start3A_65, %dma_start3A_66] : memref<40x128xi32, #tpu.memory_space<vmem>> -> memref<1x128xi32, #tpu.memory_space<vmem>>
      %dma_start3A_68 = tpu.memref_squeeze %dma_start3A_67 : memref<1x128xi32, #tpu.memory_space<vmem>> -> memref<128xi32, #tpu.memory_space<vmem>>
      %dma_start3A_69 = arith.constant 0 : i32
      %dma_start3A_70 = arith.constant 0 : i32
      %dma_start3A_71 = tpu.memref_slice %arg2[%dma_start3A_69, %dma_start3A_70] : memref<10240x128xf32, #tpu.memory_space<hbm>> -> memref<10240x128xf32, #tpu.memory_space<hbm>>
      tpu.enqueue_indirect_dma source(%dma_start3A_71 : memref<10240x128xf32, #tpu.memory_space<hbm>>) target(%arg8 : memref<128x128xf32, #tpu.memory_space<vmem>>) offsets(%dma_start3A_68 : memref<128xi32, #tpu.memory_space<vmem>>) semaphore(%arg11 : memref<!tpu.dma_semaphore, #tpu.memory_space<semaphore_mem>>)
      %scan3A_72 = arith.constant 0 : i32
      %scan3A_73 = arith.constant 0 : i32
      %scan3A_74 = arith.constant 20 : i32
      %scan3A_75 = arith.addi %scan3A_73, %scan3A_74 : i32
      %scan3A_76 = arith.constant 1 : i32
      scf.for %scan3A_78 = %scan3A_73 to %scan3A_75 step %scan3A_76  : i32 {
        %mul3A_79 = arith.constant 2 : i32
        %mul3A_80 = arith.muli %mul3A_79, %scan3A_78 : i32
        %dma_wait3A = arith.constant 0 : i32
        %dma_wait3A_81 = arith.constant 0 : i32
        %dma_wait3A_82 = tpu.memref_slice %arg5[%dma_wait3A, %dma_wait3A_81] : memref<40x128xi32, #tpu.memory_space<vmem>> -> memref<1x128xi32, #tpu.memory_space<vmem>>
        %dma_wait3A_83 = tpu.memref_squeeze %dma_wait3A_82 : memref<1x128xi32, #tpu.memory_space<vmem>> -> memref<128xi32, #tpu.memory_space<vmem>>
        %dma_wait3A_84 = arith.constant 0 : i32
        %dma_wait3A_85 = arith.constant 0 : i32
        %dma_wait3A_86 = tpu.memref_slice %arg2[%dma_wait3A_84, %dma_wait3A_85] : memref<10240x128xf32, #tpu.memory_space<hbm>> -> memref<10240x128xf32, #tpu.memory_space<hbm>>
        tpu.wait_indirect_dma semaphore(%arg10 : memref<!tpu.dma_semaphore, #tpu.memory_space<semaphore_mem>>) src(%dma_wait3A_86 : memref<10240x128xf32, #tpu.memory_space<hbm>>) dst(%arg7 : memref<128x128xf32, #tpu.memory_space<vmem>>)
        "tpu.region"() ({
          %run_scoped3A_107 = tpu.sem_alloc : memref<!tpu.dma_semaphore, #tpu.memory_space<semaphore_mem>>
          %dma_start3A_108 = arith.constant 0 : i32
          %dma_start3A_109 = tpu.memref_slice %arg6[%mul3A_80, %dma_start3A_108] : memref<40x128xi32, #tpu.memory_space<vmem>> -> memref<1x128xi32, #tpu.memory_space<vmem>>
          %dma_start3A_110 = tpu.memref_squeeze %dma_start3A_109 : memref<1x128xi32, #tpu.memory_space<vmem>> -> memref<128xi32, #tpu.memory_space<vmem>>
          %dma_start3A_111 = arith.constant 0 : i32
          %dma_start3A_112 = arith.constant 0 : i32
          %dma_start3A_113 = tpu.memref_slice %arg9[%dma_start3A_111, %dma_start3A_112] : memref<10240x128xf32, #tpu.memory_space<vmem_shared>> -> memref<10240x128xf32, #tpu.memory_space<vmem_shared>>
          tpu.enqueue_indirect_dma source(%arg7 : memref<128x128xf32, #tpu.memory_space<vmem>>) target(%dma_start3A_113 : memref<10240x128xf32, #tpu.memory_space<vmem_shared>>) offsets(%dma_start3A_110 : memref<128xi32, #tpu.memory_space<vmem>>) semaphore(%run_scoped3A_107 : memref<!tpu.dma_semaphore, #tpu.memory_space<semaphore_mem>>) {add = true}
          %dma_wait3A_114 = arith.constant 0 : i32
          %dma_wait3A_115 = tpu.memref_slice %arg6[%mul3A_80, %dma_wait3A_114] : memref<40x128xi32, #tpu.memory_space<vmem>> -> memref<1x128xi32, #tpu.memory_space<vmem>>
          %dma_wait3A_116 = tpu.memref_squeeze %dma_wait3A_115 : memref<1x128xi32, #tpu.memory_space<vmem>> -> memref<128xi32, #tpu.memory_space<vmem>>
          %dma_wait3A_117 = arith.constant 0 : i32
          %dma_wait3A_118 = arith.constant 0 : i32
          %dma_wait3A_119 = tpu.memref_slice %arg9[%dma_wait3A_117, %dma_wait3A_118] : memref<10240x128xf32, #tpu.memory_space<vmem_shared>> -> memref<10240x128xf32, #tpu.memory_space<vmem_shared>>
          tpu.wait_indirect_dma semaphore(%run_scoped3A_107 : memref<!tpu.dma_semaphore, #tpu.memory_space<semaphore_mem>>) src(%arg7 : memref<128x128xf32, #tpu.memory_space<vmem>>) dst(%dma_wait3A_119 : memref<10240x128xf32, #tpu.memory_space<vmem_shared>>)
          tpu.yield
        }) : () -> ()
        %add3A_87 = arith.constant 2 : i32
        %add3A_88 = arith.addi %mul3A_80, %add3A_87 : i32
        %lt3A = arith.constant 40 : i32
        %lt3A_89 = arith.cmpi slt, %add3A_88, %lt3A : i32
        %convert_element_type3A = arith.extui %lt3A_89 : i1 to i32
        %cond3A = arith.constant 0 : i32
        %cond3A_90 = arith.cmpi ne, %convert_element_type3A, %cond3A : i32
        scf.if %cond3A_90 {
          %add3A_107 = arith.constant 2 : i32
          %add3A_108 = arith.addi %mul3A_80, %add3A_107 : i32
          %dma_start3A_109 = arith.constant 0 : i32
          %dma_start3A_110 = tpu.memref_slice %arg5[%add3A_108, %dma_start3A_109] : memref<40x128xi32, #tpu.memory_space<vmem>> -> memref<1x128xi32, #tpu.memory_space<vmem>>
          %dma_start3A_111 = tpu.memref_squeeze %dma_start3A_110 : memref<1x128xi32, #tpu.memory_space<vmem>> -> memref<128xi32, #tpu.memory_space<vmem>>
          %dma_start3A_112 = arith.constant 0 : i32
          %dma_start3A_113 = arith.constant 0 : i32
          %dma_start3A_114 = tpu.memref_slice %arg2[%dma_start3A_112, %dma_start3A_113] : memref<10240x128xf32, #tpu.memory_space<hbm>> -> memref<10240x128xf32, #tpu.memory_space<hbm>>
          tpu.enqueue_indirect_dma source(%dma_start3A_114 : memref<10240x128xf32, #tpu.memory_space<hbm>>) target(%arg7 : memref<128x128xf32, #tpu.memory_space<vmem>>) offsets(%dma_start3A_111 : memref<128xi32, #tpu.memory_space<vmem>>) semaphore(%arg10 : memref<!tpu.dma_semaphore, #tpu.memory_space<semaphore_mem>>)
        } else {
        }
        %dma_wait3A_91 = arith.constant 1 : i32
        %dma_wait3A_92 = arith.constant 0 : i32
        %dma_wait3A_93 = tpu.memref_slice %arg5[%dma_wait3A_91, %dma_wait3A_92] : memref<40x128xi32, #tpu.memory_space<vmem>> -> memref<1x128xi32, #tpu.memory_space<vmem>>
        %dma_wait3A_94 = tpu.memref_squeeze %dma_wait3A_93 : memref<1x128xi32, #tpu.memory_space<vmem>> -> memref<128xi32, #tpu.memory_space<vmem>>
        %dma_wait3A_95 = arith.constant 0 : i32
        %dma_wait3A_96 = arith.constant 0 : i32
        %dma_wait3A_97 = tpu.memref_slice %arg2[%dma_wait3A_95, %dma_wait3A_96] : memref<10240x128xf32, #tpu.memory_space<hbm>> -> memref<10240x128xf32, #tpu.memory_space<hbm>>
        tpu.wait_indirect_dma semaphore(%arg11 : memref<!tpu.dma_semaphore, #tpu.memory_space<semaphore_mem>>) src(%dma_wait3A_97 : memref<10240x128xf32, #tpu.memory_space<hbm>>) dst(%arg8 : memref<128x128xf32, #tpu.memory_space<vmem>>)
        %add3A_98 = arith.constant 1 : i32
        %add3A_99 = arith.addi %mul3A_80, %add3A_98 : i32
        "tpu.region"() ({
          %run_scoped3A_107 = tpu.sem_alloc : memref<!tpu.dma_semaphore, #tpu.memory_space<semaphore_mem>>
          %dma_start3A_108 = arith.constant 0 : i32
          %dma_start3A_109 = tpu.memref_slice %arg6[%add3A_99, %dma_start3A_108] : memref<40x128xi32, #tpu.memory_space<vmem>> -> memref<1x128xi32, #tpu.memory_space<vmem>>
          %dma_start3A_110 = tpu.memref_squeeze %dma_start3A_109 : memref<1x128xi32, #tpu.memory_space<vmem>> -> memref<128xi32, #tpu.memory_space<vmem>>
          %dma_start3A_111 = arith.constant 0 : i32
          %dma_start3A_112 = arith.constant 0 : i32
          %dma_start3A_113 = tpu.memref_slice %arg9[%dma_start3A_111, %dma_start3A_112] : memref<10240x128xf32, #tpu.memory_space<vmem_shared>> -> memref<10240x128xf32, #tpu.memory_space<vmem_shared>>
          tpu.enqueue_indirect_dma source(%arg8 : memref<128x128xf32, #tpu.memory_space<vmem>>) target(%dma_start3A_113 : memref<10240x128xf32, #tpu.memory_space<vmem_shared>>) offsets(%dma_start3A_110 : memref<128xi32, #tpu.memory_space<vmem>>) semaphore(%run_scoped3A_107 : memref<!tpu.dma_semaphore, #tpu.memory_space<semaphore_mem>>) {add = true}
          %dma_wait3A_114 = arith.constant 0 : i32
          %dma_wait3A_115 = tpu.memref_slice %arg6[%add3A_99, %dma_wait3A_114] : memref<40x128xi32, #tpu.memory_space<vmem>> -> memref<1x128xi32, #tpu.memory_space<vmem>>
          %dma_wait3A_116 = tpu.memref_squeeze %dma_wait3A_115 : memref<1x128xi32, #tpu.memory_space<vmem>> -> memref<128xi32, #tpu.memory_space<vmem>>
          %dma_wait3A_117 = arith.constant 0 : i32
          %dma_wait3A_118 = arith.constant 0 : i32
          %dma_wait3A_119 = tpu.memref_slice %arg9[%dma_wait3A_117, %dma_wait3A_118] : memref<10240x128xf32, #tpu.memory_space<vmem_shared>> -> memref<10240x128xf32, #tpu.memory_space<vmem_shared>>
          tpu.wait_indirect_dma semaphore(%run_scoped3A_107 : memref<!tpu.dma_semaphore, #tpu.memory_space<semaphore_mem>>) src(%arg8 : memref<128x128xf32, #tpu.memory_space<vmem>>) dst(%dma_wait3A_119 : memref<10240x128xf32, #tpu.memory_space<vmem_shared>>)
          tpu.yield
        }) : () -> ()
        %add3A_100 = arith.constant 3 : i32
        %add3A_101 = arith.addi %mul3A_80, %add3A_100 : i32
        %lt3A_102 = arith.constant 40 : i32
        %lt3A_103 = arith.cmpi slt, %add3A_101, %lt3A_102 : i32
        %convert_element_type3A_104 = arith.extui %lt3A_103 : i1 to i32
        %cond3A_105 = arith.constant 0 : i32
        %cond3A_106 = arith.cmpi ne, %convert_element_type3A_104, %cond3A_105 : i32
        scf.if %cond3A_106 {
          %add3A_107 = arith.constant 3 : i32
          %add3A_108 = arith.addi %mul3A_80, %add3A_107 : i32
          %dma_start3A_109 = arith.constant 0 : i32
          %dma_start3A_110 = tpu.memref_slice %arg5[%add3A_108, %dma_start3A_109] : memref<40x128xi32, #tpu.memory_space<vmem>> -> memref<1x128xi32, #tpu.memory_space<vmem>>
          %dma_start3A_111 = tpu.memref_squeeze %dma_start3A_110 : memref<1x128xi32, #tpu.memory_space<vmem>> -> memref<128xi32, #tpu.memory_space<vmem>>
          %dma_start3A_112 = arith.constant 0 : i32
          %dma_start3A_113 = arith.constant 0 : i32
          %dma_start3A_114 = tpu.memref_slice %arg2[%dma_start3A_112, %dma_start3A_113] : memref<10240x128xf32, #tpu.memory_space<hbm>> -> memref<10240x128xf32, #tpu.memory_space<hbm>>
          tpu.enqueue_indirect_dma source(%dma_start3A_114 : memref<10240x128xf32, #tpu.memory_space<hbm>>) target(%arg8 : memref<128x128xf32, #tpu.memory_space<vmem>>) offsets(%dma_start3A_111 : memref<128xi32, #tpu.memory_space<vmem>>) semaphore(%arg11 : memref<!tpu.dma_semaphore, #tpu.memory_space<semaphore_mem>>)
        } else {
        }
      }
      %scan3A_77 = arith.constant 20 : i32
    }
    %barrier3A_48 = arith.constant 0 : index
    tpu.barrier barrier_id(%barrier3A_48)
    %mul3A_49 = arith.constant 640 : i32
    %mul3A_50 = arith.muli %arg1, %mul3A_49 : i32
    %mul3A_51 = arith.constant 640 : i32
    %mul3A_52 = arith.muli %arg1, %mul3A_51 : i32
    "tpu.region"() ({
      %run_scoped3A = tpu.sem_alloc : memref<!tpu.dma_semaphore, #tpu.memory_space<semaphore_mem>>
      %dma_start3A = arith.constant 0 : i32
      %dma_start3A_53 = tpu.memref_slice %arg4[%arg0, %mul3A_52, %dma_start3A] : memref<2x10240x128xf32, #tpu.memory_space<hbm>> -> memref<1x640x128xf32, #tpu.memory_space<hbm>>
      %dma_start3A_54 = tpu.memref_squeeze %dma_start3A_53 : memref<1x640x128xf32, #tpu.memory_space<hbm>> -> memref<640x128xf32, #tpu.memory_space<hbm>>
      %dma_start3A_55 = arith.constant 0 : i32
      %dma_start3A_56 = tpu.memref_slice %arg9[%mul3A_50, %dma_start3A_55] : memref<10240x128xf32, #tpu.memory_space<vmem_shared>> -> memref<640x128xf32, #tpu.memory_space<vmem_shared>>
      tpu.enqueue_dma source(%dma_start3A_56 : memref<640x128xf32, #tpu.memory_space<vmem_shared>>) target(%dma_start3A_54 : memref<640x128xf32, #tpu.memory_space<hbm>>) target_semaphore(%run_scoped3A : memref<!tpu.dma_semaphore, #tpu.memory_space<semaphore_mem>>)
      %dma_wait3A = arith.constant 0 : i32
      %dma_wait3A_57 = tpu.memref_slice %arg4[%arg0, %mul3A_52, %dma_wait3A] : memref<2x10240x128xf32, #tpu.memory_space<hbm>> -> memref<1x640x128xf32, #tpu.memory_space<hbm>>
      %dma_wait3A_58 = tpu.memref_squeeze %dma_wait3A_57 : memref<1x640x128xf32, #tpu.memory_space<hbm>> -> memref<640x128xf32, #tpu.memory_space<hbm>>
      %dma_wait3A_59 = arith.constant 0 : i32
      %dma_wait3A_60 = tpu.memref_slice %arg9[%mul3A_50, %dma_wait3A_59] : memref<10240x128xf32, #tpu.memory_space<vmem_shared>> -> memref<640x128xf32, #tpu.memory_space<vmem_shared>>
      tpu.wait_dma2 semaphore(%run_scoped3A : memref<!tpu.dma_semaphore, #tpu.memory_space<semaphore_mem>>) src(%dma_wait3A_60 : memref<640x128xf32, #tpu.memory_space<vmem_shared>>) dst(%dma_wait3A_58 : memref<640x128xf32, #tpu.memory_space<hbm>>)
      tpu.yield
    }) : () -> ()
    return
  }
}

#map = affine_map<(d0, d1) -> (0, 0)>
#map1 = affine_map<(d0, d1) -> (0, 0, 0)>
module attributes {stable_mosaic.version = 14 : i64} {
  func.func @body(%arg0: i32, %arg1: i32, %arg2: memref<10240x128xf32, #tpu.memory_space<hbm>>, %arg3: memref<2x2560x128xi32, #tpu.memory_space<hbm>>, %arg4: memref<2x10240x128xf32, #tpu.memory_space<hbm>>, %arg5: memref<40x128xi32, #tpu.memory_space<vmem>>, %arg6: memref<40x128xi32, #tpu.memory_space<vmem>>, %arg7: memref<128x128xf32, #tpu.memory_space<vmem>>, %arg8: memref<128x128xf32, #tpu.memory_space<vmem>>, %arg9: memref<10240x128xf32, #tpu.memory_space<vmem_shared>>, %arg10: memref<!tpu.dma_semaphore, #tpu.memory_space<semaphore_mem>>, %arg11: memref<!tpu.dma_semaphore, #tpu.memory_space<semaphore_mem>>) attributes {dimension_semantics = [#tpu.dimension_semantics<core_parallel>, #tpu.dimension_semantics<subcore_parallel>], iteration_bounds = array<i64: 2, 16>, scalar_prefetch = 0 : i64, scratch_operands = 7 : i64, tpu.core_type = #tpu.core_type<sc_vector_subcore>, window_params = [{transform_indices = #map}, {transform_indices = #map1}, {transform_indices = #map1}]} {
    %eq3A = arith.constant 0 : i32
    %eq3A_0 = arith.cmpi eq, %arg0, %eq3A : i32
    %jit3A = arith.constant 80 : i32
    %jit3A_1 = arith.constant 80 : i32
    %select_n3A = arith.select %eq3A_0, %jit3A, %jit3A_1 : i32
    %eq3A_2 = arith.constant 0 : i32
    %eq3A_3 = arith.cmpi eq, %arg0, %eq3A_2 : i32
    %mul3A = arith.constant 80 : i32
    %mul3A_4 = arith.muli %arg1, %mul3A : i32
    %mul3A_5 = arith.constant 80 : i32
    %mul3A_6 = arith.muli %arg1, %mul3A_5 : i32
    %add3A = arith.constant 1280 : i32
    %add3A_7 = arith.addi %add3A, %mul3A_6 : i32
    %select_n3A_8 = arith.select %eq3A_3, %mul3A_4, %add3A_7 : i32
    %multiple_of3A = tpu.assume_multiple %select_n3A_8, 8 : i32
    %broadcast_in_dim3A = arith.constant 0.000000e+00 : f32
    %broadcast_in_dim3A_9 = vector.broadcast %broadcast_in_dim3A : f32 to vector<16xf32>
    %scan3A = arith.constant 0 : i32
    %scan3A_10 = arith.constant 0 : i32
    %scan3A_11 = arith.constant 128 : i32
    %scan3A_12 = arith.addi %scan3A_10, %scan3A_11 : i32
    %scan3A_13 = arith.constant 1 : i32
    scf.for %scan3A_53 = %scan3A_10 to %scan3A_12 step %scan3A_13  : i32 {
      %swap3A = arith.index_cast %scan3A_53 : i32 to index
      %swap3A_54 = arith.constant 0 : index
      %swap3A_55 = tpu.vector_load %arg7[%swap3A, %swap3A_54] {strides = array<i32>} : memref<128x128xf32, #tpu.memory_space<vmem>>, vector<16xf32>,
      tpu.vector_store %arg7[%swap3A, %swap3A_54], %broadcast_in_dim3A_9 {strides = array<i32>} : memref<128x128xf32, #tpu.memory_space<vmem>>, vector<16xf32>,
      %swap3A_56 = arith.index_cast %scan3A_53 : i32 to index
      %swap3A_57 = arith.constant 16 : index
      %swap3A_58 = tpu.vector_load %arg7[%swap3A_56, %swap3A_57] {strides = array<i32>} : memref<128x128xf32, #tpu.memory_space<vmem>>, vector<16xf32>,
      tpu.vector_store %arg7[%swap3A_56, %swap3A_57], %broadcast_in_dim3A_9 {strides = array<i32>} : memref<128x128xf32, #tpu.memory_space<vmem>>, vector<16xf32>,
      %swap3A_59 = arith.index_cast %scan3A_53 : i32 to index
      %swap3A_60 = arith.constant 32 : index
      %swap3A_61 = tpu.vector_load %arg7[%swap3A_59, %swap3A_60] {strides = array<i32>} : memref<128x128xf32, #tpu.memory_space<vmem>>, vector<16xf32>,
      tpu.vector_store %arg7[%swap3A_59, %swap3A_60], %broadcast_in_dim3A_9 {strides = array<i32>} : memref<128x128xf32, #tpu.memory_space<vmem>>, vector<16xf32>,
      %swap3A_62 = arith.index_cast %scan3A_53 : i32 to index
      %swap3A_63 = arith.constant 48 : index
      %swap3A_64 = tpu.vector_load %arg7[%swap3A_62, %swap3A_63] {strides = array<i32>} : memref<128x128xf32, #tpu.memory_space<vmem>>, vector<16xf32>,
      tpu.vector_store %arg7[%swap3A_62, %swap3A_63], %broadcast_in_dim3A_9 {strides = array<i32>} : memref<128x128xf32, #tpu.memory_space<vmem>>, vector<16xf32>,
      %swap3A_65 = arith.index_cast %scan3A_53 : i32 to index
      %swap3A_66 = arith.constant 64 : index
      %swap3A_67 = tpu.vector_load %arg7[%swap3A_65, %swap3A_66] {strides = array<i32>} : memref<128x128xf32, #tpu.memory_space<vmem>>, vector<16xf32>,
      tpu.vector_store %arg7[%swap3A_65, %swap3A_66], %broadcast_in_dim3A_9 {strides = array<i32>} : memref<128x128xf32, #tpu.memory_space<vmem>>, vector<16xf32>,
      %swap3A_68 = arith.index_cast %scan3A_53 : i32 to index
      %swap3A_69 = arith.constant 80 : index
      %swap3A_70 = tpu.vector_load %arg7[%swap3A_68, %swap3A_69] {strides = array<i32>} : memref<128x128xf32, #tpu.memory_space<vmem>>, vector<16xf32>,
      tpu.vector_store %arg7[%swap3A_68, %swap3A_69], %broadcast_in_dim3A_9 {strides = array<i32>} : memref<128x128xf32, #tpu.memory_space<vmem>>, vector<16xf32>,
      %swap3A_71 = arith.index_cast %scan3A_53 : i32 to index
      %swap3A_72 = arith.constant 96 : index
      %swap3A_73 = tpu.vector_load %arg7[%swap3A_71, %swap3A_72] {strides = array<i32>} : memref<128x128xf32, #tpu.memory_space<vmem>>, vector<16xf32>,
      tpu.vector_store %arg7[%swap3A_71, %swap3A_72], %broadcast_in_dim3A_9 {strides = array<i32>} : memref<128x128xf32, #tpu.memory_space<vmem>>, vector<16xf32>,
      %swap3A_74 = arith.index_cast %scan3A_53 : i32 to index
      %swap3A_75 = arith.constant 112 : index
      %swap3A_76 = tpu.vector_load %arg7[%swap3A_74, %swap3A_75] {strides = array<i32>} : memref<128x128xf32, #tpu.memory_space<vmem>>, vector<16xf32>,
      tpu.vector_store %arg7[%swap3A_74, %swap3A_75], %broadcast_in_dim3A_9 {strides = array<i32>} : memref<128x128xf32, #tpu.memory_space<vmem>>, vector<16xf32>,
    }
    %scan3A_14 = arith.constant 128 : i32
    %scan3A_15 = arith.constant 0 : i32
    %scan3A_16 = arith.constant 0 : i32
    %scan3A_17 = arith.constant 5 : i32
    %scan3A_18 = arith.addi %scan3A_16, %scan3A_17 : i32
    %scan3A_19 = arith.constant 1 : i32
    scf.for %scan3A_53 = %scan3A_16 to %scan3A_18 step %scan3A_19  : i32 {
      %mul3A_54 = arith.constant 640 : i32
      %mul3A_55 = arith.muli %arg1, %mul3A_54 : i32
      %mul3A_56 = arith.constant 128 : i32
      %mul3A_57 = arith.muli %scan3A_53, %mul3A_56 : i32
      %add3A_58 = arith.addi %mul3A_55, %mul3A_57 : i32
      "tpu.region"() ({
        %run_scoped3A = tpu.sem_alloc : memref<!tpu.dma_semaphore, #tpu.memory_space<semaphore_mem>>
        %dma_start3A = arith.constant 0 : i32
        %dma_start3A_59 = tpu.memref_slice %arg9[%add3A_58, %dma_start3A] : memref<10240x128xf32, #tpu.memory_space<vmem_shared>> -> memref<128x128xf32, #tpu.memory_space<vmem_shared>>
        %dma_start3A_60 = arith.constant 0 : i32
        %dma_start3A_61 = tpu.memref_slice %arg9[%add3A_58, %dma_start3A_60] : memref<10240x128xf32, #tpu.memory_space<vmem_shared>> -> memref<128x128xf32, #tpu.memory_space<vmem_shared>>
        tpu.enqueue_dma source(%arg7 : memref<128x128xf32, #tpu.memory_space<vmem>>) target(%dma_start3A_61 : memref<128x128xf32, #tpu.memory_space<vmem_shared>>) target_semaphore(%run_scoped3A : memref<!tpu.dma_semaphore, #tpu.memory_space<semaphore_mem>>)
        %dma_wait3A = arith.constant 0 : i32
        %dma_wait3A_62 = tpu.memref_slice %arg9[%add3A_58, %dma_wait3A] : memref<10240x128xf32, #tpu.memory_space<vmem_shared>> -> memref<128x128xf32, #tpu.memory_space<vmem_shared>>
        %dma_wait3A_63 = arith.constant 0 : i32
        %dma_wait3A_64 = tpu.memref_slice %arg9[%add3A_58, %dma_wait3A_63] : memref<10240x128xf32, #tpu.memory_space<vmem_shared>> -> memref<128x128xf32, #tpu.memory_space<vmem_shared>>
        tpu.wait_dma2 semaphore(%run_scoped3A : memref<!tpu.dma_semaphore, #tpu.memory_space<semaphore_mem>>) src(%arg7 : memref<128x128xf32, #tpu.memory_space<vmem>>) dst(%dma_wait3A_64 : memref<128x128xf32, #tpu.memory_space<vmem_shared>>)
        tpu.yield
      }) : () -> ()
    }
    %scan3A_20 = arith.constant 5 : i32
    %barrier3A = arith.constant 0 : index
    tpu.barrier barrier_id(%barrier3A)
    %jit3A_21 = arith.constant 40 : i32
    %div3A = arith.divsi %select_n3A, %jit3A_21 : i32
    %sign3A = arith.constant 0 : i32
    %sign3A_22 = arith.cmpi sgt, %select_n3A, %sign3A : i32
    %sign3A_23 = arith.extui %sign3A_22 : i1 to i32
    %sign3A_24 = arith.constant 0 : i32
    %sign3A_25 = arith.cmpi slt, %select_n3A, %sign3A_24 : i32
    %sign3A_26 = arith.extui %sign3A_25 : i1 to i32
    %sign3A_27 = arith.subi %sign3A_23, %sign3A_26 : i32
    %sign3A_28 = arith.constant 0 : i32
    %sign3A_29 = arith.cmpi sgt, %jit3A_21, %sign3A_28 : i32
    %sign3A_30 = arith.extui %sign3A_29 : i1 to i32
    %sign3A_31 = arith.constant 0 : i32
    %sign3A_32 = arith.cmpi slt, %jit3A_21, %sign3A_31 : i32
    %sign3A_33 = arith.extui %sign3A_32 : i1 to i32
    %sign3A_34 = arith.subi %sign3A_30, %sign3A_33 : i32
    %ne3A = arith.cmpi ne, %sign3A_27, %sign3A_34 : i32
    %rem3A = arith.remsi %select_n3A, %jit3A_21 : i32
    %ne3A_35 = arith.constant 0 : i32
    %ne3A_36 = arith.cmpi ne, %rem3A, %ne3A_35 : i32
    %and3A = arith.andi %ne3A, %ne3A_36 : i1
    %sub3A = arith.constant 1 : i32
    %sub3A_37 = arith.subi %div3A, %sub3A : i32
    %select_n3A_38 = arith.select %and3A, %sub3A_37, %div3A : i32
    %while3A = arith.constant 0 : i32
    %while3A_39 = arith.constant 0 : i32
    %while3A_40 = arith.subi %select_n3A_38, %while3A_39 : i32
    %while3A_41 = arith.addi %while3A_39, %while3A_40 : i32
    %while3A_42 = arith.constant 1 : i32
    %while3A_43 = arith.divsi %while3A_40, %while3A_42 : i32
    %while3A_44 = arith.muli %while3A_43, %while3A_42 : i32
    %while3A_45 = arith.addi %while3A_39, %while3A_44 : i32
    %while3A_46 = arith.constant 1 : i32
    scf.for %while3A_53 = %while3A_39 to %while3A_45 step %while3A_46  : i32 {
      %mul3A_54 = arith.constant 40 : i32
      %mul3A_55 = arith.muli %while3A_53, %mul3A_54 : i32
      %add3A_56 = arith.addi %multiple_of3A, %mul3A_55 : i32
      %multiple_of3A_57 = tpu.assume_multiple %add3A_56, 8 : i32
      %run_scoped3A = arith.constant 0 : i32
      "tpu.region"() ({
        %run_scoped3A_78 = tpu.sem_alloc : memref<!tpu.dma_semaphore, #tpu.memory_space<semaphore_mem>>
        %dma_start3A_79 = arith.constant 0 : i32
        %dma_start3A_80 = tpu.memref_slice %arg3[%run_scoped3A, %multiple_of3A_57, %dma_start3A_79] : memref<2x2560x128xi32, #tpu.memory_space<hbm>> -> memref<1x40x128xi32, #tpu.memory_space<hbm>>
        %dma_start3A_81 = tpu.memref_squeeze %dma_start3A_80 : memref<1x40x128xi32, #tpu.memory_space<hbm>> -> memref<40x128xi32, #tpu.memory_space<hbm>>
        %dma_start3A_82 = arith.constant 0 : i32
        %dma_start3A_83 = tpu.memref_slice %arg3[%run_scoped3A, %multiple_of3A_57, %dma_start3A_82] : memref<2x2560x128xi32, #tpu.memory_space<hbm>> -> memref<1x40x128xi32, #tpu.memory_space<hbm>>
        %dma_start3A_84 = tpu.memref_squeeze %dma_start3A_83 : memref<1x40x128xi32, #tpu.memory_space<hbm>> -> memref<40x128xi32, #tpu.memory_space<hbm>>
        tpu.enqueue_dma source(%dma_start3A_84 : memref<40x128xi32, #tpu.memory_space<hbm>>) target(%arg5 : memref<40x128xi32, #tpu.memory_space<vmem>>) target_semaphore(%run_scoped3A_78 : memref<!tpu.dma_semaphore, #tpu.memory_space<semaphore_mem>>)
        %dma_wait3A = arith.constant 0 : i32
        %dma_wait3A_85 = tpu.memref_slice %arg3[%run_scoped3A, %multiple_of3A_57, %dma_wait3A] : memref<2x2560x128xi32, #tpu.memory_space<hbm>> -> memref<1x40x128xi32, #tpu.memory_space<hbm>>
        %dma_wait3A_86 = tpu.memref_squeeze %dma_wait3A_85 : memref<1x40x128xi32, #tpu.memory_space<hbm>> -> memref<40x128xi32, #tpu.memory_space<hbm>>
        %dma_wait3A_87 = arith.constant 0 : i32
        %dma_wait3A_88 = tpu.memref_slice %arg3[%run_scoped3A, %multiple_of3A_57, %dma_wait3A_87] : memref<2x2560x128xi32, #tpu.memory_space<hbm>> -> memref<1x40x128xi32, #tpu.memory_space<hbm>>
        %dma_wait3A_89 = tpu.memref_squeeze %dma_wait3A_88 : memref<1x40x128xi32, #tpu.memory_space<hbm>> -> memref<40x128xi32, #tpu.memory_space<hbm>>
        tpu.wait_dma2 semaphore(%run_scoped3A_78 : memref<!tpu.dma_semaphore, #tpu.memory_space<semaphore_mem>>) src(%dma_wait3A_89 : memref<40x128xi32, #tpu.memory_space<hbm>>) dst(%arg5 : memref<40x128xi32, #tpu.memory_space<vmem>>)
        tpu.yield
      }) : () -> ()
      %run_scoped3A_58 = arith.constant 1 : i32
      "tpu.region"() ({
        %run_scoped3A_78 = tpu.sem_alloc : memref<!tpu.dma_semaphore, #tpu.memory_space<semaphore_mem>>
        %dma_start3A_79 = arith.constant 0 : i32
        %dma_start3A_80 = tpu.memref_slice %arg3[%run_scoped3A_58, %multiple_of3A_57, %dma_start3A_79] : memref<2x2560x128xi32, #tpu.memory_space<hbm>> -> memref<1x40x128xi32, #tpu.memory_space<hbm>>
        %dma_start3A_81 = tpu.memref_squeeze %dma_start3A_80 : memref<1x40x128xi32, #tpu.memory_space<hbm>> -> memref<40x128xi32, #tpu.memory_space<hbm>>
        %dma_start3A_82 = arith.constant 0 : i32
        %dma_start3A_83 = tpu.memref_slice %arg3[%run_scoped3A_58, %multiple_of3A_57, %dma_start3A_82] : memref<2x2560x128xi32, #tpu.memory_space<hbm>> -> memref<1x40x128xi32, #tpu.memory_space<hbm>>
        %dma_start3A_84 = tpu.memref_squeeze %dma_start3A_83 : memref<1x40x128xi32, #tpu.memory_space<hbm>> -> memref<40x128xi32, #tpu.memory_space<hbm>>
        tpu.enqueue_dma source(%dma_start3A_84 : memref<40x128xi32, #tpu.memory_space<hbm>>) target(%arg6 : memref<40x128xi32, #tpu.memory_space<vmem>>) target_semaphore(%run_scoped3A_78 : memref<!tpu.dma_semaphore, #tpu.memory_space<semaphore_mem>>)
        %dma_wait3A = arith.constant 0 : i32
        %dma_wait3A_85 = tpu.memref_slice %arg3[%run_scoped3A_58, %multiple_of3A_57, %dma_wait3A] : memref<2x2560x128xi32, #tpu.memory_space<hbm>> -> memref<1x40x128xi32, #tpu.memory_space<hbm>>
        %dma_wait3A_86 = tpu.memref_squeeze %dma_wait3A_85 : memref<1x40x128xi32, #tpu.memory_space<hbm>> -> memref<40x128xi32, #tpu.memory_space<hbm>>
        %dma_wait3A_87 = arith.constant 0 : i32
        %dma_wait3A_88 = tpu.memref_slice %arg3[%run_scoped3A_58, %multiple_of3A_57, %dma_wait3A_87] : memref<2x2560x128xi32, #tpu.memory_space<hbm>> -> memref<1x40x128xi32, #tpu.memory_space<hbm>>
        %dma_wait3A_89 = tpu.memref_squeeze %dma_wait3A_88 : memref<1x40x128xi32, #tpu.memory_space<hbm>> -> memref<40x128xi32, #tpu.memory_space<hbm>>
        tpu.wait_dma2 semaphore(%run_scoped3A_78 : memref<!tpu.dma_semaphore, #tpu.memory_space<semaphore_mem>>) src(%dma_wait3A_89 : memref<40x128xi32, #tpu.memory_space<hbm>>) dst(%arg6 : memref<40x128xi32, #tpu.memory_space<vmem>>)
        tpu.yield
      }) : () -> ()
      %dma_start3A = arith.constant 0 : i32
      %dma_start3A_59 = arith.constant 0 : i32
      %dma_start3A_60 = tpu.memref_slice %arg5[%dma_start3A, %dma_start3A_59] : memref<40x128xi32, #tpu.memory_space<vmem>> -> memref<1x128xi32, #tpu.memory_space<vmem>>
      %dma_start3A_61 = tpu.memref_squeeze %dma_start3A_60 : memref<1x128xi32, #tpu.memory_space<vmem>> -> memref<128xi32, #tpu.memory_space<vmem>>
      %dma_start3A_62 = arith.constant 0 : i32
      %dma_start3A_63 = arith.constant 0 : i32
      %dma_start3A_64 = tpu.memref_slice %arg2[%dma_start3A_62, %dma_start3A_63] : memref<10240x128xf32, #tpu.memory_space<hbm>> -> memref<10240x128xf32, #tpu.memory_space<hbm>>
      tpu.enqueue_indirect_dma source(%dma_start3A_64 : memref<10240x128xf32, #tpu.memory_space<hbm>>) target(%arg7 : memref<128x128xf32, #tpu.memory_space<vmem>>) offsets(%dma_start3A_61 : memref<128xi32, #tpu.memory_space<vmem>>) semaphore(%arg10 : memref<!tpu.dma_semaphore, #tpu.memory_space<semaphore_mem>>)
      %dma_start3A_65 = arith.constant 1 : i32
      %dma_start3A_66 = arith.constant 0 : i32
      %dma_start3A_67 = tpu.memref_slice %arg5[%dma_start3A_65, %dma_start3A_66] : memref<40x128xi32, #tpu.memory_space<vmem>> -> memref<1x128xi32, #tpu.memory_space<vmem>>
      %dma_start3A_68 = tpu.memref_squeeze %dma_start3A_67 : memref<1x128xi32, #tpu.memory_space<vmem>> -> memref<128xi32, #tpu.memory_space<vmem>>
      %dma_start3A_69 = arith.constant 0 : i32
      %dma_start3A_70 = arith.constant 0 : i32
      %dma_start3A_71 = tpu.memref_slice %arg2[%dma_start3A_69, %dma_start3A_70] : memref<10240x128xf32, #tpu.memory_space<hbm>> -> memref<10240x128xf32, #tpu.memory_space<hbm>>
      tpu.enqueue_indirect_dma source(%dma_start3A_71 : memref<10240x128xf32, #tpu.memory_space<hbm>>) target(%arg8 : memref<128x128xf32, #tpu.memory_space<vmem>>) offsets(%dma_start3A_68 : memref<128xi32, #tpu.memory_space<vmem>>) semaphore(%arg11 : memref<!tpu.dma_semaphore, #tpu.memory_space<semaphore_mem>>)
      %scan3A_72 = arith.constant 0 : i32
      %scan3A_73 = arith.constant 0 : i32
      %scan3A_74 = arith.constant 20 : i32
      %scan3A_75 = arith.addi %scan3A_73, %scan3A_74 : i32
      %scan3A_76 = arith.constant 1 : i32
      scf.for %scan3A_78 = %scan3A_73 to %scan3A_75 step %scan3A_76  : i32 {
        %mul3A_79 = arith.constant 2 : i32
        %mul3A_80 = arith.muli %mul3A_79, %scan3A_78 : i32
        %dma_wait3A = arith.constant 0 : i32
        %dma_wait3A_81 = arith.constant 0 : i32
        %dma_wait3A_82 = tpu.memref_slice %arg5[%dma_wait3A, %dma_wait3A_81] : memref<40x128xi32, #tpu.memory_space<vmem>> -> memref<1x128xi32, #tpu.memory_space<vmem>>
        %dma_wait3A_83 = tpu.memref_squeeze %dma_wait3A_82 : memref<1x128xi32, #tpu.memory_space<vmem>> -> memref<128xi32, #tpu.memory_space<vmem>>
        %dma_wait3A_84 = arith.constant 0 : i32
        %dma_wait3A_85 = arith.constant 0 : i32
        %dma_wait3A_86 = tpu.memref_slice %arg2[%dma_wait3A_84, %dma_wait3A_85] : memref<10240x128xf32, #tpu.memory_space<hbm>> -> memref<10240x128xf32, #tpu.memory_space<hbm>>
        tpu.wait_indirect_dma semaphore(%arg10 : memref<!tpu.dma_semaphore, #tpu.memory_space<semaphore_mem>>) src(%dma_wait3A_86 : memref<10240x128xf32, #tpu.memory_space<hbm>>) dst(%arg7 : memref<128x128xf32, #tpu.memory_space<vmem>>)
        "tpu.region"() ({
          %run_scoped3A_107 = tpu.sem_alloc : memref<!tpu.dma_semaphore, #tpu.memory_space<semaphore_mem>>
          %dma_start3A_108 = arith.constant 0 : i32
          %dma_start3A_109 = tpu.memref_slice %arg6[%mul3A_80, %dma_start3A_108] : memref<40x128xi32, #tpu.memory_space<vmem>> -> memref<1x128xi32, #tpu.memory_space<vmem>>
          %dma_start3A_110 = tpu.memref_squeeze %dma_start3A_109 : memref<1x128xi32, #tpu.memory_space<vmem>> -> memref<128xi32, #tpu.memory_space<vmem>>
          %dma_start3A_111 = arith.constant 0 : i32
          %dma_start3A_112 = arith.constant 0 : i32
          %dma_start3A_113 = tpu.memref_slice %arg9[%dma_start3A_111, %dma_start3A_112] : memref<10240x128xf32, #tpu.memory_space<vmem_shared>> -> memref<10240x128xf32, #tpu.memory_space<vmem_shared>>
          tpu.enqueue_indirect_dma source(%arg7 : memref<128x128xf32, #tpu.memory_space<vmem>>) target(%dma_start3A_113 : memref<10240x128xf32, #tpu.memory_space<vmem_shared>>) offsets(%dma_start3A_110 : memref<128xi32, #tpu.memory_space<vmem>>) semaphore(%run_scoped3A_107 : memref<!tpu.dma_semaphore, #tpu.memory_space<semaphore_mem>>) {add = true}
          %dma_wait3A_114 = arith.constant 0 : i32
          %dma_wait3A_115 = tpu.memref_slice %arg6[%mul3A_80, %dma_wait3A_114] : memref<40x128xi32, #tpu.memory_space<vmem>> -> memref<1x128xi32, #tpu.memory_space<vmem>>
          %dma_wait3A_116 = tpu.memref_squeeze %dma_wait3A_115 : memref<1x128xi32, #tpu.memory_space<vmem>> -> memref<128xi32, #tpu.memory_space<vmem>>
          %dma_wait3A_117 = arith.constant 0 : i32
          %dma_wait3A_118 = arith.constant 0 : i32
          %dma_wait3A_119 = tpu.memref_slice %arg9[%dma_wait3A_117, %dma_wait3A_118] : memref<10240x128xf32, #tpu.memory_space<vmem_shared>> -> memref<10240x128xf32, #tpu.memory_space<vmem_shared>>
          tpu.wait_indirect_dma semaphore(%run_scoped3A_107 : memref<!tpu.dma_semaphore, #tpu.memory_space<semaphore_mem>>) src(%arg7 : memref<128x128xf32, #tpu.memory_space<vmem>>) dst(%dma_wait3A_119 : memref<10240x128xf32, #tpu.memory_space<vmem_shared>>)
          tpu.yield
        }) : () -> ()
        %add3A_87 = arith.constant 2 : i32
        %add3A_88 = arith.addi %mul3A_80, %add3A_87 : i32
        %lt3A = arith.constant 40 : i32
        %lt3A_89 = arith.cmpi slt, %add3A_88, %lt3A : i32
        %convert_element_type3A = arith.extui %lt3A_89 : i1 to i32
        %cond3A = arith.constant 0 : i32
        %cond3A_90 = arith.cmpi ne, %convert_element_type3A, %cond3A : i32
        scf.if %cond3A_90 {
          %add3A_107 = arith.constant 2 : i32
          %add3A_108 = arith.addi %mul3A_80, %add3A_107 : i32
          %dma_start3A_109 = arith.constant 0 : i32
          %dma_start3A_110 = tpu.memref_slice %arg5[%add3A_108, %dma_start3A_109] : memref<40x128xi32, #tpu.memory_space<vmem>> -> memref<1x128xi32, #tpu.memory_space<vmem>>
          %dma_start3A_111 = tpu.memref_squeeze %dma_start3A_110 : memref<1x128xi32, #tpu.memory_space<vmem>> -> memref<128xi32, #tpu.memory_space<vmem>>
          %dma_start3A_112 = arith.constant 0 : i32
          %dma_start3A_113 = arith.constant 0 : i32
          %dma_start3A_114 = tpu.memref_slice %arg2[%dma_start3A_112, %dma_start3A_113] : memref<10240x128xf32, #tpu.memory_space<hbm>> -> memref<10240x128xf32, #tpu.memory_space<hbm>>
          tpu.enqueue_indirect_dma source(%dma_start3A_114 : memref<10240x128xf32, #tpu.memory_space<hbm>>) target(%arg7 : memref<128x128xf32, #tpu.memory_space<vmem>>) offsets(%dma_start3A_111 : memref<128xi32, #tpu.memory_space<vmem>>) semaphore(%arg10 : memref<!tpu.dma_semaphore, #tpu.memory_space<semaphore_mem>>)
        } else {
        }
        %dma_wait3A_91 = arith.constant 1 : i32
        %dma_wait3A_92 = arith.constant 0 : i32
        %dma_wait3A_93 = tpu.memref_slice %arg5[%dma_wait3A_91, %dma_wait3A_92] : memref<40x128xi32, #tpu.memory_space<vmem>> -> memref<1x128xi32, #tpu.memory_space<vmem>>
        %dma_wait3A_94 = tpu.memref_squeeze %dma_wait3A_93 : memref<1x128xi32, #tpu.memory_space<vmem>> -> memref<128xi32, #tpu.memory_space<vmem>>
        %dma_wait3A_95 = arith.constant 0 : i32
        %dma_wait3A_96 = arith.constant 0 : i32
        %dma_wait3A_97 = tpu.memref_slice %arg2[%dma_wait3A_95, %dma_wait3A_96] : memref<10240x128xf32, #tpu.memory_space<hbm>> -> memref<10240x128xf32, #tpu.memory_space<hbm>>
        tpu.wait_indirect_dma semaphore(%arg11 : memref<!tpu.dma_semaphore, #tpu.memory_space<semaphore_mem>>) src(%dma_wait3A_97 : memref<10240x128xf32, #tpu.memory_space<hbm>>) dst(%arg8 : memref<128x128xf32, #tpu.memory_space<vmem>>)
        %add3A_98 = arith.constant 1 : i32
        %add3A_99 = arith.addi %mul3A_80, %add3A_98 : i32
        "tpu.region"() ({
          %run_scoped3A_107 = tpu.sem_alloc : memref<!tpu.dma_semaphore, #tpu.memory_space<semaphore_mem>>
          %dma_start3A_108 = arith.constant 0 : i32
          %dma_start3A_109 = tpu.memref_slice %arg6[%add3A_99, %dma_start3A_108] : memref<40x128xi32, #tpu.memory_space<vmem>> -> memref<1x128xi32, #tpu.memory_space<vmem>>
          %dma_start3A_110 = tpu.memref_squeeze %dma_start3A_109 : memref<1x128xi32, #tpu.memory_space<vmem>> -> memref<128xi32, #tpu.memory_space<vmem>>
          %dma_start3A_111 = arith.constant 0 : i32
          %dma_start3A_112 = arith.constant 0 : i32
          %dma_start3A_113 = tpu.memref_slice %arg9[%dma_start3A_111, %dma_start3A_112] : memref<10240x128xf32, #tpu.memory_space<vmem_shared>> -> memref<10240x128xf32, #tpu.memory_space<vmem_shared>>
          tpu.enqueue_indirect_dma source(%arg8 : memref<128x128xf32, #tpu.memory_space<vmem>>) target(%dma_start3A_113 : memref<10240x128xf32, #tpu.memory_space<vmem_shared>>) offsets(%dma_start3A_110 : memref<128xi32, #tpu.memory_space<vmem>>) semaphore(%run_scoped3A_107 : memref<!tpu.dma_semaphore, #tpu.memory_space<semaphore_mem>>) {add = true}
          %dma_wait3A_114 = arith.constant 0 : i32
          %dma_wait3A_115 = tpu.memref_slice %arg6[%add3A_99, %dma_wait3A_114] : memref<40x128xi32, #tpu.memory_space<vmem>> -> memref<1x128xi32, #tpu.memory_space<vmem>>
          %dma_wait3A_116 = tpu.memref_squeeze %dma_wait3A_115 : memref<1x128xi32, #tpu.memory_space<vmem>> -> memref<128xi32, #tpu.memory_space<vmem>>
          %dma_wait3A_117 = arith.constant 0 : i32
          %dma_wait3A_118 = arith.constant 0 : i32
          %dma_wait3A_119 = tpu.memref_slice %arg9[%dma_wait3A_117, %dma_wait3A_118] : memref<10240x128xf32, #tpu.memory_space<vmem_shared>> -> memref<10240x128xf32, #tpu.memory_space<vmem_shared>>
          tpu.wait_indirect_dma semaphore(%run_scoped3A_107 : memref<!tpu.dma_semaphore, #tpu.memory_space<semaphore_mem>>) src(%arg8 : memref<128x128xf32, #tpu.memory_space<vmem>>) dst(%dma_wait3A_119 : memref<10240x128xf32, #tpu.memory_space<vmem_shared>>)
          tpu.yield
        }) : () -> ()
        %add3A_100 = arith.constant 3 : i32
        %add3A_101 = arith.addi %mul3A_80, %add3A_100 : i32
        %lt3A_102 = arith.constant 40 : i32
        %lt3A_103 = arith.cmpi slt, %add3A_101, %lt3A_102 : i32
        %convert_element_type3A_104 = arith.extui %lt3A_103 : i1 to i32
        %cond3A_105 = arith.constant 0 : i32
        %cond3A_106 = arith.cmpi ne, %convert_element_type3A_104, %cond3A_105 : i32
        scf.if %cond3A_106 {
          %add3A_107 = arith.constant 3 : i32
          %add3A_108 = arith.addi %mul3A_80, %add3A_107 : i32
          %dma_start3A_109 = arith.constant 0 : i32
          %dma_start3A_110 = tpu.memref_slice %arg5[%add3A_108, %dma_start3A_109] : memref<40x128xi32, #tpu.memory_space<vmem>> -> memref<1x128xi32, #tpu.memory_space<vmem>>
          %dma_start3A_111 = tpu.memref_squeeze %dma_start3A_110 : memref<1x128xi32, #tpu.memory_space<vmem>> -> memref<128xi32, #tpu.memory_space<vmem>>
          %dma_start3A_112 = arith.constant 0 : i32
          %dma_start3A_113 = arith.constant 0 : i32
          %dma_start3A_114 = tpu.memref_slice %arg2[%dma_start3A_112, %dma_start3A_113] : memref<10240x128xf32, #tpu.memory_space<hbm>> -> memref<10240x128xf32, #tpu.memory_space<hbm>>
          tpu.enqueue_indirect_dma source(%dma_start3A_114 : memref<10240x128xf32, #tpu.memory_space<hbm>>) target(%arg8 : memref<128x128xf32, #tpu.memory_space<vmem>>) offsets(%dma_start3A_111 : memref<128xi32, #tpu.memory_space<vmem>>) semaphore(%arg11 : memref<!tpu.dma_semaphore, #tpu.memory_space<semaphore_mem>>)
        } else {
        }
      }
      %scan3A_77 = arith.constant 20 : i32
    }
    %while3A_47 = arith.constant 1 : i32
    scf.for %while3A_53 = %while3A_45 to %while3A_41 step %while3A_47  : i32 {
      %mul3A_54 = arith.constant 40 : i32
      %mul3A_55 = arith.muli %while3A_53, %mul3A_54 : i32
      %add3A_56 = arith.addi %multiple_of3A, %mul3A_55 : i32
      %multiple_of3A_57 = tpu.assume_multiple %add3A_56, 8 : i32
      %run_scoped3A = arith.constant 0 : i32
      "tpu.region"() ({
        %run_scoped3A_78 = tpu.sem_alloc : memref<!tpu.dma_semaphore, #tpu.memory_space<semaphore_mem>>
        %dma_start3A_79 = arith.constant 0 : i32
        %dma_start3A_80 = tpu.memref_slice %arg3[%run_scoped3A, %multiple_of3A_57, %dma_start3A_79] : memref<2x2560x128xi32, #tpu.memory_space<hbm>> -> memref<1x40x128xi32, #tpu.memory_space<hbm>>
        %dma_start3A_81 = tpu.memref_squeeze %dma_start3A_80 : memref<1x40x128xi32, #tpu.memory_space<hbm>> -> memref<40x128xi32, #tpu.memory_space<hbm>>
        %dma_start3A_82 = arith.constant 0 : i32
        %dma_start3A_83 = tpu.memref_slice %arg3[%run_scoped3A, %multiple_of3A_57, %dma_start3A_82] : memref<2x2560x128xi32, #tpu.memory_space<hbm>> -> memref<1x40x128xi32, #tpu.memory_space<hbm>>
        %dma_start3A_84 = tpu.memref_squeeze %dma_start3A_83 : memref<1x40x128xi32, #tpu.memory_space<hbm>> -> memref<40x128xi32, #tpu.memory_space<hbm>>
        tpu.enqueue_dma source(%dma_start3A_84 : memref<40x128xi32, #tpu.memory_space<hbm>>) target(%arg5 : memref<40x128xi32, #tpu.memory_space<vmem>>) target_semaphore(%run_scoped3A_78 : memref<!tpu.dma_semaphore, #tpu.memory_space<semaphore_mem>>)
        %dma_wait3A = arith.constant 0 : i32
        %dma_wait3A_85 = tpu.memref_slice %arg3[%run_scoped3A, %multiple_of3A_57, %dma_wait3A] : memref<2x2560x128xi32, #tpu.memory_space<hbm>> -> memref<1x40x128xi32, #tpu.memory_space<hbm>>
        %dma_wait3A_86 = tpu.memref_squeeze %dma_wait3A_85 : memref<1x40x128xi32, #tpu.memory_space<hbm>> -> memref<40x128xi32, #tpu.memory_space<hbm>>
        %dma_wait3A_87 = arith.constant 0 : i32
        %dma_wait3A_88 = tpu.memref_slice %arg3[%run_scoped3A, %multiple_of3A_57, %dma_wait3A_87] : memref<2x2560x128xi32, #tpu.memory_space<hbm>> -> memref<1x40x128xi32, #tpu.memory_space<hbm>>
        %dma_wait3A_89 = tpu.memref_squeeze %dma_wait3A_88 : memref<1x40x128xi32, #tpu.memory_space<hbm>> -> memref<40x128xi32, #tpu.memory_space<hbm>>
        tpu.wait_dma2 semaphore(%run_scoped3A_78 : memref<!tpu.dma_semaphore, #tpu.memory_space<semaphore_mem>>) src(%dma_wait3A_89 : memref<40x128xi32, #tpu.memory_space<hbm>>) dst(%arg5 : memref<40x128xi32, #tpu.memory_space<vmem>>)
        tpu.yield
      }) : () -> ()
      %run_scoped3A_58 = arith.constant 1 : i32
      "tpu.region"() ({
        %run_scoped3A_78 = tpu.sem_alloc : memref<!tpu.dma_semaphore, #tpu.memory_space<semaphore_mem>>
        %dma_start3A_79 = arith.constant 0 : i32
        %dma_start3A_80 = tpu.memref_slice %arg3[%run_scoped3A_58, %multiple_of3A_57, %dma_start3A_79] : memref<2x2560x128xi32, #tpu.memory_space<hbm>> -> memref<1x40x128xi32, #tpu.memory_space<hbm>>
        %dma_start3A_81 = tpu.memref_squeeze %dma_start3A_80 : memref<1x40x128xi32, #tpu.memory_space<hbm>> -> memref<40x128xi32, #tpu.memory_space<hbm>>
        %dma_start3A_82 = arith.constant 0 : i32
        %dma_start3A_83 = tpu.memref_slice %arg3[%run_scoped3A_58, %multiple_of3A_57, %dma_start3A_82] : memref<2x2560x128xi32, #tpu.memory_space<hbm>> -> memref<1x40x128xi32, #tpu.memory_space<hbm>>
        %dma_start3A_84 = tpu.memref_squeeze %dma_start3A_83 : memref<1x40x128xi32, #tpu.memory_space<hbm>> -> memref<40x128xi32, #tpu.memory_space<hbm>>
        tpu.enqueue_dma source(%dma_start3A_84 : memref<40x128xi32, #tpu.memory_space<hbm>>) target(%arg6 : memref<40x128xi32, #tpu.memory_space<vmem>>) target_semaphore(%run_scoped3A_78 : memref<!tpu.dma_semaphore, #tpu.memory_space<semaphore_mem>>)
        %dma_wait3A = arith.constant 0 : i32
        %dma_wait3A_85 = tpu.memref_slice %arg3[%run_scoped3A_58, %multiple_of3A_57, %dma_wait3A] : memref<2x2560x128xi32, #tpu.memory_space<hbm>> -> memref<1x40x128xi32, #tpu.memory_space<hbm>>
        %dma_wait3A_86 = tpu.memref_squeeze %dma_wait3A_85 : memref<1x40x128xi32, #tpu.memory_space<hbm>> -> memref<40x128xi32, #tpu.memory_space<hbm>>
        %dma_wait3A_87 = arith.constant 0 : i32
        %dma_wait3A_88 = tpu.memref_slice %arg3[%run_scoped3A_58, %multiple_of3A_57, %dma_wait3A_87] : memref<2x2560x128xi32, #tpu.memory_space<hbm>> -> memref<1x40x128xi32, #tpu.memory_space<hbm>>
        %dma_wait3A_89 = tpu.memref_squeeze %dma_wait3A_88 : memref<1x40x128xi32, #tpu.memory_space<hbm>> -> memref<40x128xi32, #tpu.memory_space<hbm>>
        tpu.wait_dma2 semaphore(%run_scoped3A_78 : memref<!tpu.dma_semaphore, #tpu.memory_space<semaphore_mem>>) src(%dma_wait3A_89 : memref<40x128xi32, #tpu.memory_space<hbm>>) dst(%arg6 : memref<40x128xi32, #tpu.memory_space<vmem>>)
        tpu.yield
      }) : () -> ()
      %dma_start3A = arith.constant 0 : i32
      %dma_start3A_59 = arith.constant 0 : i32
      %dma_start3A_60 = tpu.memref_slice %arg5[%dma_start3A, %dma_start3A_59] : memref<40x128xi32, #tpu.memory_space<vmem>> -> memref<1x128xi32, #tpu.memory_space<vmem>>
      %dma_start3A_61 = tpu.memref_squeeze %dma_start3A_60 : memref<1x128xi32, #tpu.memory_space<vmem>> -> memref<128xi32, #tpu.memory_space<vmem>>
      %dma_start3A_62 = arith.constant 0 : i32
      %dma_start3A_63 = arith.constant 0 : i32
      %dma_start3A_64 = tpu.memref_slice %arg2[%dma_start3A_62, %dma_start3A_63] : memref<10240x128xf32, #tpu.memory_space<hbm>> -> memref<10240x128xf32, #tpu.memory_space<hbm>>
      tpu.enqueue_indirect_dma source(%dma_start3A_64 : memref<10240x128xf32, #tpu.memory_space<hbm>>) target(%arg7 : memref<128x128xf32, #tpu.memory_space<vmem>>) offsets(%dma_start3A_61 : memref<128xi32, #tpu.memory_space<vmem>>) semaphore(%arg10 : memref<!tpu.dma_semaphore, #tpu.memory_space<semaphore_mem>>)
      %dma_start3A_65 = arith.constant 1 : i32
      %dma_start3A_66 = arith.constant 0 : i32
      %dma_start3A_67 = tpu.memref_slice %arg5[%dma_start3A_65, %dma_start3A_66] : memref<40x128xi32, #tpu.memory_space<vmem>> -> memref<1x128xi32, #tpu.memory_space<vmem>>
      %dma_start3A_68 = tpu.memref_squeeze %dma_start3A_67 : memref<1x128xi32, #tpu.memory_space<vmem>> -> memref<128xi32, #tpu.memory_space<vmem>>
      %dma_start3A_69 = arith.constant 0 : i32
      %dma_start3A_70 = arith.constant 0 : i32
      %dma_start3A_71 = tpu.memref_slice %arg2[%dma_start3A_69, %dma_start3A_70] : memref<10240x128xf32, #tpu.memory_space<hbm>> -> memref<10240x128xf32, #tpu.memory_space<hbm>>
      tpu.enqueue_indirect_dma source(%dma_start3A_71 : memref<10240x128xf32, #tpu.memory_space<hbm>>) target(%arg8 : memref<128x128xf32, #tpu.memory_space<vmem>>) offsets(%dma_start3A_68 : memref<128xi32, #tpu.memory_space<vmem>>) semaphore(%arg11 : memref<!tpu.dma_semaphore, #tpu.memory_space<semaphore_mem>>)
      %scan3A_72 = arith.constant 0 : i32
      %scan3A_73 = arith.constant 0 : i32
      %scan3A_74 = arith.constant 20 : i32
      %scan3A_75 = arith.addi %scan3A_73, %scan3A_74 : i32
      %scan3A_76 = arith.constant 1 : i32
      scf.for %scan3A_78 = %scan3A_73 to %scan3A_75 step %scan3A_76  : i32 {
        %mul3A_79 = arith.constant 2 : i32
        %mul3A_80 = arith.muli %mul3A_79, %scan3A_78 : i32
        %dma_wait3A = arith.constant 0 : i32
        %dma_wait3A_81 = arith.constant 0 : i32
        %dma_wait3A_82 = tpu.memref_slice %arg5[%dma_wait3A, %dma_wait3A_81] : memref<40x128xi32, #tpu.memory_space<vmem>> -> memref<1x128xi32, #tpu.memory_space<vmem>>
        %dma_wait3A_83 = tpu.memref_squeeze %dma_wait3A_82 : memref<1x128xi32, #tpu.memory_space<vmem>> -> memref<128xi32, #tpu.memory_space<vmem>>
        %dma_wait3A_84 = arith.constant 0 : i32
        %dma_wait3A_85 = arith.constant 0 : i32
        %dma_wait3A_86 = tpu.memref_slice %arg2[%dma_wait3A_84, %dma_wait3A_85] : memref<10240x128xf32, #tpu.memory_space<hbm>> -> memref<10240x128xf32, #tpu.memory_space<hbm>>
        tpu.wait_indirect_dma semaphore(%arg10 : memref<!tpu.dma_semaphore, #tpu.memory_space<semaphore_mem>>) src(%dma_wait3A_86 : memref<10240x128xf32, #tpu.memory_space<hbm>>) dst(%arg7 : memref<128x128xf32, #tpu.memory_space<vmem>>)
        "tpu.region"() ({
          %run_scoped3A_107 = tpu.sem_alloc : memref<!tpu.dma_semaphore, #tpu.memory_space<semaphore_mem>>
          %dma_start3A_108 = arith.constant 0 : i32
          %dma_start3A_109 = tpu.memref_slice %arg6[%mul3A_80, %dma_start3A_108] : memref<40x128xi32, #tpu.memory_space<vmem>> -> memref<1x128xi32, #tpu.memory_space<vmem>>
          %dma_start3A_110 = tpu.memref_squeeze %dma_start3A_109 : memref<1x128xi32, #tpu.memory_space<vmem>> -> memref<128xi32, #tpu.memory_space<vmem>>
          %dma_start3A_111 = arith.constant 0 : i32
          %dma_start3A_112 = arith.constant 0 : i32
          %dma_start3A_113 = tpu.memref_slice %arg9[%dma_start3A_111, %dma_start3A_112] : memref<10240x128xf32, #tpu.memory_space<vmem_shared>> -> memref<10240x128xf32, #tpu.memory_space<vmem_shared>>
          tpu.enqueue_indirect_dma source(%arg7 : memref<128x128xf32, #tpu.memory_space<vmem>>) target(%dma_start3A_113 : memref<10240x128xf32, #tpu.memory_space<vmem_shared>>) offsets(%dma_start3A_110 : memref<128xi32, #tpu.memory_space<vmem>>) semaphore(%run_scoped3A_107 : memref<!tpu.dma_semaphore, #tpu.memory_space<semaphore_mem>>) {add = true}
          %dma_wait3A_114 = arith.constant 0 : i32
          %dma_wait3A_115 = tpu.memref_slice %arg6[%mul3A_80, %dma_wait3A_114] : memref<40x128xi32, #tpu.memory_space<vmem>> -> memref<1x128xi32, #tpu.memory_space<vmem>>
          %dma_wait3A_116 = tpu.memref_squeeze %dma_wait3A_115 : memref<1x128xi32, #tpu.memory_space<vmem>> -> memref<128xi32, #tpu.memory_space<vmem>>
          %dma_wait3A_117 = arith.constant 0 : i32
          %dma_wait3A_118 = arith.constant 0 : i32
          %dma_wait3A_119 = tpu.memref_slice %arg9[%dma_wait3A_117, %dma_wait3A_118] : memref<10240x128xf32, #tpu.memory_space<vmem_shared>> -> memref<10240x128xf32, #tpu.memory_space<vmem_shared>>
          tpu.wait_indirect_dma semaphore(%run_scoped3A_107 : memref<!tpu.dma_semaphore, #tpu.memory_space<semaphore_mem>>) src(%arg7 : memref<128x128xf32, #tpu.memory_space<vmem>>) dst(%dma_wait3A_119 : memref<10240x128xf32, #tpu.memory_space<vmem_shared>>)
          tpu.yield
        }) : () -> ()
        %add3A_87 = arith.constant 2 : i32
        %add3A_88 = arith.addi %mul3A_80, %add3A_87 : i32
        %lt3A = arith.constant 40 : i32
        %lt3A_89 = arith.cmpi slt, %add3A_88, %lt3A : i32
        %convert_element_type3A = arith.extui %lt3A_89 : i1 to i32
        %cond3A = arith.constant 0 : i32
        %cond3A_90 = arith.cmpi ne, %convert_element_type3A, %cond3A : i32
        scf.if %cond3A_90 {
          %add3A_107 = arith.constant 2 : i32
          %add3A_108 = arith.addi %mul3A_80, %add3A_107 : i32
          %dma_start3A_109 = arith.constant 0 : i32
          %dma_start3A_110 = tpu.memref_slice %arg5[%add3A_108, %dma_start3A_109] : memref<40x128xi32, #tpu.memory_space<vmem>> -> memref<1x128xi32, #tpu.memory_space<vmem>>
          %dma_start3A_111 = tpu.memref_squeeze %dma_start3A_110 : memref<1x128xi32, #tpu.memory_space<vmem>> -> memref<128xi32, #tpu.memory_space<vmem>>
          %dma_start3A_112 = arith.constant 0 : i32
          %dma_start3A_113 = arith.constant 0 : i32
          %dma_start3A_114 = tpu.memref_slice %arg2[%dma_start3A_112, %dma_start3A_113] : memref<10240x128xf32, #tpu.memory_space<hbm>> -> memref<10240x128xf32, #tpu.memory_space<hbm>>
          tpu.enqueue_indirect_dma source(%dma_start3A_114 : memref<10240x128xf32, #tpu.memory_space<hbm>>) target(%arg7 : memref<128x128xf32, #tpu.memory_space<vmem>>) offsets(%dma_start3A_111 : memref<128xi32, #tpu.memory_space<vmem>>) semaphore(%arg10 : memref<!tpu.dma_semaphore, #tpu.memory_space<semaphore_mem>>)
        } else {
        }
        %dma_wait3A_91 = arith.constant 1 : i32
        %dma_wait3A_92 = arith.constant 0 : i32
        %dma_wait3A_93 = tpu.memref_slice %arg5[%dma_wait3A_91, %dma_wait3A_92] : memref<40x128xi32, #tpu.memory_space<vmem>> -> memref<1x128xi32, #tpu.memory_space<vmem>>
        %dma_wait3A_94 = tpu.memref_squeeze %dma_wait3A_93 : memref<1x128xi32, #tpu.memory_space<vmem>> -> memref<128xi32, #tpu.memory_space<vmem>>
        %dma_wait3A_95 = arith.constant 0 : i32
        %dma_wait3A_96 = arith.constant 0 : i32
        %dma_wait3A_97 = tpu.memref_slice %arg2[%dma_wait3A_95, %dma_wait3A_96] : memref<10240x128xf32, #tpu.memory_space<hbm>> -> memref<10240x128xf32, #tpu.memory_space<hbm>>
        tpu.wait_indirect_dma semaphore(%arg11 : memref<!tpu.dma_semaphore, #tpu.memory_space<semaphore_mem>>) src(%dma_wait3A_97 : memref<10240x128xf32, #tpu.memory_space<hbm>>) dst(%arg8 : memref<128x128xf32, #tpu.memory_space<vmem>>)
        %add3A_98 = arith.constant 1 : i32
        %add3A_99 = arith.addi %mul3A_80, %add3A_98 : i32
        "tpu.region"() ({
          %run_scoped3A_107 = tpu.sem_alloc : memref<!tpu.dma_semaphore, #tpu.memory_space<semaphore_mem>>
          %dma_start3A_108 = arith.constant 0 : i32
          %dma_start3A_109 = tpu.memref_slice %arg6[%add3A_99, %dma_start3A_108] : memref<40x128xi32, #tpu.memory_space<vmem>> -> memref<1x128xi32, #tpu.memory_space<vmem>>
          %dma_start3A_110 = tpu.memref_squeeze %dma_start3A_109 : memref<1x128xi32, #tpu.memory_space<vmem>> -> memref<128xi32, #tpu.memory_space<vmem>>
          %dma_start3A_111 = arith.constant 0 : i32
          %dma_start3A_112 = arith.constant 0 : i32
          %dma_start3A_113 = tpu.memref_slice %arg9[%dma_start3A_111, %dma_start3A_112] : memref<10240x128xf32, #tpu.memory_space<vmem_shared>> -> memref<10240x128xf32, #tpu.memory_space<vmem_shared>>
          tpu.enqueue_indirect_dma source(%arg8 : memref<128x128xf32, #tpu.memory_space<vmem>>) target(%dma_start3A_113 : memref<10240x128xf32, #tpu.memory_space<vmem_shared>>) offsets(%dma_start3A_110 : memref<128xi32, #tpu.memory_space<vmem>>) semaphore(%run_scoped3A_107 : memref<!tpu.dma_semaphore, #tpu.memory_space<semaphore_mem>>) {add = true}
          %dma_wait3A_114 = arith.constant 0 : i32
          %dma_wait3A_115 = tpu.memref_slice %arg6[%add3A_99, %dma_wait3A_114] : memref<40x128xi32, #tpu.memory_space<vmem>> -> memref<1x128xi32, #tpu.memory_space<vmem>>
          %dma_wait3A_116 = tpu.memref_squeeze %dma_wait3A_115 : memref<1x128xi32, #tpu.memory_space<vmem>> -> memref<128xi32, #tpu.memory_space<vmem>>
          %dma_wait3A_117 = arith.constant 0 : i32
          %dma_wait3A_118 = arith.constant 0 : i32
          %dma_wait3A_119 = tpu.memref_slice %arg9[%dma_wait3A_117, %dma_wait3A_118] : memref<10240x128xf32, #tpu.memory_space<vmem_shared>> -> memref<10240x128xf32, #tpu.memory_space<vmem_shared>>
          tpu.wait_indirect_dma semaphore(%run_scoped3A_107 : memref<!tpu.dma_semaphore, #tpu.memory_space<semaphore_mem>>) src(%arg8 : memref<128x128xf32, #tpu.memory_space<vmem>>) dst(%dma_wait3A_119 : memref<10240x128xf32, #tpu.memory_space<vmem_shared>>)
          tpu.yield
        }) : () -> ()
        %add3A_100 = arith.constant 3 : i32
        %add3A_101 = arith.addi %mul3A_80, %add3A_100 : i32
        %lt3A_102 = arith.constant 40 : i32
        %lt3A_103 = arith.cmpi slt, %add3A_101, %lt3A_102 : i32
        %convert_element_type3A_104 = arith.extui %lt3A_103 : i1 to i32
        %cond3A_105 = arith.constant 0 : i32
        %cond3A_106 = arith.cmpi ne, %convert_element_type3A_104, %cond3A_105 : i32
        scf.if %cond3A_106 {
          %add3A_107 = arith.constant 3 : i32
          %add3A_108 = arith.addi %mul3A_80, %add3A_107 : i32
          %dma_start3A_109 = arith.constant 0 : i32
          %dma_start3A_110 = tpu.memref_slice %arg5[%add3A_108, %dma_start3A_109] : memref<40x128xi32, #tpu.memory_space<vmem>> -> memref<1x128xi32, #tpu.memory_space<vmem>>
          %dma_start3A_111 = tpu.memref_squeeze %dma_start3A_110 : memref<1x128xi32, #tpu.memory_space<vmem>> -> memref<128xi32, #tpu.memory_space<vmem>>
          %dma_start3A_112 = arith.constant 0 : i32
          %dma_start3A_113 = arith.constant 0 : i32
          %dma_start3A_114 = tpu.memref_slice %arg2[%dma_start3A_112, %dma_start3A_113] : memref<10240x128xf32, #tpu.memory_space<hbm>> -> memref<10240x128xf32, #tpu.memory_space<hbm>>
          tpu.enqueue_indirect_dma source(%dma_start3A_114 : memref<10240x128xf32, #tpu.memory_space<hbm>>) target(%arg8 : memref<128x128xf32, #tpu.memory_space<vmem>>) offsets(%dma_start3A_111 : memref<128xi32, #tpu.memory_space<vmem>>) semaphore(%arg11 : memref<!tpu.dma_semaphore, #tpu.memory_space<semaphore_mem>>)
        } else {
        }
      }
      %scan3A_77 = arith.constant 20 : i32
    }
    %barrier3A_48 = arith.constant 0 : index
    tpu.barrier barrier_id(%barrier3A_48)
    %mul3A_49 = arith.constant 640 : i32
    %mul3A_50 = arith.muli %arg1, %mul3A_49 : i32
    %mul3A_51 = arith.constant 640 : i32
    %mul3A_52 = arith.muli %arg1, %mul3A_51 : i32
    "tpu.region"() ({
      %run_scoped3A = tpu.sem_alloc : memref<!tpu.dma_semaphore, #tpu.memory_space<semaphore_mem>>
      %dma_start3A = arith.constant 0 : i32
      %dma_start3A_53 = tpu.memref_slice %arg4[%arg0, %mul3A_52, %dma_start3A] : memref<2x10240x128xf32, #tpu.memory_space<hbm>> -> memref<1x640x128xf32, #tpu.memory_space<hbm>>
      %dma_start3A_54 = tpu.memref_squeeze %dma_start3A_53 : memref<1x640x128xf32, #tpu.memory_space<hbm>> -> memref<640x128xf32, #tpu.memory_space<hbm>>
      %dma_start3A_55 = arith.constant 0 : i32
      %dma_start3A_56 = tpu.memref_slice %arg9[%mul3A_50, %dma_start3A_55] : memref<10240x128xf32, #tpu.memory_space<vmem_shared>> -> memref<640x128xf32, #tpu.memory_space<vmem_shared>>
      tpu.enqueue_dma source(%dma_start3A_56 : memref<640x128xf32, #tpu.memory_space<vmem_shared>>) target(%dma_start3A_54 : memref<640x128xf32, #tpu.memory_space<hbm>>) target_semaphore(%run_scoped3A : memref<!tpu.dma_semaphore, #tpu.memory_space<semaphore_mem>>)
      %dma_wait3A = arith.constant 0 : i32
      %dma_wait3A_57 = tpu.memref_slice %arg4[%arg0, %mul3A_52, %dma_wait3A] : memref<2x10240x128xf32, #tpu.memory_space<hbm>> -> memref<1x640x128xf32, #tpu.memory_space<hbm>>
      %dma_wait3A_58 = tpu.memref_squeeze %dma_wait3A_57 : memref<1x640x128xf32, #tpu.memory_space<hbm>> -> memref<640x128xf32, #tpu.memory_space<hbm>>
      %dma_wait3A_59 = arith.constant 0 : i32
      %dma_wait3A_60 = tpu.memref_slice %arg9[%mul3A_50, %dma_wait3A_59] : memref<10240x128xf32, #tpu.memory_space<vmem_shared>> -> memref<640x128xf32, #tpu.memory_space<vmem_shared>>
      tpu.wait_dma2 semaphore(%run_scoped3A : memref<!tpu.dma_semaphore, #tpu.memory_space<semaphore_mem>>) src(%dma_wait3A_60 : memref<640x128xf32, #tpu.memory_space<vmem_shared>>) dst(%dma_wait3A_58 : memref<640x128xf32, #tpu.memory_space<hbm>>)
      tpu.yield
    }) : () -> ()
    return
  }
}

module attributes {stable_mosaic.version = 14 : i64} {
  func.func @_t1_body(%arg0: i32, %arg1: memref<512x128xf32, #tpu.memory_space<vmem>>, %arg2: memref<128x128xf32, #tpu.memory_space<vmem>>, %arg3: memref<512x1xf32, #tpu.memory_space<vmem>>, %arg4: memref<512x1xf32, #tpu.memory_space<vmem>>, %arg5: memref<512x128xf32, #tpu.memory_space<vmem>>) attributes {dimension_semantics = [#tpu.dimension_semantics<arbitrary>], iteration_bounds = array<i64: 20>, scalar_prefetch = 0 : i64, scratch_operands = 0 : i64, tpu.core_type = #tpu.core_type<tc>, window_params = [{transform_indices = @transform_0, window_bounds = array<i64: 512, 128>}, {pipeline_mode = #tpu.pipeline_mode<synchronous>, transform_indices = @transform_1, window_bounds = array<i64: 128, 128>}, {transform_indices = @transform_2, window_bounds = array<i64: 512, 1>}, {transform_indices = @transform_3, window_bounds = array<i64: 512, 1>}, {transform_indices = @transform_4, window_bounds = array<i64: 512, 128>}]} {
    %get3A = arith.constant 0 : index
    %get3A_0 = arith.constant 0 : index
    %get3A_1 = vector.load %arg3[%get3A, %get3A_0] : memref<512x1xf32, #tpu.memory_space<vmem>>, vector<512x1xf32>
    %get3A_2 = arith.constant 0 : index
    %get3A_3 = arith.constant 0 : index
    %get3A_4 = vector.load %arg4[%get3A_2, %get3A_3] : memref<512x1xf32, #tpu.memory_space<vmem>>, vector<512x1xf32>
    %add3A = arith.addf %get3A_1, %get3A_4 : vector<512x1xf32>
    %add3A_5 = arith.constant 1.000000e+00 : f32
    %add3A_6 = vector.broadcast %add3A_5 : f32 to vector<512x1xf32>
    %add3A_7 = arith.addf %add3A, %add3A_6 : vector<512x1xf32>
    %rsqrt3A = math.rsqrt %add3A_7 : vector<512x1xf32>
    %get3A_8 = arith.constant 0 : index
    %get3A_9 = arith.constant 0 : index
    %get3A_10 = vector.load %arg1[%get3A_8, %get3A_9] : memref<512x128xf32, #tpu.memory_space<vmem>>, vector<512x128xf32>
    %get3A_11 = arith.constant 0 : index
    %get3A_12 = arith.constant 0 : index
    %get3A_13 = vector.load %arg2[%get3A_11, %get3A_12] : memref<128x128xf32, #tpu.memory_space<vmem>>, vector<128x128xf32>
    %dot_general3A = arith.constant dense<0.000000e+00> : vector<512x128xf32>
    %dot_general3A_14 = tpu.matmul %get3A_10, %get3A_13, %dot_general3A {dimension_numbers = #tpu.dot_dimension_numbers<[1], [0], [0], [1], [0, 0, 1, 1], [], []>, transpose_lhs_hint = false} : vector<512x128xf32>, vector<128x128xf32>, vector<512x128xf32> -> vector<512x128xf32>
    %mul3A = vector.broadcast %rsqrt3A : vector<512x1xf32> to vector<512x128xf32>
    %mul3A_15 = arith.mulf %dot_general3A_14, %mul3A : vector<512x128xf32>
    %swap3A = arith.constant 0 : index
    %swap3A_16 = arith.constant 0 : index
    %swap3A_17 = vector.load %arg5[%swap3A, %swap3A_16] : memref<512x128xf32, #tpu.memory_space<vmem>>, vector<512x128xf32>
    tpu.vector_store %arg5[%swap3A, %swap3A_16], %mul3A_15 {strides = array<i32>} : memref<512x128xf32, #tpu.memory_space<vmem>>, vector<512x128xf32>,
    return
  }
  func.func @transform_0(%arg0: i32) -> (i32, i32) {
    %c0_i32 = arith.constant 0 : i32
    %c0_i32_0 = arith.constant 0 : i32
    return %arg0, %c0_i32 : i32, i32
  }
  func.func @transform_1(%arg0: i32) -> (i32, i32) {
    %c0_i32 = arith.constant 0 : i32
    %c0_i32_0 = arith.constant 0 : i32
    %c0_i32_1 = arith.constant 0 : i32
    return %c0_i32, %c0_i32_0 : i32, i32
  }
  func.func @transform_2(%arg0: i32) -> (i32, i32) {
    %c0_i32 = arith.constant 0 : i32
    %c0_i32_0 = arith.constant 0 : i32
    return %arg0, %c0_i32 : i32, i32
  }
  func.func @transform_3(%arg0: i32) -> (i32, i32) {
    %c0_i32 = arith.constant 0 : i32
    %c0_i32_0 = arith.constant 0 : i32
    return %arg0, %c0_i32 : i32, i32
  }
  func.func @transform_4(%arg0: i32) -> (i32, i32) {
    %c0_i32 = arith.constant 0 : i32
    %c0_i32_0 = arith.constant 0 : i32
    return %arg0, %c0_i32 : i32, i32
  }
}

module attributes {stable_mosaic.version = 14 : i64} {
  func.func @_t2_body(%arg0: i32, %arg1: memref<1x512x128xf32, #tpu.memory_space<vmem>>, %arg2: memref<1x512x128xf32, #tpu.memory_space<vmem>>, %arg3: memref<512x128xf32, #tpu.memory_space<vmem>>, %arg4: memref<512x1xf32, #tpu.memory_space<vmem>>, %arg5: memref<512x1xf32, #tpu.memory_space<vmem>>, %arg6: memref<1x128xf32, #tpu.memory_space<vmem>>, %arg7: memref<128x128xf32, #tpu.memory_space<vmem>>, %arg8: memref<512x128xf32, #tpu.memory_space<vmem>>) attributes {dimension_semantics = [#tpu.dimension_semantics<arbitrary>], iteration_bounds = array<i64: 20>, scalar_prefetch = 0 : i64, scratch_operands = 0 : i64, tpu.core_type = #tpu.core_type<tc>, window_params = [{transform_indices = @transform_0, window_bounds = array<i64: 1, 512, 128>}, {transform_indices = @transform_1, window_bounds = array<i64: 1, 512, 128>}, {transform_indices = @transform_2, window_bounds = array<i64: 512, 128>}, {transform_indices = @transform_3, window_bounds = array<i64: 512, 1>}, {transform_indices = @transform_4, window_bounds = array<i64: 512, 1>}, {pipeline_mode = #tpu.pipeline_mode<synchronous>, transform_indices = @transform_5, window_bounds = array<i64: 1, 128>}, {pipeline_mode = #tpu.pipeline_mode<synchronous>, transform_indices = @transform_6, window_bounds = array<i64: 128, 128>}, {transform_indices = @transform_7, window_bounds = array<i64: 512, 128>}]} {
    %get3A = arith.constant 0 : index
    %get3A_0 = arith.constant 0 : index
    %get3A_1 = vector.load %arg4[%get3A, %get3A_0] : memref<512x1xf32, #tpu.memory_space<vmem>>, vector<512x1xf32>
    %get3A_2 = arith.constant 0 : index
    %get3A_3 = arith.constant 0 : index
    %get3A_4 = vector.load %arg5[%get3A_2, %get3A_3] : memref<512x1xf32, #tpu.memory_space<vmem>>, vector<512x1xf32>
    %add3A = arith.addf %get3A_1, %get3A_4 : vector<512x1xf32>
    %add3A_5 = arith.constant 1.000000e+00 : f32
    %add3A_6 = vector.broadcast %add3A_5 : f32 to vector<512x1xf32>
    %add3A_7 = arith.addf %add3A, %add3A_6 : vector<512x1xf32>
    %rsqrt3A = math.rsqrt %add3A_7 : vector<512x1xf32>
    %get3A_8 = arith.constant 0 : index
    %get3A_9 = arith.constant 0 : index
    %get3A_10 = arith.constant 0 : index
    %get3A_11 = vector.load %arg1[%get3A_8, %get3A_9, %get3A_10] : memref<1x512x128xf32, #tpu.memory_space<vmem>>, vector<1x512x128xf32>
    %get3A_12 = vector.shape_cast %get3A_11 : vector<1x512x128xf32> to vector<512x128xf32>
    %get3A_13 = arith.constant 0 : index
    %get3A_14 = arith.constant 0 : index
    %get3A_15 = arith.constant 0 : index
    %get3A_16 = vector.load %arg2[%get3A_13, %get3A_14, %get3A_15] : memref<1x512x128xf32, #tpu.memory_space<vmem>>, vector<1x512x128xf32>
    %get3A_17 = vector.shape_cast %get3A_16 : vector<1x512x128xf32> to vector<512x128xf32>
    %add3A_18 = arith.addf %get3A_12, %get3A_17 : vector<512x128xf32>
    %get3A_19 = arith.constant 0 : index
    %get3A_20 = arith.constant 0 : index
    %get3A_21 = vector.load %arg3[%get3A_19, %get3A_20] : memref<512x128xf32, #tpu.memory_space<vmem>>, vector<512x128xf32>
    %add3A_22 = arith.addf %add3A_18, %get3A_21 : vector<512x128xf32>
    %mul3A = vector.broadcast %rsqrt3A : vector<512x1xf32> to vector<512x128xf32>
    %mul3A_23 = arith.mulf %add3A_22, %mul3A : vector<512x128xf32>
    %get3A_24 = arith.constant 0 : index
    %get3A_25 = arith.constant 0 : index
    %get3A_26 = vector.load %arg6[%get3A_24, %get3A_25] : memref<1x128xf32, #tpu.memory_space<vmem>>, vector<1x128xf32>
    %add3A_27 = vector.broadcast %get3A_26 : vector<1x128xf32> to vector<512x128xf32>
    %add3A_28 = arith.addf %mul3A_23, %add3A_27 : vector<512x128xf32>
    %tanh3A = math.tanh %add3A_28 : vector<512x128xf32>
    %get3A_29 = arith.constant 0 : index
    %get3A_30 = arith.constant 0 : index
    %get3A_31 = vector.load %arg7[%get3A_29, %get3A_30] : memref<128x128xf32, #tpu.memory_space<vmem>>, vector<128x128xf32>
    %dot_general3A = arith.constant dense<0.000000e+00> : vector<512x128xf32>
    %dot_general3A_32 = tpu.matmul %tanh3A, %get3A_31, %dot_general3A {dimension_numbers = #tpu.dot_dimension_numbers<[1], [0], [0], [1], [0, 0, 1, 1], [], []>, transpose_lhs_hint = false} : vector<512x128xf32>, vector<128x128xf32>, vector<512x128xf32> -> vector<512x128xf32>
    %mul3A_33 = vector.broadcast %rsqrt3A : vector<512x1xf32> to vector<512x128xf32>
    %mul3A_34 = arith.mulf %dot_general3A_32, %mul3A_33 : vector<512x128xf32>
    %iota3A = tpu.iota {dimensions = array<i32: 0>} : vector<512x1xi32>
    %mul3A_35 = arith.constant 512 : i32
    %mul3A_36 = arith.muli %arg0, %mul3A_35 : i32
    %add3A_37 = vector.broadcast %mul3A_36 : i32 to vector<512x1xi32>
    %add3A_38 = arith.addi %iota3A, %add3A_37 : vector<512x1xi32>
    %lt3A = arith.constant 10000 : i32
    %lt3A_39 = vector.broadcast %lt3A : i32 to vector<512x1xi32>
    %lt3A_40 = arith.cmpi slt, %add3A_38, %lt3A_39 : vector<512x1xi32>
    %jit3A = arith.constant 0.000000e+00 : f32
    %broadcast_in_dim3A = vector.shape_cast %lt3A_40 : vector<512x1xi1> to vector<512x1xi1>
    %broadcast_in_dim3A_41 = vector.broadcast %broadcast_in_dim3A : vector<512x1xi1> to vector<512x128xi1>
    %broadcast_in_dim3A_42 = vector.broadcast %jit3A : f32 to vector<512x128xf32>
    %select_n3A = arith.select %broadcast_in_dim3A_41, %mul3A_34, %broadcast_in_dim3A_42 : vector<512x128xi1>, vector<512x128xf32>
    %swap3A = arith.constant 0 : index
    %swap3A_43 = arith.constant 0 : index
    %swap3A_44 = vector.load %arg8[%swap3A, %swap3A_43] : memref<512x128xf32, #tpu.memory_space<vmem>>, vector<512x128xf32>
    tpu.vector_store %arg8[%swap3A, %swap3A_43], %select_n3A {strides = array<i32>} : memref<512x128xf32, #tpu.memory_space<vmem>>, vector<512x128xf32>,
    return
  }
  func.func @transform_0(%arg0: i32) -> (i32, i32, i32) {
    %c0_i32 = arith.constant 0 : i32
    %c0_i32_0 = arith.constant 0 : i32
    %c0_i32_1 = arith.constant 0 : i32
    return %c0_i32, %arg0, %c0_i32_0 : i32, i32, i32
  }
  func.func @transform_1(%arg0: i32) -> (i32, i32, i32) {
    %c1_i32 = arith.constant 1 : i32
    %c0_i32 = arith.constant 0 : i32
    %c0_i32_0 = arith.constant 0 : i32
    return %c1_i32, %arg0, %c0_i32 : i32, i32, i32
  }
  func.func @transform_2(%arg0: i32) -> (i32, i32) {
    %c0_i32 = arith.constant 0 : i32
    %c0_i32_0 = arith.constant 0 : i32
    return %arg0, %c0_i32 : i32, i32
  }
  func.func @transform_3(%arg0: i32) -> (i32, i32) {
    %c0_i32 = arith.constant 0 : i32
    %c0_i32_0 = arith.constant 0 : i32
    return %arg0, %c0_i32 : i32, i32
  }
  func.func @transform_4(%arg0: i32) -> (i32, i32) {
    %c0_i32 = arith.constant 0 : i32
    %c0_i32_0 = arith.constant 0 : i32
    return %arg0, %c0_i32 : i32, i32
  }
  func.func @transform_5(%arg0: i32) -> (i32, i32) {
    %c0_i32 = arith.constant 0 : i32
    %c0_i32_0 = arith.constant 0 : i32
    %c0_i32_1 = arith.constant 0 : i32
    return %c0_i32, %c0_i32_0 : i32, i32
  }
  func.func @transform_6(%arg0: i32) -> (i32, i32) {
    %c0_i32 = arith.constant 0 : i32
    %c0_i32_0 = arith.constant 0 : i32
    %c0_i32_1 = arith.constant 0 : i32
    return %c0_i32, %c0_i32_0 : i32, i32
  }
  func.func @transform_7(%arg0: i32) -> (i32, i32) {
    %c0_i32 = arith.constant 0 : i32
    %c0_i32_0 = arith.constant 0 : i32
    return %arg0, %c0_i32 : i32, i32
  }
}

module attributes {stable_mosaic.version = 14 : i64} {
  func.func @_t3_body(%arg0: i32, %arg1: memref<1x512x128xf32, #tpu.memory_space<vmem>>, %arg2: memref<1x512x128xf32, #tpu.memory_space<vmem>>, %arg3: memref<512x128xf32, #tpu.memory_space<vmem>>, %arg4: memref<512x1xf32, #tpu.memory_space<vmem>>, %arg5: memref<512x1xf32, #tpu.memory_space<vmem>>, %arg6: memref<1x128xf32, #tpu.memory_space<vmem>>, %arg7: memref<128x128xf32, #tpu.memory_space<vmem>>, %arg8: memref<1x128xf32, #tpu.memory_space<vmem>>, %arg9: memref<512x128xf32, #tpu.memory_space<vmem>>) attributes {dimension_semantics = [#tpu.dimension_semantics<arbitrary>], iteration_bounds = array<i64: 20>, scalar_prefetch = 0 : i64, scratch_operands = 0 : i64, tpu.core_type = #tpu.core_type<tc>, window_params = [{transform_indices = @transform_0, window_bounds = array<i64: 1, 512, 128>}, {transform_indices = @transform_1, window_bounds = array<i64: 1, 512, 128>}, {transform_indices = @transform_2, window_bounds = array<i64: 512, 128>}, {transform_indices = @transform_3, window_bounds = array<i64: 512, 1>}, {transform_indices = @transform_4, window_bounds = array<i64: 512, 1>}, {pipeline_mode = #tpu.pipeline_mode<synchronous>, transform_indices = @transform_5, window_bounds = array<i64: 1, 128>}, {pipeline_mode = #tpu.pipeline_mode<synchronous>, transform_indices = @transform_6, window_bounds = array<i64: 128, 128>}, {pipeline_mode = #tpu.pipeline_mode<synchronous>, transform_indices = @transform_7, window_bounds = array<i64: 1, 128>}, {transform_indices = @transform_8, window_bounds = array<i64: 512, 128>}]} {
    %get3A = arith.constant 0 : index
    %get3A_0 = arith.constant 0 : index
    %get3A_1 = vector.load %arg4[%get3A, %get3A_0] : memref<512x1xf32, #tpu.memory_space<vmem>>, vector<512x1xf32>
    %get3A_2 = arith.constant 0 : index
    %get3A_3 = arith.constant 0 : index
    %get3A_4 = vector.load %arg5[%get3A_2, %get3A_3] : memref<512x1xf32, #tpu.memory_space<vmem>>, vector<512x1xf32>
    %add3A = arith.addf %get3A_1, %get3A_4 : vector<512x1xf32>
    %add3A_5 = arith.constant 1.000000e+00 : f32
    %add3A_6 = vector.broadcast %add3A_5 : f32 to vector<512x1xf32>
    %add3A_7 = arith.addf %add3A, %add3A_6 : vector<512x1xf32>
    %rsqrt3A = math.rsqrt %add3A_7 : vector<512x1xf32>
    %get3A_8 = arith.constant 0 : index
    %get3A_9 = arith.constant 0 : index
    %get3A_10 = arith.constant 0 : index
    %get3A_11 = vector.load %arg1[%get3A_8, %get3A_9, %get3A_10] : memref<1x512x128xf32, #tpu.memory_space<vmem>>, vector<1x512x128xf32>
    %get3A_12 = vector.shape_cast %get3A_11 : vector<1x512x128xf32> to vector<512x128xf32>
    %get3A_13 = arith.constant 0 : index
    %get3A_14 = arith.constant 0 : index
    %get3A_15 = arith.constant 0 : index
    %get3A_16 = vector.load %arg2[%get3A_13, %get3A_14, %get3A_15] : memref<1x512x128xf32, #tpu.memory_space<vmem>>, vector<1x512x128xf32>
    %get3A_17 = vector.shape_cast %get3A_16 : vector<1x512x128xf32> to vector<512x128xf32>
    %add3A_18 = arith.addf %get3A_12, %get3A_17 : vector<512x128xf32>
    %get3A_19 = arith.constant 0 : index
    %get3A_20 = arith.constant 0 : index
    %get3A_21 = vector.load %arg3[%get3A_19, %get3A_20] : memref<512x128xf32, #tpu.memory_space<vmem>>, vector<512x128xf32>
    %add3A_22 = arith.addf %add3A_18, %get3A_21 : vector<512x128xf32>
    %mul3A = vector.broadcast %rsqrt3A : vector<512x1xf32> to vector<512x128xf32>
    %mul3A_23 = arith.mulf %add3A_22, %mul3A : vector<512x128xf32>
    %get3A_24 = arith.constant 0 : index
    %get3A_25 = arith.constant 0 : index
    %get3A_26 = vector.load %arg6[%get3A_24, %get3A_25] : memref<1x128xf32, #tpu.memory_space<vmem>>, vector<1x128xf32>
    %add3A_27 = vector.broadcast %get3A_26 : vector<1x128xf32> to vector<512x128xf32>
    %add3A_28 = arith.addf %mul3A_23, %add3A_27 : vector<512x128xf32>
    %tanh3A = math.tanh %add3A_28 : vector<512x128xf32>
    %get3A_29 = arith.constant 0 : index
    %get3A_30 = arith.constant 0 : index
    %get3A_31 = vector.load %arg7[%get3A_29, %get3A_30] : memref<128x128xf32, #tpu.memory_space<vmem>>, vector<128x128xf32>
    %dot_general3A = arith.constant dense<0.000000e+00> : vector<512x128xf32>
    %dot_general3A_32 = tpu.matmul %tanh3A, %get3A_31, %dot_general3A {dimension_numbers = #tpu.dot_dimension_numbers<[1], [0], [0], [1], [0, 0, 1, 1], [], []>, transpose_lhs_hint = false} : vector<512x128xf32>, vector<128x128xf32>, vector<512x128xf32> -> vector<512x128xf32>
    %get3A_33 = arith.constant 0 : index
    %get3A_34 = arith.constant 0 : index
    %get3A_35 = vector.load %arg8[%get3A_33, %get3A_34] : memref<1x128xf32, #tpu.memory_space<vmem>>, vector<1x128xf32>
    %add3A_36 = vector.broadcast %get3A_35 : vector<1x128xf32> to vector<512x128xf32>
    %add3A_37 = arith.addf %dot_general3A_32, %add3A_36 : vector<512x128xf32>
    %tanh3A_38 = math.tanh %add3A_37 : vector<512x128xf32>
    %swap3A = arith.constant 0 : index
    %swap3A_39 = arith.constant 0 : index
    %swap3A_40 = vector.load %arg9[%swap3A, %swap3A_39] : memref<512x128xf32, #tpu.memory_space<vmem>>, vector<512x128xf32>
    tpu.vector_store %arg9[%swap3A, %swap3A_39], %tanh3A_38 {strides = array<i32>} : memref<512x128xf32, #tpu.memory_space<vmem>>, vector<512x128xf32>,
    return
  }
  func.func @transform_0(%arg0: i32) -> (i32, i32, i32) {
    %c0_i32 = arith.constant 0 : i32
    %c0_i32_0 = arith.constant 0 : i32
    %c0_i32_1 = arith.constant 0 : i32
    return %c0_i32, %arg0, %c0_i32_0 : i32, i32, i32
  }
  func.func @transform_1(%arg0: i32) -> (i32, i32, i32) {
    %c1_i32 = arith.constant 1 : i32
    %c0_i32 = arith.constant 0 : i32
    %c0_i32_0 = arith.constant 0 : i32
    return %c1_i32, %arg0, %c0_i32 : i32, i32, i32
  }
  func.func @transform_2(%arg0: i32) -> (i32, i32) {
    %c0_i32 = arith.constant 0 : i32
    %c0_i32_0 = arith.constant 0 : i32
    return %arg0, %c0_i32 : i32, i32
  }
  func.func @transform_3(%arg0: i32) -> (i32, i32) {
    %c0_i32 = arith.constant 0 : i32
    %c0_i32_0 = arith.constant 0 : i32
    return %arg0, %c0_i32 : i32, i32
  }
  func.func @transform_4(%arg0: i32) -> (i32, i32) {
    %c0_i32 = arith.constant 0 : i32
    %c0_i32_0 = arith.constant 0 : i32
    return %arg0, %c0_i32 : i32, i32
  }
  func.func @transform_5(%arg0: i32) -> (i32, i32) {
    %c0_i32 = arith.constant 0 : i32
    %c0_i32_0 = arith.constant 0 : i32
    %c0_i32_1 = arith.constant 0 : i32
    return %c0_i32, %c0_i32_0 : i32, i32
  }
  func.func @transform_6(%arg0: i32) -> (i32, i32) {
    %c0_i32 = arith.constant 0 : i32
    %c0_i32_0 = arith.constant 0 : i32
    %c0_i32_1 = arith.constant 0 : i32
    return %c0_i32, %c0_i32_0 : i32, i32
  }
  func.func @transform_7(%arg0: i32) -> (i32, i32) {
    %c0_i32 = arith.constant 0 : i32
    %c0_i32_0 = arith.constant 0 : i32
    %c0_i32_1 = arith.constant 0 : i32
    return %c0_i32, %c0_i32_0 : i32, i32
  }
  func.func @transform_8(%arg0: i32) -> (i32, i32) {
    %c0_i32 = arith.constant 0 : i32
    %c0_i32_0 = arith.constant 0 : i32
    return %arg0, %c0_i32 : i32, i32
  }
}

</mosaic_0001>

<sc_bundles>
// kernel: kernel.11.cloned.1.call-start
scs
__scs_entry_jumppad:
0x0: {  	(pc) =	sbr.rel $0x88, $3  }
0x1: {  	(tag) =	ssettag $0x0;
	lr =	simm.s32 $0x1  }
0x2: {  	[smem:$0x3F99] =	sst lr;
	_ =	strace $0xD0000000  }
0x3: {  	_ = 	snop  }
0x4: {  	_ = 	snop  }
0x5: {  	_ = 	snop  }
0x6: {  	_ = 	snop  }
0x7: {  	_ = 	snop  }
__scs_overlays_trampoline_lowered:
0x8: {  	[smem:$0x3FA8] =	sst s0  }
0x9: {  	[smem:$0x3FA9] =	sst s1  }
0xa: {  	[smem:$0x3FAA] =	sst s2  }
0xb: {  	[smem:$0x3FAB] =	sst s3  }
0xc: {  	[smem:$0x3FAC] =	sst s4  }
0xd: {  	[smem:$0x3FAD] =	sst s5  }
0xe: {  	[smem:$0x3FAE] =	sst s6  }
0xf: {  	[smem:$0x3FAF] =	sst s7  }
0x10: {  	[smem:$0x3FB0] =	sst s8  }
0x11: {  	[smem:$0x3FB1] =	sst s9;
	s0 =	simm.s32 @!p0 $0x0  }
0x12: {  	s1 =	sld [smem:$0x3F97];
	s0 =	simm.s32 @p0 $0x1  }
0x13: {  	[smem:$0x3FB2] =	sst s0;
	s0 =	simm.s32 @!p1 $0x0  }
0x14: {  	s2 =	sld [smem:$0x3F96];
	s0 =	simm.s32 @p1 $0x1  }
0x15: {  	[smem:$0x3FB3] =	sst s0;
	s0 =	simm.s32 @!p2 $0x0  }
0x16: {  	s3 =	sld [smem:$0x3FDB];
	s0 =	simm.s32 @p2 $0x1  }
0x17: {  	s4 =	simm.s32 $0x1BF5;
	[smem:$0x3FB5] =	sst s0  }
0x18: {  	s0 =	sld [smem:$0x3F98];
	_ =	swait.ge [sflag:s4], $0x0  }
0x19: {  	s7 =	sld [smem:$0x3F99]  }
0x1a: {  	s8 =	sadd.s32 $0xFFFFE003, lr  }
0x1b: {  	s9 =	sadd.s32 $0xFFFFFEF7, lr;
	s5 =	simm.s32 $0xFFFFFFFF;
	p2 =	slt.u32 s8, $0xFFFFF086  }
0x1c: {  	p1 =	slt.u32 s9, $0xF7A;
	s5 =	simm.s32 @!p2 $0x0  }
0x1d: {  	s5 =	simm.s32 @p1 $0x1;
	p0 =	seq.s32 s7, s2  }
0x1e: {  	s7 =	smul.u32 @!p0 $0xF7A, s2;
	p2 =	seq.s32 @!p0 s5, $0x0  }
0x1f: {  	s9 =	smul.u32 $0xF7A, s1;
	s8 =	simm.s32 @!p0 $0x1BF5;
	p2 =	por !p2, p0  }
0x20: {  	[sflag:s8] =	ssyncset.s32 @!p0 $0xFFFFF086;
	s6 =	sadd.s32 @!p0 s3, s7;
	s7 =	simm.s32 @!p0 $0x108  }
0x21: {  	s3 =	sadd.s32 s3, s9;
	s6 =	sadd.s32 @!p0 $0x88, s6;
	s7 =	simm.s32 @p2 $0x1082  }
0x22: {  	[simem:s7], [sflag:s8] =	dma.local @!p0 [hbm:s6], $0xF7A  }
0x23: {  	s9 =	sor.u32 $0xD0000000, s2;
	s6 =	simm.s32 $0x108;
	_ =	swait.ge @!p0 [sflag:s8], $0x0  }
0x24: {  	s3 =	sadd.s32 $0x88, s3;
	s6 =	simm.s32 @!p1 $0x1082;
	[sflag:s4] =	ssyncset.s32 $0xFFFFF086  }
0x25: {  	[simem:s6], [sflag:s4] =	dma.local [hbm:s3], $0xF7A  }
0x26: {  	[smem:$0x3F99] =	sst s1;
	(tag) =	ssettag s2;
	_ =	strace s9  }
0x27: {  	s1 =	sld [smem:$0x3FA9]  }
0x28: {  	s2 =	sld [smem:$0x3FAA]  }
0x29: {  	s4 =	sld [smem:$0x3FAC]  }
0x2a: {  	p0 =	seq.s32 s5, $0x0;
	s5 =	sld [smem:$0x3FAD]  }
0x2b: {  	s6 =	sld [smem:$0x3FAE]  }
0x2c: {  	s7 =	sld [smem:$0x3FAF]  }
0x2d: {  	s3 =	simm.s32 $0x108;
	s8 =	sld [smem:$0x3FB0]  }
0x2e: {  	s3 =	simm.s32 @!p0 $0x1082;
	s9 =	sld [smem:$0x3FB1]  }
0x2f: {  	lr =	sadd.s32 s0, s3;
	s0 =	sld [smem:$0x3FA8]  }
0x30: {  	s3 =	sld [smem:$0x3FAB]  }
0x31: {  	[smem:$0x3FB4] =	sst s10  }
0x32: {  	s10 =	sld [smem:$0x3FB2];
	_ =	sdelay $0x3  }
0x33: {  	p0 =	seq.s32 s10, $0x1;
	s10 =	sld [smem:$0x3FB4];
	_ =	sdelay $0x3  }
0x34: {  	[smem:$0x3FB4] =	sst s10  }
0x35: {  	s10 =	sld [smem:$0x3FB3];
	_ =	sdelay $0x3  }
0x36: {  	p1 =	seq.s32 s10, $0x1;
	s10 =	sld [smem:$0x3FB4];
	_ =	sdelay $0x3  }
0x37: {  	[smem:$0x3FB4] =	sst s10  }
0x38: {  	s10 =	sld [smem:$0x3FB5]  }
0x39: {  	_ = 	snop;
	(pc) =	sbr.ind lr, $3  }
0x3a: {  	_ = 	snop  }
0x3b: {  	_ = 	snop  }
0x3c: {  	p2 =	seq.s32 s10, $0x1;
	s10 =	sld [smem:$0x3FB4]  }
0x3d: {  	_ =	shalt  }
0x3e: {  	_ =	shalt  }
0x3f: {  	_ =	shalt  }
0x40: {  	_ =	shalt  }
0x41: {  	_ =	shalt  }
0x42: {  	_ =	shalt  }
0x43: {  	_ =	shalt  }
0x44: {  	_ =	shalt  }
0x45: {  	_ =	shalt  }
0x46: {  	_ =	shalt  }
0x47: {  	_ =	shalt  }
0x48: {  	_ =	shalt  }
0x49: {  	_ =	shalt  }
0x4a: {  	_ =	shalt  }
0x4b: {  	_ =	shalt  }
0x4c: {  	_ =	shalt  }
0x4d: {  	_ =	shalt  }
0x4e: {  	_ =	shalt  }
0x4f: {  	_ =	shalt  }
0x50: {  	_ =	shalt  }
0x51: {  	_ =	shalt  }
0x52: {  	_ =	shalt  }
0x53: {  	_ =	shalt  }
0x54: {  	_ =	shalt  }
0x55: {  	_ =	shalt  }
0x56: {  	_ =	shalt  }
0x57: {  	_ =	shalt  }
0x58: {  	_ =	shalt  }
0x59: {  	_ =	shalt  }
0x5a: {  	_ =	shalt  }
0x5b: {  	_ =	shalt  }
0x5c: {  	_ =	shalt  }
0x5d: {  	_ =	shalt  }
0x5e: {  	_ =	shalt  }
0x5f: {  	_ =	shalt  }
0x60: {  	_ =	shalt  }
0x61: {  	_ =	shalt  }
0x62: {  	_ =	shalt  }
0x63: {  	_ =	shalt  }
0x64: {  	_ =	shalt  }
0x65: {  	_ =	shalt  }
0x66: {  	_ =	shalt  }
0x67: {  	_ =	shalt  }
0x68: {  	_ =	shalt  }
0x69: {  	_ =	shalt  }
0x6a: {  	_ =	shalt  }
0x6b: {  	_ =	shalt  }
0x6c: {  	_ =	shalt  }
0x6d: {  	_ =	shalt  }
0x6e: {  	_ =	shalt  }
0x6f: {  	_ =	shalt  }
0x70: {  	_ =	shalt  }
0x71: {  	_ =	shalt  }
0x72: {  	_ =	shalt  }
0x73: {  	_ =	shalt  }
0x74: {  	_ =	shalt  }
0x75: {  	_ =	shalt  }
0x76: {  	_ =	shalt  }
0x77: {  	_ =	shalt  }
0x78: {  	_ =	shalt  }
0x79: {  	_ =	shalt  }
0x7a: {  	_ =	shalt  }
0x7b: {  	_ =	shalt  }
0x7c: {  	_ =	shalt  }
0x7d: {  	_ =	shalt  }
0x7e: {  	_ =	shalt  }
0x7f: {  	_ =	shalt  }
0x80: {  	_ =	shalt  }
0x81: {  	_ =	shalt  }
0x82: {  	_ =	shalt  }
0x83: {  	_ =	shalt  }
0x84: {  	_ =	shalt  }
0x85: {  	_ =	shalt  }
0x86: {  	_ =	shalt  }
0x87: {  	_ =	shalt  }
.Lfunc_end0:
.L_simem_size_0:
called_computation.1_lowered:
.L_overlay_start_0:
0x88: {  	s2 =	sld [smem:$0x3FD9]  }
0x89: {  	s3 =	sld [smem:$0x3FFE];
	_ =	sdelay $0x1  }
0x8a: {  	s1 =	srdreg.scid  }
0x8b: {  	s0 =	sand.u32 $0x1, s1  }
0x8c: {  	s17 =	sshll.u32 s0, $0xA;
	s2 =	sadd.s32 s3, s2  }
0x8d: {  	s2 =	sadd.s32 s2, s17  }
0x8e: {  	[smem:$0x3FC0] =	sst s2  }
0x8f: {  	_ = 	snop  }
0x90: {  	s2 =	sld [smem:$0x3FD0];
	(tm) =	ssettm $0x1  }
0x91: {  	s18 =	sld [smem:$0x3FFB];
	_ =	sdelay $0x3  }
0x92: {  	_ =	strace s18  }
0x93: {  	s3 =	sld [smem:$0x3FFC];
	_ =	sdelay $0x3  }
0x94: {  	_ =	strace s3  }
0x95: {  	s3 =	sld [smem:$0x3FFD];
	_ =	sdelay $0x3  }
0x96: {  	_ =	strace s3  }
0x97: {  	_ =	strace $0x8FFFFFFF  }
0x98: {  	s19 =	sld [smem:$0x3FDB];
	_ =	sdelay $0x1  }
0x99: {  	s4 =	simm.s32 $_scs_section_size  }
0x9a: {  	s5 =	simm.s32 $_size__tile_overlayer_lowered;
	s6 =	simm.s32 $_tile_overlayer_lowered  }
0x9b: {  	s22 =	simm.s32 $0x1BFF;
	s21 =	sshll.u32 s6, $0x1;
	s3 =	sadd.s32 s4, s19  }
0x9c: {  	s7 =	simm.s32 $0x0;
	s20 =	sshll.u32 s5, $0x1;
	s5 =	sadd.s32 s21, s3  }
0x9d: {  	[timem:s7], [sflag:s22] =	dma.local [hbm:s5], s20  }
0x9e: {  	_ =	swait.ge [sflag:s22], s20  }
0x9f: {  	s4 =	ssub.s32 $0x0, s20;
	[sflag:s22] =	ssyncset.done $0x0  }
0xa0: {  	[sflag:s22] =	ssyncadd.s32 s4;
	_ =	sdelay $0x1  }
0xa1: {  	s23 =	simm.s32 $0x1B8B  }
0xa2: {  	_ =	swait.ge [sflag:s23], $0x1  }
0xa3: {  	[sflag:s23] =	ssyncset.done $0x0  }
0xa4: {  	s25 =	simm.s32 $0x1B8E;
	s24 =	sld [smem:$0x3FFE];
	[sflag:s23] =	ssyncadd.s32 $0xFFFFFFFF  }
0xa5: {  	s26 =	simm.s32 $execute0_lowered;
	[smem:$0x3FD2] =	sst s25  }
0xa6: {  	s5 =	sshll.u32 s26, $0x1;
	_ =	strace $0x80000049;
	[dreg:$0x1] =	wrdreg $0xFFFFFFFF  }
0xa7: {  	s28 =	simm.s32 $_size_execute0_lowered;
	s3 =	sadd.s32 s3, s5;
	[dreg:$0x0] =	wrdreg $0x0  }
0xa8: {  	s5 =	sshll.u32 s28, $0x1;
	[dreg:$0x2] =	wrdreg s3  }
0xa9: {  	[dreg:$0x3] =	wrdreg s5  }
0xaa: {  	[dreg:$0x4] =	wrdreg $0xC0  }
0xab: {  	_ =	task [dreg:s7], $0x5FFFF  }
0xac: {  	[dreg:$0x1] =	wrdreg $0xFFFFFFFF  }
0xad: {  	[dreg:$0x0] =	wrdreg $0x60  }
0xae: {  	[dreg:$0x2] =	wrdreg s24  }
0xaf: {  	[dreg:$0x3] =	wrdreg s2  }
0xb0: {  	[dreg:$0x4] =	wrdreg $0xA8000  }
0xb1: {  	[dreg:$0x5] =	wrdreg $0x9  }
0xb2: {  	_ =	task.clear_ibuf [dreg:s7], $0x6FFFF;
	_ =	strace $0x90000049  }
0xb3: {  	s29 =	simm.s32 $0x9;
	_ =	strace $0x8000004B  }
0xb4: {  	_ =	swait.ge [sflag:s29], $0x1  }
0xb5: {  	[sflag:s29] =	ssyncadd.s32 $0xFFFFFFFF  }
0xb6: {  	_ =	strace $0x9000004B  }
0xb7: {  	_ =	sfence  }
0xb8: {  	s30 =	sld [smem:$0x0];
	_ =	sdelay $0x2  }
0xb9: {  	s31 =	sshll.u32 s1, $0xD;
	s1 =	sshrl.u32 s1, $0x2  }
0xba: {  	s3 =	sand.u32 $0x4000, s31;
	s1 =	sadd.s32 s1, s30  }
0xbb: {  	s0 =	sor.u32 s3, s0;
	s1 =	sshll.u32 s1, $0x11  }
0xbc: {  	s0 =	sor.u32 s1, s0  }
0xbd: {  	s0 =	sadd.s32 $0x8F2B, s0  }
0xbe: {  	[sflag:s0] =	ssyncadd.remote.s32 $0x1  }
0xbf: {  	_ =	sfence.sel $0xFFFF  }
0xc0: {  	[dreg:$0x0] =	wrdreg $0xFFFFFFFF;
	(pc) =	sbr.abs _section_cstart, $3  }
0xc1: {  	[dreg:$0x1] =	wrdreg $0xFFFFFFFF  }
0xc2: {  	_ =	task.clear_ibuf [dreg:s7], $0x2FFFF;
	_ =	strace $0x9FFFFFFF  }
0xc3: {  	(tm) =	ssettm $0x7FFFFFFF  }
tec
execute0_lowered:
.L_overlay_start_1:
0x0: {  	(tag) =	ssettag $0x1  }
0x1: {  	s5 =	rddreg [dreg:$0x0]  }
0x2: {  	s14 =	rddreg [dreg:$0x1];
	s0 =	srdreg.scid  }
0x3: {  	s2 =	rddreg [dreg:$0x2];
	s1 =	stileid.u32  }
0x4: {  	s3 =	simm.s32 $0x0;
	s17 =	simm.s32 $0x3;
	s18 =	simm.s32 $0x1400  }
0x5: {  	s19 =	simm.s32 $0x80;
	s20 =	simm.s32 $0x6800;
	s21 =	simm.s32 $0x1  }
0x6: {  	s22 =	simm.s32 $0x2;
	s23 =	simm.s32 $0x2700;
	s7 =	smul.u32 $0x14000, s1  }
0x7: {  	s6 =	sand.u32 $0x1, s0;
	s0 =	rddreg [dreg:$0x3];
	s10 =	smul.u32 $0x50000, s1  }
0x8: {  	s24 =	simm.s32 $0x2780;
	[smem:$0x7FF] =	sst s3;
	s11 =	smul.u32 $0x500, s1  }
0x9: {  	s15 =	sadd.s32 $0xA000, s14;
	s4 =	smul.u32 $0x140000, s6;
	s30 =	ssub.s32 $0x2, s6  }
0xa: {  	_ =	strace $0x8000004A;
	p0 =	seq.s32 s6, $0x0;
	s9 =	sshrl.u32 s30, $0x1  }
0xb: {  	s31 =	sshrl.u32 s10, $0x2;
	s13 =	sadd.s32 $0x5000, s11;
	s4 =	sadd.s32 s7, s4  }
0xc: {  	s7 =	ssub.s32 s30, s9;
	s13 =	smov.u32 @p0 s11;
	s8 =	sshrl.u32 s4, $0x3  }
0xd: {  	s4 =	sadd.s32 $0x2C00, s5;
	s7 =	smax.u32 s7, $0x1;
	s12 =	sadd.s32 s14, s13  }
0xe: {  	s16 =	sadd.s32 $0x280, s13;
	s13 =	sadd.s32 s13, s15;
	s8 =	sadd.s32 s8, s5  }
0xf: {  	s5 =	sadd.s32 s31, s2;
	s14 =	sadd.s32 s14, s16;
	s15 =	sadd.s32 s16, s15  }
0x10: {  	s16 =	simm.s32 $0x2800;
	s6 =	sadd.s32 $0x2AC00, s8;
	s8 =	sadd.s32 $0x4000, s5  }
0x11: {  	v0 =	vimm.f32 $0.0e+00;
	s9 =	sadd.s32 $0x8000, s5;
	s10 =	sadd.s32 $0xC000, s5;
	s11 =	sadd.s32 $0x10000, s5  }
.LBB2_1:
0x12: {  	s25 =	simm.s32 $0x0;
	s26 =	simm.s32 $0x200  }
.LBB2_2:
0x13: {  	p0 =	sne.s32 s26, $0xFE00;
	[tilespmem:s25+$0x2870] =	vst v0  }
0x14: {  	[tilespmem:s25+$0x2800] =	vst v0  }
0x15: {  	[tilespmem:s25+$0x2810] =	vst v0  }
.Ltmp0:
0x16: {  	[tilespmem:s25+$0x2820] =	vst v0;
	(pc) =	sbr.rel @p0 .LBB2_2-.Ltmp0, $4  }
0x17: {  	[tilespmem:s25+$0x2830] =	vst v0  }
0x18: {  	[tilespmem:s25+$0x2840] =	vst v0  }
0x19: {  	[tilespmem:s25+$0x2850] =	vst v0  }
0x1a: {  	[tilespmem:s25+$0x2860] =	vst v0;
	s25 =	sshra.s32 s26, $0x2;
	s26 =	sadd.s32 $0x200, s26  }
0x1b: {  	[tilespmem:s25+$0x2870] =	vst v0  }
0x1c: {  	[tilespmem:s25+$0x2800] =	vst v0  }
0x1d: {  	[tilespmem:s25+$0x2810] =	vst v0  }
0x1e: {  	[tilespmem:s25+$0x2820] =	vst v0  }
0x1f: {  	[tilespmem:s25+$0x2830] =	vst v0  }
0x20: {  	[tilespmem:s25+$0x2840] =	vst v0  }
0x21: {  	[tilespmem:s25+$0x2850] =	vst v0  }
0x22: {  	[tilespmem:s25+$0x2860] =	vst v0  }
0x23: {  	[spmem:s5] =	stream.linear.scatter [tilespmem:s16], [sflag:$0x3], $0x4000, $0x38;
	[tilespmem:$0x1E800] =	vst v63  }
0x24: {  	_ =	swait.ge [sflag:s17], $0x4000  }
0x25: {  	[sflag:s17] =	ssyncset.done $0x0  }
0x26: {  	[sflag:s17] =	ssyncadd.s32 $0xFFFFC000  }
0x27: {  	[spmem:s8] =	stream.linear.scatter [tilespmem:s16], [sflag:$0x3], $0x4000, $0x38;
	[tilespmem:$0x1E800] =	vst v63  }
0x28: {  	_ =	swait.ge [sflag:s17], $0x4000  }
0x29: {  	[sflag:s17] =	ssyncset.done $0x0  }
0x2a: {  	[sflag:s17] =	ssyncadd.s32 $0xFFFFC000  }
0x2b: {  	[spmem:s9] =	stream.linear.scatter [tilespmem:s16], [sflag:$0x3], $0x4000, $0x38;
	[tilespmem:$0x1E800] =	vst v63  }
0x2c: {  	_ =	swait.ge [sflag:s17], $0x4000  }
0x2d: {  	[sflag:s17] =	ssyncset.done $0x0  }
0x2e: {  	[sflag:s17] =	ssyncadd.s32 $0xFFFFC000  }
0x2f: {  	[spmem:s10] =	stream.linear.scatter [tilespmem:s16], [sflag:$0x3], $0x4000, $0x38;
	[tilespmem:$0x1E800] =	vst v63  }
0x30: {  	_ =	swait.ge [sflag:s17], $0x4000  }
0x31: {  	[sflag:s17] =	ssyncset.done $0x0  }
0x32: {  	[sflag:s17] =	ssyncadd.s32 $0xFFFFC000  }
0x33: {  	[spmem:s11] =	stream.linear.scatter [tilespmem:s16], [sflag:$0x3], $0x4000, $0x38;
	[tilespmem:$0x1E800] =	vst v63  }
0x34: {  	_ =	swait.ge [sflag:s17], $0x4000  }
0x35: {  	[sflag:s17] =	ssyncset.done $0x0  }
0x36: {  	[sflag:s17] =	ssyncadd.s32 $0xFFFFC000  }
0x37: {  	s28 =	simm.s32 $0x0;
	[bflag:$0x0] =	sbarrier.arrive $0xFFFF  }
0x38: {  	[tilespmem:s28], [sflag:$0x3] =	stream.linear.gather [hbm4b:s12+s28], $0x1400, $0x38;
	[tilespmem:$0x1E800] =	vst v63  }
0x39: {  	_ =	swait.ge [sflag:s17], $0x1400  }
0x3a: {  	[sflag:s17] =	ssyncset.done $0x0  }
0x3b: {  	[sflag:s17] =	ssyncadd.s32 $0xFFFFEC00  }
0x3c: {  	[tilespmem:s18], [sflag:$0x3] =	stream.linear.gather [hbm4b:s13+s28], $0x1400, $0x38;
	[tilespmem:$0x1E800] =	vst v63  }
0x3d: {  	_ =	swait.ge [sflag:s17], $0x1400  }
0x3e: {  	[sflag:s17] =	ssyncset.done $0x0  }
0x3f: {  	[sflag:s17] =	ssyncadd.s32 $0xFFFFEC00  }
0x40: {  	[tilespmem:s16], [sflag:$0x1] =	stream.indirect.gather [hbm4b:s4+s19], $0x80, s28, s19, $0xb8;
	[tilespmem:$0x1E800] =	vst v63  }
0x41: {  	_ = 	snop  }
0x42: {  	[tilespmem:s20], [sflag:$0x2] =	stream.indirect.gather [hbm4b:s4+s19], $0x80, s19, s19, $0xb8;
	[tilespmem:$0x1E800] =	vst v63  }
0x43: {  	_ =	swait.ge [sflag:s21], $0x4000  }
0x44: {  	[sflag:s21] =	ssyncset.done $0x0  }
0x45: {  	s29 =	simm.s32 $0x1400;
	[sflag:s21] =	ssyncadd.s32 $0xFFFFC000  }
0x46: {  	[spmem:s2] =	stream.indirect.scatter.add.f32 [tilespmem:s16], [sflag:$0x3], $0x80, s29, s19, $0xb8;
	[tilespmem:$0x1E800] =	vst v63  }
0x47: {  	_ =	swait.ge [sflag:s17], $0x4000  }
0x48: {  	[sflag:s17] =	ssyncset.done $0x0  }
0x49: {  	s30 =	simm.s32 $0x100;
	[sflag:s17] =	ssyncadd.s32 $0xFFFFC000  }
0x4a: {  	[tilespmem:s16], [sflag:$0x1] =	stream.indirect.gather [hbm4b:s4+s19], $0x80, s30, s19, $0xb8;
	[tilespmem:$0x1E800] =	vst v63  }
0x4b: {  	_ =	swait.ge [sflag:s22], $0x4000  }
0x4c: {  	[sflag:s22] =	ssyncset.done $0x0  }
0x4d: {  	s31 =	simm.s32 $0x1480;
	[sflag:s22] =	ssyncadd.s32 $0xFFFFC000  }
0x4e: {  	[spmem:s2] =	stream.indirect.scatter.add.f32 [tilespmem:s20], [sflag:$0x3], $0x80, s31, s19, $0xb8;
	[tilespmem:$0x1E800] =	vst v63  }
0x4f: {  	_ =	swait.ge [sflag:s17], $0x4000  }
0x50: {  	[sflag:s17] =	ssyncset.done $0x0  }
0x51: {  	s25 =	simm.s32 $0x400;
	s26 =	simm.s32 $0x180;
	[sflag:s17] =	ssyncadd.s32 $0xFFFFC000  }
.LBB2_4:
0x52: {  	[tilespmem:s20], [sflag:$0x2] =	stream.indirect.gather [hbm4b:s4+s19], $0x80, s26, s19, $0xb8;
	[tilespmem:$0x1E800] =	vst v63  }
0x53: {  	s26 =	smov.u32 s25  }
0x54: {  	p0 =	sne.s32 s25, $0x4800;
	s25 =	sadd.s32 $0x400, s25;
	_ =	swait.ge [sflag:s21], $0x4000  }
0x55: {  	s26 =	sshra.s32 s26, $0x2;
	[sflag:s21] =	ssyncset.done $0x0  }
0x56: {  	s28 =	sadd.s32 $0x1400, s26;
	[sflag:s21] =	ssyncadd.s32 $0xFFFFC000  }
0x57: {  	[spmem:s2] =	stream.indirect.scatter.add.f32 [tilespmem:s16], [sflag:$0x3], $0x80, s28, s19, $0xb8;
	[tilespmem:$0x1E800] =	vst v63  }
0x58: {  	_ =	swait.ge [sflag:s17], $0x4000  }
0x59: {  	[sflag:s17] =	ssyncset.done $0x0  }
0x5a: {  	s28 =	sadd.s32 $0x100, s26;
	[sflag:s17] =	ssyncadd.s32 $0xFFFFC000  }
0x5b: {  	[tilespmem:s16], [sflag:$0x1] =	stream.indirect.gather [hbm4b:s4+s19], $0x80, s28, s19, $0xb8;
	[tilespmem:$0x1E800] =	vst v63  }
0x5c: {  	_ =	swait.ge [sflag:s22], $0x4000  }
0x5d: {  	[sflag:s22] =	ssyncset.done $0x0  }
.Ltmp1:
0x5e: {  	s28 =	sadd.s32 $0x1480, s26;
	[sflag:s22] =	ssyncadd.s32 $0xFFFFC000;
	(pc) =	sbr.rel @p0 .LBB2_4-.Ltmp1, $4  }
0x5f: {  	[spmem:s2] =	stream.indirect.scatter.add.f32 [tilespmem:s20], [sflag:$0x3], $0x80, s28, s19, $0xb8;
	[tilespmem:$0x1E800] =	vst v63  }
0x60: {  	_ =	swait.ge [sflag:s17], $0x4000  }
0x61: {  	[sflag:s17] =	ssyncset.done $0x0  }
0x62: {  	s26 =	sadd.s32 $0x180, s26;
	[sflag:s17] =	ssyncadd.s32 $0xFFFFC000  }
0x63: {  	[tilespmem:s20], [sflag:$0x2] =	stream.indirect.gather [hbm4b:s4+s19], $0x80, s26, s19, $0xb8;
	[tilespmem:$0x1E800] =	vst v63  }
0x64: {  	_ =	swait.ge [sflag:s21], $0x4000  }
0x65: {  	[sflag:s21] =	ssyncset.done $0x0  }
0x66: {  	[sflag:s21] =	ssyncadd.s32 $0xFFFFC000  }
0x67: {  	[spmem:s2] =	stream.indirect.scatter.add.f32 [tilespmem:s16], [sflag:$0x3], $0x80, s23, s19, $0xb8;
	[tilespmem:$0x1E800] =	vst v63  }
0x68: {  	_ =	swait.ge [sflag:s17], $0x4000  }
0x69: {  	[sflag:s17] =	ssyncset.done $0x0  }
0x6a: {  	[sflag:s17] =	ssyncadd.s32 $0xFFFFC000  }
0x6b: {  	_ =	swait.ge [sflag:s22], $0x4000  }
0x6c: {  	[sflag:s22] =	ssyncset.done $0x0  }
0x6d: {  	[sflag:s22] =	ssyncadd.s32 $0xFFFFC000  }
0x6e: {  	[spmem:s2] =	stream.indirect.scatter.add.f32 [tilespmem:s20], [sflag:$0x3], $0x80, s24, s19, $0xb8;
	[tilespmem:$0x1E800] =	vst v63  }
0x6f: {  	_ =	swait.ge [sflag:s17], $0x4000  }
0x70: {  	[sflag:s17] =	ssyncset.done $0x0  }
0x71: {  	s25 =	simm.s32 $0x0;
	[sflag:s17] =	ssyncadd.s32 $0xFFFFC000  }
0x72: {  	[tilespmem:s25], [sflag:$0x3] =	stream.linear.gather [hbm4b:s14+s25], $0x1400, $0x38;
	[tilespmem:$0x1E800] =	vst v63  }
0x73: {  	_ =	swait.ge [sflag:s17], $0x1400  }
0x74: {  	[sflag:s17] =	ssyncset.done $0x0  }
0x75: {  	[sflag:s17] =	ssyncadd.s32 $0xFFFFEC00  }
0x76: {  	[tilespmem:s18], [sflag:$0x3] =	stream.linear.gather [hbm4b:s15+s25], $0x1400, $0x38;
	[tilespmem:$0x1E800] =	vst v63  }
0x77: {  	_ =	swait.ge [sflag:s17], $0x1400  }
0x78: {  	[sflag:s17] =	ssyncset.done $0x0  }
0x79: {  	[sflag:s17] =	ssyncadd.s32 $0xFFFFEC00  }
0x7a: {  	[tilespmem:s16], [sflag:$0x1] =	stream.indirect.gather [hbm4b:s4+s19], $0x80, s25, s19, $0xb8;
	[tilespmem:$0x1E800] =	vst v63  }
0x7b: {  	_ = 	snop  }
0x7c: {  	[tilespmem:s20], [sflag:$0x2] =	stream.indirect.gather [hbm4b:s4+s19], $0x80, s19, s19, $0xb8;
	[tilespmem:$0x1E800] =	vst v63  }
0x7d: {  	_ =	swait.ge [sflag:s21], $0x4000  }
0x7e: {  	[sflag:s21] =	ssyncset.done $0x0  }
0x7f: {  	s29 =	simm.s32 $0x1400;
	[sflag:s21] =	ssyncadd.s32 $0xFFFFC000  }
0x80: {  	[spmem:s2] =	stream.indirect.scatter.add.f32 [tilespmem:s16], [sflag:$0x3], $0x80, s29, s19, $0xb8;
	[tilespmem:$0x1E800] =	vst v63  }
0x81: {  	_ =	swait.ge [sflag:s17], $0x4000  }
0x82: {  	[sflag:s17] =	ssyncset.done $0x0  }
0x83: {  	s30 =	simm.s32 $0x100;
	[sflag:s17] =	ssyncadd.s32 $0xFFFFC000  }
0x84: {  	[tilespmem:s16], [sflag:$0x1] =	stream.indirect.gather [hbm4b:s4+s19], $0x80, s30, s19, $0xb8;
	[tilespmem:$0x1E800] =	vst v63  }
0x85: {  	_ =	swait.ge [sflag:s22], $0x4000  }
0x86: {  	[sflag:s22] =	ssyncset.done $0x0  }
0x87: {  	s31 =	simm.s32 $0x1480;
	[sflag:s22] =	ssyncadd.s32 $0xFFFFC000  }
0x88: {  	[spmem:s2] =	stream.indirect.scatter.add.f32 [tilespmem:s20], [sflag:$0x3], $0x80, s31, s19, $0xb8;
	[tilespmem:$0x1E800] =	vst v63  }
0x89: {  	_ =	swait.ge [sflag:s17], $0x4000  }
0x8a: {  	[sflag:s17] =	ssyncset.done $0x0  }
0x8b: {  	s26 =	simm.s32 $0x180;
	s25 =	simm.s32 $0x400;
	[sflag:s17] =	ssyncadd.s32 $0xFFFFC000  }
.LBB2_6:
0x8c: {  	[tilespmem:s20], [sflag:$0x2] =	stream.indirect.gather [hbm4b:s4+s19], $0x80, s26, s19, $0xb8;
	[tilespmem:$0x1E800] =	vst v63  }
0x8d: {  	s26 =	smov.u32 s25  }
0x8e: {  	p0 =	sne.s32 s25, $0x4800;
	s25 =	sadd.s32 $0x400, s25;
	_ =	swait.ge [sflag:s21], $0x4000  }
0x8f: {  	s26 =	sshra.s32 s26, $0x2;
	[sflag:s21] =	ssyncset.done $0x0  }
0x90: {  	s28 =	sadd.s32 $0x1400, s26;
	[sflag:s21] =	ssyncadd.s32 $0xFFFFC000  }
0x91: {  	[spmem:s2] =	stream.indirect.scatter.add.f32 [tilespmem:s16], [sflag:$0x3], $0x80, s28, s19, $0xb8;
	[tilespmem:$0x1E800] =	vst v63  }
0x92: {  	_ =	swait.ge [sflag:s17], $0x4000  }
0x93: {  	[sflag:s17] =	ssyncset.done $0x0  }
0x94: {  	s28 =	sadd.s32 $0x100, s26;
	[sflag:s17] =	ssyncadd.s32 $0xFFFFC000  }
0x95: {  	[tilespmem:s16], [sflag:$0x1] =	stream.indirect.gather [hbm4b:s4+s19], $0x80, s28, s19, $0xb8;
	[tilespmem:$0x1E800] =	vst v63  }
0x96: {  	_ =	swait.ge [sflag:s22], $0x4000  }
0x97: {  	[sflag:s22] =	ssyncset.done $0x0  }
.Ltmp2:
0x98: {  	s28 =	sadd.s32 $0x1480, s26;
	[sflag:s22] =	ssyncadd.s32 $0xFFFFC000;
	(pc) =	sbr.rel @p0 .LBB2_6-.Ltmp2, $4  }
0x99: {  	[spmem:s2] =	stream.indirect.scatter.add.f32 [tilespmem:s20], [sflag:$0x3], $0x80, s28, s19, $0xb8;
	[tilespmem:$0x1E800] =	vst v63  }
0x9a: {  	_ =	swait.ge [sflag:s17], $0x4000  }
0x9b: {  	[sflag:s17] =	ssyncset.done $0x0  }
0x9c: {  	s26 =	sadd.s32 $0x180, s26;
	[sflag:s17] =	ssyncadd.s32 $0xFFFFC000  }
0x9d: {  	[tilespmem:s20], [sflag:$0x2] =	stream.indirect.gather [hbm4b:s4+s19], $0x80, s26, s19, $0xb8;
	[tilespmem:$0x1E800] =	vst v63  }
0x9e: {  	_ =	swait.ge [sflag:s21], $0x4000  }
0x9f: {  	[sflag:s21] =	ssyncset.done $0x0  }
0xa0: {  	[sflag:s21] =	ssyncadd.s32 $0xFFFFC000  }
0xa1: {  	[spmem:s2] =	stream.indirect.scatter.add.f32 [tilespmem:s16], [sflag:$0x3], $0x80, s23, s19, $0xb8;
	[tilespmem:$0x1E800] =	vst v63  }
0xa2: {  	_ =	swait.ge [sflag:s17], $0x4000  }
0xa3: {  	[sflag:s17] =	ssyncset.done $0x0  }
0xa4: {  	[sflag:s17] =	ssyncadd.s32 $0xFFFFC000  }
0xa5: {  	_ =	swait.ge [sflag:s22], $0x4000  }
0xa6: {  	[sflag:s22] =	ssyncset.done $0x0  }
0xa7: {  	[sflag:s22] =	ssyncadd.s32 $0xFFFFC000  }
0xa8: {  	[spmem:s2] =	stream.indirect.scatter.add.f32 [tilespmem:s20], [sflag:$0x3], $0x80, s24, s19, $0xb8;
	[tilespmem:$0x1E800] =	vst v63  }
0xa9: {  	_ =	swait.ge [sflag:s17], $0x4000  }
0xaa: {  	s25 =	sshll.u32 s1, $0x6;
	s3 =	sadd.s32 $0x1, s3;
	[sflag:s17] =	ssyncset.done $0x0  }
0xab: {  	s31 =	sshrl.u32 s5, $0x3;
	p0 =	sne.s32 s3, s7;
	[sflag:s17] =	ssyncadd.s32 $0xFFFFC000  }
.Ltmp3:
0xac: {  	s25 =	sor.u32 $0x1C03, s25;
	[bflag:$0x0] =	sbarrier.arrive $0xFFFF;
	(pc) =	sbr.rel @p0 .LBB2_1-.Ltmp3, $4  }
0xad: {  	[hbm:s6], [sflag:s25] =	dma.local [spmem:s31], $0x2800  }
0xae: {  	_ =	swait.ge [sflag:s17], $0x2800  }
0xaf: {  	[sflag:s17] =	ssyncset.done $0x0  }
0xb0: {  	[sflag:s17] =	ssyncadd.s32 $0xFFFFD800  }
0xb1: {  	_ =	sfence.sel $0x180000  }
0xb2: {  	[bflag:$0x0] =	sbarrier.arrive $0xFFFF  }
0xb3: {  	p0 =	sne.s32 s1, $0x0;
	_ =	strace $0x9000004A  }
0xb4: {  	s0 =	sadd.s32 @!p0 $0x100000, s0;
	[bflag:$0x2] =	sbarrier.arrive $0xFFFF  }
0xb5: {  	[sflag:s0] =	ssyncadd.tile.s32 @!p0 $0x1;
	_ =	shalt  }
.Lfunc_end2:
_tile_overlayer_lowered:
.L_overlay_start_2:
0xb6: {  	(tag) =	ssettag $0x2  }
0xb7: {  	s0 =	rddreg [dreg:$0x0];
	s2 =	stileid.u32  }
0xb8: {  	s1 =	rddreg [dreg:$0x1];
	p0 =	sne.s32 s2, $0x0  }
0xb9: {  	s3 =	rddreg [dreg:$0x2];
	[bflag:$0x3] =	sbarrier.arrive $0xFFFF;
	s2 =	simm.s32 @!p0 $0x1C03  }
0xba: {  	[timem:s3], [sflag:s2] =	dma.local @!p0 [hbm:s0], s1  }
0xbb: {  	s0 =	simm.s32 @!p0 $0x3  }
0xbc: {  	_ =	swait.ge @!p0 [sflag:s0], s1  }
0xbd: {  	s1 =	ssub.s32 @!p0 $0x0, s1;
	[sflag:s0] =	ssyncset.done @!p0 $0x0  }
0xbe: {  	[sflag:s0] =	ssyncadd.s32 @!p0 s1  }
0xbf: {  	[bflag:$0x3] =	sbarrier.arrive $0xFFFF  }
0xc0: {  	_ =	shalt  }

// kernel: kernel.14.cloned.1.call-start
scs
__scs_entry_jumppad:
0x0: {  	(pc) =	sbr.rel $0x88, $3  }
0x1: {  	(tag) =	ssettag $0x0;
	lr =	simm.s32 $0x1  }
0x2: {  	[smem:$0x3F99] =	sst lr;
	_ =	strace $0xD0000000  }
0x3: {  	_ = 	snop  }
0x4: {  	_ = 	snop  }
0x5: {  	_ = 	snop  }
0x6: {  	_ = 	snop  }
0x7: {  	_ = 	snop  }
__scs_overlays_trampoline_lowered:
0x8: {  	[smem:$0x3FA8] =	sst s0  }
0x9: {  	[smem:$0x3FA9] =	sst s1  }
0xa: {  	[smem:$0x3FAA] =	sst s2  }
0xb: {  	[smem:$0x3FAB] =	sst s3  }
0xc: {  	[smem:$0x3FAC] =	sst s4  }
0xd: {  	[smem:$0x3FAD] =	sst s5  }
0xe: {  	[smem:$0x3FAE] =	sst s6  }
0xf: {  	[smem:$0x3FAF] =	sst s7  }
0x10: {  	[smem:$0x3FB0] =	sst s8  }
0x11: {  	[smem:$0x3FB1] =	sst s9;
	s0 =	simm.s32 @!p0 $0x0  }
0x12: {  	s1 =	sld [smem:$0x3F97];
	s0 =	simm.s32 @p0 $0x1  }
0x13: {  	[smem:$0x3FB2] =	sst s0;
	s0 =	simm.s32 @!p1 $0x0  }
0x14: {  	s2 =	sld [smem:$0x3F96];
	s0 =	simm.s32 @p1 $0x1  }
0x15: {  	[smem:$0x3FB3] =	sst s0;
	s0 =	simm.s32 @!p2 $0x0  }
0x16: {  	s3 =	sld [smem:$0x3FDB];
	s0 =	simm.s32 @p2 $0x1  }
0x17: {  	s4 =	simm.s32 $0x1BF5;
	[smem:$0x3FB5] =	sst s0  }
0x18: {  	s0 =	sld [smem:$0x3F98];
	_ =	swait.ge [sflag:s4], $0x0  }
0x19: {  	s7 =	sld [smem:$0x3F99]  }
0x1a: {  	s8 =	sadd.s32 $0xFFFFE003, lr  }
0x1b: {  	s9 =	sadd.s32 $0xFFFFFEF7, lr;
	s5 =	simm.s32 $0xFFFFFFFF;
	p2 =	slt.u32 s8, $0xFFFFF086  }
0x1c: {  	p1 =	slt.u32 s9, $0xF7A;
	s5 =	simm.s32 @!p2 $0x0  }
0x1d: {  	s5 =	simm.s32 @p1 $0x1;
	p0 =	seq.s32 s7, s2  }
0x1e: {  	s7 =	smul.u32 @!p0 $0xF7A, s2;
	p2 =	seq.s32 @!p0 s5, $0x0  }
0x1f: {  	s9 =	smul.u32 $0xF7A, s1;
	s8 =	simm.s32 @!p0 $0x1BF5;
	p2 =	por !p2, p0  }
0x20: {  	[sflag:s8] =	ssyncset.s32 @!p0 $0xFFFFF086;
	s6 =	sadd.s32 @!p0 s3, s7;
	s7 =	simm.s32 @!p0 $0x108  }
0x21: {  	s3 =	sadd.s32 s3, s9;
	s6 =	sadd.s32 @!p0 $0x88, s6;
	s7 =	simm.s32 @p2 $0x1082  }
0x22: {  	[simem:s7], [sflag:s8] =	dma.local @!p0 [hbm:s6], $0xF7A  }
0x23: {  	s9 =	sor.u32 $0xD0000000, s2;
	s6 =	simm.s32 $0x108;
	_ =	swait.ge @!p0 [sflag:s8], $0x0  }
0x24: {  	s3 =	sadd.s32 $0x88, s3;
	s6 =	simm.s32 @!p1 $0x1082;
	[sflag:s4] =	ssyncset.s32 $0xFFFFF086  }
0x25: {  	[simem:s6], [sflag:s4] =	dma.local [hbm:s3], $0xF7A  }
0x26: {  	[smem:$0x3F99] =	sst s1;
	(tag) =	ssettag s2;
	_ =	strace s9  }
0x27: {  	s1 =	sld [smem:$0x3FA9]  }
0x28: {  	s2 =	sld [smem:$0x3FAA]  }
0x29: {  	s4 =	sld [smem:$0x3FAC]  }
0x2a: {  	p0 =	seq.s32 s5, $0x0;
	s5 =	sld [smem:$0x3FAD]  }
0x2b: {  	s6 =	sld [smem:$0x3FAE]  }
0x2c: {  	s7 =	sld [smem:$0x3FAF]  }
0x2d: {  	s3 =	simm.s32 $0x108;
	s8 =	sld [smem:$0x3FB0]  }
0x2e: {  	s3 =	simm.s32 @!p0 $0x1082;
	s9 =	sld [smem:$0x3FB1]  }
0x2f: {  	lr =	sadd.s32 s0, s3;
	s0 =	sld [smem:$0x3FA8]  }
0x30: {  	s3 =	sld [smem:$0x3FAB]  }
0x31: {  	[smem:$0x3FB4] =	sst s10  }
0x32: {  	s10 =	sld [smem:$0x3FB2];
	_ =	sdelay $0x3  }
0x33: {  	p0 =	seq.s32 s10, $0x1;
	s10 =	sld [smem:$0x3FB4];
	_ =	sdelay $0x3  }
0x34: {  	[smem:$0x3FB4] =	sst s10  }
0x35: {  	s10 =	sld [smem:$0x3FB3];
	_ =	sdelay $0x3  }
0x36: {  	p1 =	seq.s32 s10, $0x1;
	s10 =	sld [smem:$0x3FB4];
	_ =	sdelay $0x3  }
0x37: {  	[smem:$0x3FB4] =	sst s10  }
0x38: {  	s10 =	sld [smem:$0x3FB5]  }
0x39: {  	_ = 	snop;
	(pc) =	sbr.ind lr, $3  }
0x3a: {  	_ = 	snop  }
0x3b: {  	_ = 	snop  }
0x3c: {  	p2 =	seq.s32 s10, $0x1;
	s10 =	sld [smem:$0x3FB4]  }
0x3d: {  	_ =	shalt  }
0x3e: {  	_ =	shalt  }
0x3f: {  	_ =	shalt  }
0x40: {  	_ =	shalt  }
0x41: {  	_ =	shalt  }
0x42: {  	_ =	shalt  }
0x43: {  	_ =	shalt  }
0x44: {  	_ =	shalt  }
0x45: {  	_ =	shalt  }
0x46: {  	_ =	shalt  }
0x47: {  	_ =	shalt  }
0x48: {  	_ =	shalt  }
0x49: {  	_ =	shalt  }
0x4a: {  	_ =	shalt  }
0x4b: {  	_ =	shalt  }
0x4c: {  	_ =	shalt  }
0x4d: {  	_ =	shalt  }
0x4e: {  	_ =	shalt  }
0x4f: {  	_ =	shalt  }
0x50: {  	_ =	shalt  }
0x51: {  	_ =	shalt  }
0x52: {  	_ =	shalt  }
0x53: {  	_ =	shalt  }
0x54: {  	_ =	shalt  }
0x55: {  	_ =	shalt  }
0x56: {  	_ =	shalt  }
0x57: {  	_ =	shalt  }
0x58: {  	_ =	shalt  }
0x59: {  	_ =	shalt  }
0x5a: {  	_ =	shalt  }
0x5b: {  	_ =	shalt  }
0x5c: {  	_ =	shalt  }
0x5d: {  	_ =	shalt  }
0x5e: {  	_ =	shalt  }
0x5f: {  	_ =	shalt  }
0x60: {  	_ =	shalt  }
0x61: {  	_ =	shalt  }
0x62: {  	_ =	shalt  }
0x63: {  	_ =	shalt  }
0x64: {  	_ =	shalt  }
0x65: {  	_ =	shalt  }
0x66: {  	_ =	shalt  }
0x67: {  	_ =	shalt  }
0x68: {  	_ =	shalt  }
0x69: {  	_ =	shalt  }
0x6a: {  	_ =	shalt  }
0x6b: {  	_ =	shalt  }
0x6c: {  	_ =	shalt  }
0x6d: {  	_ =	shalt  }
0x6e: {  	_ =	shalt  }
0x6f: {  	_ =	shalt  }
0x70: {  	_ =	shalt  }
0x71: {  	_ =	shalt  }
0x72: {  	_ =	shalt  }
0x73: {  	_ =	shalt  }
0x74: {  	_ =	shalt  }
0x75: {  	_ =	shalt  }
0x76: {  	_ =	shalt  }
0x77: {  	_ =	shalt  }
0x78: {  	_ =	shalt  }
0x79: {  	_ =	shalt  }
0x7a: {  	_ =	shalt  }
0x7b: {  	_ =	shalt  }
0x7c: {  	_ =	shalt  }
0x7d: {  	_ =	shalt  }
0x7e: {  	_ =	shalt  }
0x7f: {  	_ =	shalt  }
0x80: {  	_ =	shalt  }
0x81: {  	_ =	shalt  }
0x82: {  	_ =	shalt  }
0x83: {  	_ =	shalt  }
0x84: {  	_ =	shalt  }
0x85: {  	_ =	shalt  }
0x86: {  	_ =	shalt  }
0x87: {  	_ =	shalt  }
.Lfunc_end0:
.L_simem_size_0:
called_computation.2_lowered:
.L_overlay_start_0:
0x88: {  	s2 =	sld [smem:$0x3FD9]  }
0x89: {  	s3 =	sld [smem:$0x3FFE];
	_ =	sdelay $0x1  }
0x8a: {  	s1 =	srdreg.scid  }
0x8b: {  	s0 =	sand.u32 $0x1, s1  }
0x8c: {  	s17 =	sshll.u32 s0, $0xA;
	s2 =	sadd.s32 s3, s2  }
0x8d: {  	s2 =	sadd.s32 s2, s17  }
0x8e: {  	[smem:$0x3FC0] =	sst s2  }
0x8f: {  	_ = 	snop  }
0x90: {  	s2 =	sld [smem:$0x3FD0];
	(tm) =	ssettm $0x1  }
0x91: {  	s18 =	sld [smem:$0x3FFB];
	_ =	sdelay $0x3  }
0x92: {  	_ =	strace s18  }
0x93: {  	s3 =	sld [smem:$0x3FFC];
	_ =	sdelay $0x3  }
0x94: {  	_ =	strace s3  }
0x95: {  	s3 =	sld [smem:$0x3FFD];
	_ =	sdelay $0x3  }
0x96: {  	_ =	strace s3  }
0x97: {  	_ =	strace $0x8FFFFFFF  }
0x98: {  	s19 =	sld [smem:$0x3FDB];
	_ =	sdelay $0x1  }
0x99: {  	s4 =	simm.s32 $_scs_section_size  }
0x9a: {  	s5 =	simm.s32 $_size__tile_overlayer_lowered;
	s6 =	simm.s32 $_tile_overlayer_lowered  }
0x9b: {  	s22 =	simm.s32 $0x1BFF;
	s21 =	sshll.u32 s6, $0x1;
	s3 =	sadd.s32 s4, s19  }
0x9c: {  	s7 =	simm.s32 $0x0;
	s20 =	sshll.u32 s5, $0x1;
	s5 =	sadd.s32 s21, s3  }
0x9d: {  	[timem:s7], [sflag:s22] =	dma.local [hbm:s5], s20  }
0x9e: {  	_ =	swait.ge [sflag:s22], s20  }
0x9f: {  	s4 =	ssub.s32 $0x0, s20;
	[sflag:s22] =	ssyncset.done $0x0  }
0xa0: {  	[sflag:s22] =	ssyncadd.s32 s4;
	_ =	sdelay $0x1  }
0xa1: {  	s23 =	simm.s32 $0x1B8B  }
0xa2: {  	_ =	swait.ge [sflag:s23], $0x1  }
0xa3: {  	[sflag:s23] =	ssyncset.done $0x0  }
0xa4: {  	s25 =	simm.s32 $0x1B8E;
	s24 =	sld [smem:$0x3FFE];
	[sflag:s23] =	ssyncadd.s32 $0xFFFFFFFF  }
0xa5: {  	s26 =	simm.s32 $execute0_lowered;
	[smem:$0x3FD2] =	sst s25  }
0xa6: {  	s5 =	sshll.u32 s26, $0x1;
	_ =	strace $0x8000004C;
	[dreg:$0x1] =	wrdreg $0xFFFFFFFF  }
0xa7: {  	s28 =	simm.s32 $_size_execute0_lowered;
	s3 =	sadd.s32 s3, s5;
	[dreg:$0x0] =	wrdreg $0x0  }
0xa8: {  	s5 =	sshll.u32 s28, $0x1;
	[dreg:$0x2] =	wrdreg s3  }
0xa9: {  	[dreg:$0x3] =	wrdreg s5  }
0xaa: {  	[dreg:$0x4] =	wrdreg $0xC0  }
0xab: {  	_ =	task [dreg:s7], $0x5FFFF  }
0xac: {  	[dreg:$0x1] =	wrdreg $0xFFFFFFFF  }
0xad: {  	[dreg:$0x0] =	wrdreg $0x60  }
0xae: {  	[dreg:$0x2] =	wrdreg s24  }
0xaf: {  	[dreg:$0x3] =	wrdreg s2  }
0xb0: {  	[dreg:$0x4] =	wrdreg $0xA8000  }
0xb1: {  	[dreg:$0x5] =	wrdreg $0x9  }
0xb2: {  	_ =	task.clear_ibuf [dreg:s7], $0x6FFFF;
	_ =	strace $0x9000004C  }
0xb3: {  	s29 =	simm.s32 $0x9;
	_ =	strace $0x8000004E  }
0xb4: {  	_ =	swait.ge [sflag:s29], $0x1  }
0xb5: {  	[sflag:s29] =	ssyncadd.s32 $0xFFFFFFFF  }
0xb6: {  	_ =	strace $0x9000004E  }
0xb7: {  	_ =	sfence  }
0xb8: {  	s30 =	sld [smem:$0x0];
	_ =	sdelay $0x2  }
0xb9: {  	s31 =	sshll.u32 s1, $0xD;
	s1 =	sshrl.u32 s1, $0x2  }
0xba: {  	s3 =	sand.u32 $0x4000, s31;
	s1 =	sadd.s32 s1, s30  }
0xbb: {  	s0 =	sor.u32 s3, s0;
	s1 =	sshll.u32 s1, $0x11  }
0xbc: {  	s0 =	sor.u32 s1, s0  }
0xbd: {  	s0 =	sadd.s32 $0x8F2B, s0  }
0xbe: {  	[sflag:s0] =	ssyncadd.remote.s32 $0x1  }
0xbf: {  	_ =	sfence.sel $0xFFFF  }
0xc0: {  	[dreg:$0x0] =	wrdreg $0xFFFFFFFF;
	(pc) =	sbr.abs _section_cstart, $3  }
0xc1: {  	[dreg:$0x1] =	wrdreg $0xFFFFFFFF  }
0xc2: {  	_ =	task.clear_ibuf [dreg:s7], $0x2FFFF;
	_ =	strace $0x9FFFFFFF  }
0xc3: {  	(tm) =	ssettm $0x7FFFFFFF  }
tec
execute0_lowered:
.L_overlay_start_1:
0x0: {  	(tag) =	ssettag $0x1  }
0x1: {  	s5 =	rddreg [dreg:$0x0]  }
0x2: {  	s14 =	rddreg [dreg:$0x1];
	s0 =	srdreg.scid  }
0x3: {  	s2 =	rddreg [dreg:$0x2];
	s1 =	stileid.u32  }
0x4: {  	s3 =	simm.s32 $0x0;
	s17 =	simm.s32 $0x3;
	s18 =	simm.s32 $0x1400  }
0x5: {  	s19 =	simm.s32 $0x80;
	s20 =	simm.s32 $0x6800;
	s21 =	simm.s32 $0x1  }
0x6: {  	s22 =	simm.s32 $0x2;
	s23 =	simm.s32 $0x2700;
	s7 =	smul.u32 $0x14000, s1  }
0x7: {  	s6 =	sand.u32 $0x1, s0;
	s0 =	rddreg [dreg:$0x3];
	s10 =	smul.u32 $0x50000, s1  }
0x8: {  	s24 =	simm.s32 $0x2780;
	[smem:$0x7FF] =	sst s3;
	s11 =	smul.u32 $0x500, s1  }
0x9: {  	s15 =	sadd.s32 $0xA000, s14;
	s4 =	smul.u32 $0x140000, s6;
	s30 =	ssub.s32 $0x2, s6  }
0xa: {  	_ =	strace $0x8000004D;
	p0 =	seq.s32 s6, $0x0;
	s9 =	sshrl.u32 s30, $0x1  }
0xb: {  	s31 =	sshrl.u32 s10, $0x2;
	s13 =	sadd.s32 $0x5000, s11;
	s4 =	sadd.s32 s7, s4  }
0xc: {  	s7 =	ssub.s32 s30, s9;
	s13 =	smov.u32 @p0 s11;
	s8 =	sshrl.u32 s4, $0x3  }
0xd: {  	s4 =	sadd.s32 $0x2C00, s5;
	s7 =	smax.u32 s7, $0x1;
	s12 =	sadd.s32 s14, s13  }
0xe: {  	s16 =	sadd.s32 $0x280, s13;
	s13 =	sadd.s32 s13, s15;
	s8 =	sadd.s32 s8, s5  }
0xf: {  	s5 =	sadd.s32 s31, s2;
	s14 =	sadd.s32 s14, s16;
	s15 =	sadd.s32 s16, s15  }
0x10: {  	s16 =	simm.s32 $0x2800;
	s6 =	sadd.s32 $0x2AC00, s8;
	s8 =	sadd.s32 $0x4000, s5  }
0x11: {  	v0 =	vimm.f32 $0.0e+00;
	s9 =	sadd.s32 $0x8000, s5;
	s10 =	sadd.s32 $0xC000, s5;
	s11 =	sadd.s32 $0x10000, s5  }
.LBB2_1:
0x12: {  	s25 =	simm.s32 $0x0;
	s26 =	simm.s32 $0x200  }
.LBB2_2:
0x13: {  	p0 =	sne.s32 s26, $0xFE00;
	[tilespmem:s25+$0x2870] =	vst v0  }
0x14: {  	[tilespmem:s25+$0x2800] =	vst v0  }
0x15: {  	[tilespmem:s25+$0x2810] =	vst v0  }
.Ltmp0:
0x16: {  	[tilespmem:s25+$0x2820] =	vst v0;
	(pc) =	sbr.rel @p0 .LBB2_2-.Ltmp0, $4  }
0x17: {  	[tilespmem:s25+$0x2830] =	vst v0  }
0x18: {  	[tilespmem:s25+$0x2840] =	vst v0  }
0x19: {  	[tilespmem:s25+$0x2850] =	vst v0  }
0x1a: {  	[tilespmem:s25+$0x2860] =	vst v0;
	s25 =	sshra.s32 s26, $0x2;
	s26 =	sadd.s32 $0x200, s26  }
0x1b: {  	[tilespmem:s25+$0x2870] =	vst v0  }
0x1c: {  	[tilespmem:s25+$0x2800] =	vst v0  }
0x1d: {  	[tilespmem:s25+$0x2810] =	vst v0  }
0x1e: {  	[tilespmem:s25+$0x2820] =	vst v0  }
0x1f: {  	[tilespmem:s25+$0x2830] =	vst v0  }
0x20: {  	[tilespmem:s25+$0x2840] =	vst v0  }
0x21: {  	[tilespmem:s25+$0x2850] =	vst v0  }
0x22: {  	[tilespmem:s25+$0x2860] =	vst v0  }
0x23: {  	[spmem:s5] =	stream.linear.scatter [tilespmem:s16], [sflag:$0x3], $0x4000, $0x38;
	[tilespmem:$0x1E800] =	vst v63  }
0x24: {  	_ =	swait.ge [sflag:s17], $0x4000  }
0x25: {  	[sflag:s17] =	ssyncset.done $0x0  }
0x26: {  	[sflag:s17] =	ssyncadd.s32 $0xFFFFC000  }
0x27: {  	[spmem:s8] =	stream.linear.scatter [tilespmem:s16], [sflag:$0x3], $0x4000, $0x38;
	[tilespmem:$0x1E800] =	vst v63  }
0x28: {  	_ =	swait.ge [sflag:s17], $0x4000  }
0x29: {  	[sflag:s17] =	ssyncset.done $0x0  }
0x2a: {  	[sflag:s17] =	ssyncadd.s32 $0xFFFFC000  }
0x2b: {  	[spmem:s9] =	stream.linear.scatter [tilespmem:s16], [sflag:$0x3], $0x4000, $0x38;
	[tilespmem:$0x1E800] =	vst v63  }
0x2c: {  	_ =	swait.ge [sflag:s17], $0x4000  }
0x2d: {  	[sflag:s17] =	ssyncset.done $0x0  }
0x2e: {  	[sflag:s17] =	ssyncadd.s32 $0xFFFFC000  }
0x2f: {  	[spmem:s10] =	stream.linear.scatter [tilespmem:s16], [sflag:$0x3], $0x4000, $0x38;
	[tilespmem:$0x1E800] =	vst v63  }
0x30: {  	_ =	swait.ge [sflag:s17], $0x4000  }
0x31: {  	[sflag:s17] =	ssyncset.done $0x0  }
0x32: {  	[sflag:s17] =	ssyncadd.s32 $0xFFFFC000  }
0x33: {  	[spmem:s11] =	stream.linear.scatter [tilespmem:s16], [sflag:$0x3], $0x4000, $0x38;
	[tilespmem:$0x1E800] =	vst v63  }
0x34: {  	_ =	swait.ge [sflag:s17], $0x4000  }
0x35: {  	[sflag:s17] =	ssyncset.done $0x0  }
0x36: {  	[sflag:s17] =	ssyncadd.s32 $0xFFFFC000  }
0x37: {  	s28 =	simm.s32 $0x0;
	[bflag:$0x0] =	sbarrier.arrive $0xFFFF  }
0x38: {  	[tilespmem:s28], [sflag:$0x3] =	stream.linear.gather [hbm4b:s12+s28], $0x1400, $0x38;
	[tilespmem:$0x1E800] =	vst v63  }
0x39: {  	_ =	swait.ge [sflag:s17], $0x1400  }
0x3a: {  	[sflag:s17] =	ssyncset.done $0x0  }
0x3b: {  	[sflag:s17] =	ssyncadd.s32 $0xFFFFEC00  }
0x3c: {  	[tilespmem:s18], [sflag:$0x3] =	stream.linear.gather [hbm4b:s13+s28], $0x1400, $0x38;
	[tilespmem:$0x1E800] =	vst v63  }
0x3d: {  	_ =	swait.ge [sflag:s17], $0x1400  }
0x3e: {  	[sflag:s17] =	ssyncset.done $0x0  }
0x3f: {  	[sflag:s17] =	ssyncadd.s32 $0xFFFFEC00  }
0x40: {  	[tilespmem:s16], [sflag:$0x1] =	stream.indirect.gather [hbm4b:s4+s19], $0x80, s28, s19, $0xb8;
	[tilespmem:$0x1E800] =	vst v63  }
0x41: {  	_ = 	snop  }
0x42: {  	[tilespmem:s20], [sflag:$0x2] =	stream.indirect.gather [hbm4b:s4+s19], $0x80, s19, s19, $0xb8;
	[tilespmem:$0x1E800] =	vst v63  }
0x43: {  	_ =	swait.ge [sflag:s21], $0x4000  }
0x44: {  	[sflag:s21] =	ssyncset.done $0x0  }
0x45: {  	s29 =	simm.s32 $0x1400;
	[sflag:s21] =	ssyncadd.s32 $0xFFFFC000  }
0x46: {  	[spmem:s2] =	stream.indirect.scatter.add.f32 [tilespmem:s16], [sflag:$0x3], $0x80, s29, s19, $0xb8;
	[tilespmem:$0x1E800] =	vst v63  }
0x47: {  	_ =	swait.ge [sflag:s17], $0x4000  }
0x48: {  	[sflag:s17] =	ssyncset.done $0x0  }
0x49: {  	s30 =	simm.s32 $0x100;
	[sflag:s17] =	ssyncadd.s32 $0xFFFFC000  }
0x4a: {  	[tilespmem:s16], [sflag:$0x1] =	stream.indirect.gather [hbm4b:s4+s19], $0x80, s30, s19, $0xb8;
	[tilespmem:$0x1E800] =	vst v63  }
0x4b: {  	_ =	swait.ge [sflag:s22], $0x4000  }
0x4c: {  	[sflag:s22] =	ssyncset.done $0x0  }
0x4d: {  	s31 =	simm.s32 $0x1480;
	[sflag:s22] =	ssyncadd.s32 $0xFFFFC000  }
0x4e: {  	[spmem:s2] =	stream.indirect.scatter.add.f32 [tilespmem:s20], [sflag:$0x3], $0x80, s31, s19, $0xb8;
	[tilespmem:$0x1E800] =	vst v63  }
0x4f: {  	_ =	swait.ge [sflag:s17], $0x4000  }
0x50: {  	[sflag:s17] =	ssyncset.done $0x0  }
0x51: {  	s25 =	simm.s32 $0x400;
	s26 =	simm.s32 $0x180;
	[sflag:s17] =	ssyncadd.s32 $0xFFFFC000  }
.LBB2_4:
0x52: {  	[tilespmem:s20], [sflag:$0x2] =	stream.indirect.gather [hbm4b:s4+s19], $0x80, s26, s19, $0xb8;
	[tilespmem:$0x1E800] =	vst v63  }
0x53: {  	s26 =	smov.u32 s25  }
0x54: {  	p0 =	sne.s32 s25, $0x4800;
	s25 =	sadd.s32 $0x400, s25;
	_ =	swait.ge [sflag:s21], $0x4000  }
0x55: {  	s26 =	sshra.s32 s26, $0x2;
	[sflag:s21] =	ssyncset.done $0x0  }
0x56: {  	s28 =	sadd.s32 $0x1400, s26;
	[sflag:s21] =	ssyncadd.s32 $0xFFFFC000  }
0x57: {  	[spmem:s2] =	stream.indirect.scatter.add.f32 [tilespmem:s16], [sflag:$0x3], $0x80, s28, s19, $0xb8;
	[tilespmem:$0x1E800] =	vst v63  }
0x58: {  	_ =	swait.ge [sflag:s17], $0x4000  }
0x59: {  	[sflag:s17] =	ssyncset.done $0x0  }
0x5a: {  	s28 =	sadd.s32 $0x100, s26;
	[sflag:s17] =	ssyncadd.s32 $0xFFFFC000  }
0x5b: {  	[tilespmem:s16], [sflag:$0x1] =	stream.indirect.gather [hbm4b:s4+s19], $0x80, s28, s19, $0xb8;
	[tilespmem:$0x1E800] =	vst v63  }
0x5c: {  	_ =	swait.ge [sflag:s22], $0x4000  }
0x5d: {  	[sflag:s22] =	ssyncset.done $0x0  }
.Ltmp1:
0x5e: {  	s28 =	sadd.s32 $0x1480, s26;
	[sflag:s22] =	ssyncadd.s32 $0xFFFFC000;
	(pc) =	sbr.rel @p0 .LBB2_4-.Ltmp1, $4  }
0x5f: {  	[spmem:s2] =	stream.indirect.scatter.add.f32 [tilespmem:s20], [sflag:$0x3], $0x80, s28, s19, $0xb8;
	[tilespmem:$0x1E800] =	vst v63  }
0x60: {  	_ =	swait.ge [sflag:s17], $0x4000  }
0x61: {  	[sflag:s17] =	ssyncset.done $0x0  }
0x62: {  	s26 =	sadd.s32 $0x180, s26;
	[sflag:s17] =	ssyncadd.s32 $0xFFFFC000  }
0x63: {  	[tilespmem:s20], [sflag:$0x2] =	stream.indirect.gather [hbm4b:s4+s19], $0x80, s26, s19, $0xb8;
	[tilespmem:$0x1E800] =	vst v63  }
0x64: {  	_ =	swait.ge [sflag:s21], $0x4000  }
0x65: {  	[sflag:s21] =	ssyncset.done $0x0  }
0x66: {  	[sflag:s21] =	ssyncadd.s32 $0xFFFFC000  }
0x67: {  	[spmem:s2] =	stream.indirect.scatter.add.f32 [tilespmem:s16], [sflag:$0x3], $0x80, s23, s19, $0xb8;
	[tilespmem:$0x1E800] =	vst v63  }
0x68: {  	_ =	swait.ge [sflag:s17], $0x4000  }
0x69: {  	[sflag:s17] =	ssyncset.done $0x0  }
0x6a: {  	[sflag:s17] =	ssyncadd.s32 $0xFFFFC000  }
0x6b: {  	_ =	swait.ge [sflag:s22], $0x4000  }
0x6c: {  	[sflag:s22] =	ssyncset.done $0x0  }
0x6d: {  	[sflag:s22] =	ssyncadd.s32 $0xFFFFC000  }
0x6e: {  	[spmem:s2] =	stream.indirect.scatter.add.f32 [tilespmem:s20], [sflag:$0x3], $0x80, s24, s19, $0xb8;
	[tilespmem:$0x1E800] =	vst v63  }
0x6f: {  	_ =	swait.ge [sflag:s17], $0x4000  }
0x70: {  	[sflag:s17] =	ssyncset.done $0x0  }
0x71: {  	s25 =	simm.s32 $0x0;
	[sflag:s17] =	ssyncadd.s32 $0xFFFFC000  }
0x72: {  	[tilespmem:s25], [sflag:$0x3] =	stream.linear.gather [hbm4b:s14+s25], $0x1400, $0x38;
	[tilespmem:$0x1E800] =	vst v63  }
0x73: {  	_ =	swait.ge [sflag:s17], $0x1400  }
0x74: {  	[sflag:s17] =	ssyncset.done $0x0  }
0x75: {  	[sflag:s17] =	ssyncadd.s32 $0xFFFFEC00  }
0x76: {  	[tilespmem:s18], [sflag:$0x3] =	stream.linear.gather [hbm4b:s15+s25], $0x1400, $0x38;
	[tilespmem:$0x1E800] =	vst v63  }
0x77: {  	_ =	swait.ge [sflag:s17], $0x1400  }
0x78: {  	[sflag:s17] =	ssyncset.done $0x0  }
0x79: {  	[sflag:s17] =	ssyncadd.s32 $0xFFFFEC00  }
0x7a: {  	[tilespmem:s16], [sflag:$0x1] =	stream.indirect.gather [hbm4b:s4+s19], $0x80, s25, s19, $0xb8;
	[tilespmem:$0x1E800] =	vst v63  }
0x7b: {  	_ = 	snop  }
0x7c: {  	[tilespmem:s20], [sflag:$0x2] =	stream.indirect.gather [hbm4b:s4+s19], $0x80, s19, s19, $0xb8;
	[tilespmem:$0x1E800] =	vst v63  }
0x7d: {  	_ =	swait.ge [sflag:s21], $0x4000  }
0x7e: {  	[sflag:s21] =	ssyncset.done $0x0  }
0x7f: {  	s29 =	simm.s32 $0x1400;
	[sflag:s21] =	ssyncadd.s32 $0xFFFFC000  }
0x80: {  	[spmem:s2] =	stream.indirect.scatter.add.f32 [tilespmem:s16], [sflag:$0x3], $0x80, s29, s19, $0xb8;
	[tilespmem:$0x1E800] =	vst v63  }
0x81: {  	_ =	swait.ge [sflag:s17], $0x4000  }
0x82: {  	[sflag:s17] =	ssyncset.done $0x0  }
0x83: {  	s30 =	simm.s32 $0x100;
	[sflag:s17] =	ssyncadd.s32 $0xFFFFC000  }
0x84: {  	[tilespmem:s16], [sflag:$0x1] =	stream.indirect.gather [hbm4b:s4+s19], $0x80, s30, s19, $0xb8;
	[tilespmem:$0x1E800] =	vst v63  }
0x85: {  	_ =	swait.ge [sflag:s22], $0x4000  }
0x86: {  	[sflag:s22] =	ssyncset.done $0x0  }
0x87: {  	s31 =	simm.s32 $0x1480;
	[sflag:s22] =	ssyncadd.s32 $0xFFFFC000  }
0x88: {  	[spmem:s2] =	stream.indirect.scatter.add.f32 [tilespmem:s20], [sflag:$0x3], $0x80, s31, s19, $0xb8;
	[tilespmem:$0x1E800] =	vst v63  }
0x89: {  	_ =	swait.ge [sflag:s17], $0x4000  }
0x8a: {  	[sflag:s17] =	ssyncset.done $0x0  }
0x8b: {  	s26 =	simm.s32 $0x180;
	s25 =	simm.s32 $0x400;
	[sflag:s17] =	ssyncadd.s32 $0xFFFFC000  }
.LBB2_6:
0x8c: {  	[tilespmem:s20], [sflag:$0x2] =	stream.indirect.gather [hbm4b:s4+s19], $0x80, s26, s19, $0xb8;
	[tilespmem:$0x1E800] =	vst v63  }
0x8d: {  	s26 =	smov.u32 s25  }
0x8e: {  	p0 =	sne.s32 s25, $0x4800;
	s25 =	sadd.s32 $0x400, s25;
	_ =	swait.ge [sflag:s21], $0x4000  }
0x8f: {  	s26 =	sshra.s32 s26, $0x2;
	[sflag:s21] =	ssyncset.done $0x0  }
0x90: {  	s28 =	sadd.s32 $0x1400, s26;
	[sflag:s21] =	ssyncadd.s32 $0xFFFFC000  }
0x91: {  	[spmem:s2] =	stream.indirect.scatter.add.f32 [tilespmem:s16], [sflag:$0x3], $0x80, s28, s19, $0xb8;
	[tilespmem:$0x1E800] =	vst v63  }
0x92: {  	_ =	swait.ge [sflag:s17], $0x4000  }
0x93: {  	[sflag:s17] =	ssyncset.done $0x0  }
0x94: {  	s28 =	sadd.s32 $0x100, s26;
	[sflag:s17] =	ssyncadd.s32 $0xFFFFC000  }
0x95: {  	[tilespmem:s16], [sflag:$0x1] =	stream.indirect.gather [hbm4b:s4+s19], $0x80, s28, s19, $0xb8;
	[tilespmem:$0x1E800] =	vst v63  }
0x96: {  	_ =	swait.ge [sflag:s22], $0x4000  }
0x97: {  	[sflag:s22] =	ssyncset.done $0x0  }
.Ltmp2:
0x98: {  	s28 =	sadd.s32 $0x1480, s26;
	[sflag:s22] =	ssyncadd.s32 $0xFFFFC000;
	(pc) =	sbr.rel @p0 .LBB2_6-.Ltmp2, $4  }
0x99: {  	[spmem:s2] =	stream.indirect.scatter.add.f32 [tilespmem:s20], [sflag:$0x3], $0x80, s28, s19, $0xb8;
	[tilespmem:$0x1E800] =	vst v63  }
0x9a: {  	_ =	swait.ge [sflag:s17], $0x4000  }
0x9b: {  	[sflag:s17] =	ssyncset.done $0x0  }
0x9c: {  	s26 =	sadd.s32 $0x180, s26;
	[sflag:s17] =	ssyncadd.s32 $0xFFFFC000  }
0x9d: {  	[tilespmem:s20], [sflag:$0x2] =	stream.indirect.gather [hbm4b:s4+s19], $0x80, s26, s19, $0xb8;
	[tilespmem:$0x1E800] =	vst v63  }
0x9e: {  	_ =	swait.ge [sflag:s21], $0x4000  }
0x9f: {  	[sflag:s21] =	ssyncset.done $0x0  }
0xa0: {  	[sflag:s21] =	ssyncadd.s32 $0xFFFFC000  }
0xa1: {  	[spmem:s2] =	stream.indirect.scatter.add.f32 [tilespmem:s16], [sflag:$0x3], $0x80, s23, s19, $0xb8;
	[tilespmem:$0x1E800] =	vst v63  }
0xa2: {  	_ =	swait.ge [sflag:s17], $0x4000  }
0xa3: {  	[sflag:s17] =	ssyncset.done $0x0  }
0xa4: {  	[sflag:s17] =	ssyncadd.s32 $0xFFFFC000  }
0xa5: {  	_ =	swait.ge [sflag:s22], $0x4000  }
0xa6: {  	[sflag:s22] =	ssyncset.done $0x0  }
0xa7: {  	[sflag:s22] =	ssyncadd.s32 $0xFFFFC000  }
0xa8: {  	[spmem:s2] =	stream.indirect.scatter.add.f32 [tilespmem:s20], [sflag:$0x3], $0x80, s24, s19, $0xb8;
	[tilespmem:$0x1E800] =	vst v63  }
0xa9: {  	_ =	swait.ge [sflag:s17], $0x4000  }
0xaa: {  	s25 =	sshll.u32 s1, $0x6;
	s3 =	sadd.s32 $0x1, s3;
	[sflag:s17] =	ssyncset.done $0x0  }
0xab: {  	s31 =	sshrl.u32 s5, $0x3;
	p0 =	sne.s32 s3, s7;
	[sflag:s17] =	ssyncadd.s32 $0xFFFFC000  }
.Ltmp3:
0xac: {  	s25 =	sor.u32 $0x1C03, s25;
	[bflag:$0x0] =	sbarrier.arrive $0xFFFF;
	(pc) =	sbr.rel @p0 .LBB2_1-.Ltmp3, $4  }
0xad: {  	[hbm:s6], [sflag:s25] =	dma.local [spmem:s31], $0x2800  }
0xae: {  	_ =	swait.ge [sflag:s17], $0x2800  }
0xaf: {  	[sflag:s17] =	ssyncset.done $0x0  }
0xb0: {  	[sflag:s17] =	ssyncadd.s32 $0xFFFFD800  }
0xb1: {  	_ =	sfence.sel $0x180000  }
0xb2: {  	[bflag:$0x0] =	sbarrier.arrive $0xFFFF  }
0xb3: {  	p0 =	sne.s32 s1, $0x0;
	_ =	strace $0x9000004D  }
0xb4: {  	s0 =	sadd.s32 @!p0 $0x100000, s0;
	[bflag:$0x2] =	sbarrier.arrive $0xFFFF  }
0xb5: {  	[sflag:s0] =	ssyncadd.tile.s32 @!p0 $0x1;
	_ =	shalt  }
.Lfunc_end2:
_tile_overlayer_lowered:
.L_overlay_start_2:
0xb6: {  	(tag) =	ssettag $0x2  }
0xb7: {  	s0 =	rddreg [dreg:$0x0];
	s2 =	stileid.u32  }
0xb8: {  	s1 =	rddreg [dreg:$0x1];
	p0 =	sne.s32 s2, $0x0  }
0xb9: {  	s3 =	rddreg [dreg:$0x2];
	[bflag:$0x3] =	sbarrier.arrive $0xFFFF;
	s2 =	simm.s32 @!p0 $0x1C03  }
0xba: {  	[timem:s3], [sflag:s2] =	dma.local @!p0 [hbm:s0], s1  }
0xbb: {  	s0 =	simm.s32 @!p0 $0x3  }
0xbc: {  	_ =	swait.ge @!p0 [sflag:s0], s1  }
0xbd: {  	s1 =	ssub.s32 @!p0 $0x0, s1;
	[sflag:s0] =	ssyncset.done @!p0 $0x0  }
0xbe: {  	[sflag:s0] =	ssyncadd.s32 @!p0 s1  }
0xbf: {  	[bflag:$0x3] =	sbarrier.arrive $0xFFFF  }
0xc0: {  	_ =	shalt  }

// kernel: kernel.8.cloned.1.call-start
scs
__scs_entry_jumppad:
0x0: {  	(pc) =	sbr.rel $0x88, $3  }
0x1: {  	(tag) =	ssettag $0x0;
	lr =	simm.s32 $0x1  }
0x2: {  	[smem:$0x3F99] =	sst lr;
	_ =	strace $0xD0000000  }
0x3: {  	_ = 	snop  }
0x4: {  	_ = 	snop  }
0x5: {  	_ = 	snop  }
0x6: {  	_ = 	snop  }
0x7: {  	_ = 	snop  }
__scs_overlays_trampoline_lowered:
0x8: {  	[smem:$0x3FA8] =	sst s0  }
0x9: {  	[smem:$0x3FA9] =	sst s1  }
0xa: {  	[smem:$0x3FAA] =	sst s2  }
0xb: {  	[smem:$0x3FAB] =	sst s3  }
0xc: {  	[smem:$0x3FAC] =	sst s4  }
0xd: {  	[smem:$0x3FAD] =	sst s5  }
0xe: {  	[smem:$0x3FAE] =	sst s6  }
0xf: {  	[smem:$0x3FAF] =	sst s7  }
0x10: {  	[smem:$0x3FB0] =	sst s8  }
0x11: {  	[smem:$0x3FB1] =	sst s9;
	s0 =	simm.s32 @!p0 $0x0  }
0x12: {  	s1 =	sld [smem:$0x3F97];
	s0 =	simm.s32 @p0 $0x1  }
0x13: {  	[smem:$0x3FB2] =	sst s0;
	s0 =	simm.s32 @!p1 $0x0  }
0x14: {  	s2 =	sld [smem:$0x3F96];
	s0 =	simm.s32 @p1 $0x1  }
0x15: {  	[smem:$0x3FB3] =	sst s0;
	s0 =	simm.s32 @!p2 $0x0  }
0x16: {  	s3 =	sld [smem:$0x3FDB];
	s0 =	simm.s32 @p2 $0x1  }
0x17: {  	s4 =	simm.s32 $0x1BF5;
	[smem:$0x3FB5] =	sst s0  }
0x18: {  	s0 =	sld [smem:$0x3F98];
	_ =	swait.ge [sflag:s4], $0x0  }
0x19: {  	s7 =	sld [smem:$0x3F99]  }
0x1a: {  	s8 =	sadd.s32 $0xFFFFE003, lr  }
0x1b: {  	s9 =	sadd.s32 $0xFFFFFEF7, lr;
	s5 =	simm.s32 $0xFFFFFFFF;
	p2 =	slt.u32 s8, $0xFFFFF086  }
0x1c: {  	p1 =	slt.u32 s9, $0xF7A;
	s5 =	simm.s32 @!p2 $0x0  }
0x1d: {  	s5 =	simm.s32 @p1 $0x1;
	p0 =	seq.s32 s7, s2  }
0x1e: {  	s7 =	smul.u32 @!p0 $0xF7A, s2;
	p2 =	seq.s32 @!p0 s5, $0x0  }
0x1f: {  	s9 =	smul.u32 $0xF7A, s1;
	s8 =	simm.s32 @!p0 $0x1BF5;
	p2 =	por !p2, p0  }
0x20: {  	[sflag:s8] =	ssyncset.s32 @!p0 $0xFFFFF086;
	s6 =	sadd.s32 @!p0 s3, s7;
	s7 =	simm.s32 @!p0 $0x108  }
0x21: {  	s3 =	sadd.s32 s3, s9;
	s6 =	sadd.s32 @!p0 $0x88, s6;
	s7 =	simm.s32 @p2 $0x1082  }
0x22: {  	[simem:s7], [sflag:s8] =	dma.local @!p0 [hbm:s6], $0xF7A  }
0x23: {  	s9 =	sor.u32 $0xD0000000, s2;
	s6 =	simm.s32 $0x108;
	_ =	swait.ge @!p0 [sflag:s8], $0x0  }
0x24: {  	s3 =	sadd.s32 $0x88, s3;
	s6 =	simm.s32 @!p1 $0x1082;
	[sflag:s4] =	ssyncset.s32 $0xFFFFF086  }
0x25: {  	[simem:s6], [sflag:s4] =	dma.local [hbm:s3], $0xF7A  }
0x26: {  	[smem:$0x3F99] =	sst s1;
	(tag) =	ssettag s2;
	_ =	strace s9  }
0x27: {  	s1 =	sld [smem:$0x3FA9]  }
0x28: {  	s2 =	sld [smem:$0x3FAA]  }
0x29: {  	s4 =	sld [smem:$0x3FAC]  }
0x2a: {  	p0 =	seq.s32 s5, $0x0;
	s5 =	sld [smem:$0x3FAD]  }
0x2b: {  	s6 =	sld [smem:$0x3FAE]  }
0x2c: {  	s7 =	sld [smem:$0x3FAF]  }
0x2d: {  	s3 =	simm.s32 $0x108;
	s8 =	sld [smem:$0x3FB0]  }
0x2e: {  	s3 =	simm.s32 @!p0 $0x1082;
	s9 =	sld [smem:$0x3FB1]  }
0x2f: {  	lr =	sadd.s32 s0, s3;
	s0 =	sld [smem:$0x3FA8]  }
0x30: {  	s3 =	sld [smem:$0x3FAB]  }
0x31: {  	[smem:$0x3FB4] =	sst s10  }
0x32: {  	s10 =	sld [smem:$0x3FB2];
	_ =	sdelay $0x3  }
0x33: {  	p0 =	seq.s32 s10, $0x1;
	s10 =	sld [smem:$0x3FB4];
	_ =	sdelay $0x3  }
0x34: {  	[smem:$0x3FB4] =	sst s10  }
0x35: {  	s10 =	sld [smem:$0x3FB3];
	_ =	sdelay $0x3  }
0x36: {  	p1 =	seq.s32 s10, $0x1;
	s10 =	sld [smem:$0x3FB4];
	_ =	sdelay $0x3  }
0x37: {  	[smem:$0x3FB4] =	sst s10  }
0x38: {  	s10 =	sld [smem:$0x3FB5]  }
0x39: {  	_ = 	snop;
	(pc) =	sbr.ind lr, $3  }
0x3a: {  	_ = 	snop  }
0x3b: {  	_ = 	snop  }
0x3c: {  	p2 =	seq.s32 s10, $0x1;
	s10 =	sld [smem:$0x3FB4]  }
0x3d: {  	_ =	shalt  }
0x3e: {  	_ =	shalt  }
0x3f: {  	_ =	shalt  }
0x40: {  	_ =	shalt  }
0x41: {  	_ =	shalt  }
0x42: {  	_ =	shalt  }
0x43: {  	_ =	shalt  }
0x44: {  	_ =	shalt  }
0x45: {  	_ =	shalt  }
0x46: {  	_ =	shalt  }
0x47: {  	_ =	shalt  }
0x48: {  	_ =	shalt  }
0x49: {  	_ =	shalt  }
0x4a: {  	_ =	shalt  }
0x4b: {  	_ =	shalt  }
0x4c: {  	_ =	shalt  }
0x4d: {  	_ =	shalt  }
0x4e: {  	_ =	shalt  }
0x4f: {  	_ =	shalt  }
0x50: {  	_ =	shalt  }
0x51: {  	_ =	shalt  }
0x52: {  	_ =	shalt  }
0x53: {  	_ =	shalt  }
0x54: {  	_ =	shalt  }
0x55: {  	_ =	shalt  }
0x56: {  	_ =	shalt  }
0x57: {  	_ =	shalt  }
0x58: {  	_ =	shalt  }
0x59: {  	_ =	shalt  }
0x5a: {  	_ =	shalt  }
0x5b: {  	_ =	shalt  }
0x5c: {  	_ =	shalt  }
0x5d: {  	_ =	shalt  }
0x5e: {  	_ =	shalt  }
0x5f: {  	_ =	shalt  }
0x60: {  	_ =	shalt  }
0x61: {  	_ =	shalt  }
0x62: {  	_ =	shalt  }
0x63: {  	_ =	shalt  }
0x64: {  	_ =	shalt  }
0x65: {  	_ =	shalt  }
0x66: {  	_ =	shalt  }
0x67: {  	_ =	shalt  }
0x68: {  	_ =	shalt  }
0x69: {  	_ =	shalt  }
0x6a: {  	_ =	shalt  }
0x6b: {  	_ =	shalt  }
0x6c: {  	_ =	shalt  }
0x6d: {  	_ =	shalt  }
0x6e: {  	_ =	shalt  }
0x6f: {  	_ =	shalt  }
0x70: {  	_ =	shalt  }
0x71: {  	_ =	shalt  }
0x72: {  	_ =	shalt  }
0x73: {  	_ =	shalt  }
0x74: {  	_ =	shalt  }
0x75: {  	_ =	shalt  }
0x76: {  	_ =	shalt  }
0x77: {  	_ =	shalt  }
0x78: {  	_ =	shalt  }
0x79: {  	_ =	shalt  }
0x7a: {  	_ =	shalt  }
0x7b: {  	_ =	shalt  }
0x7c: {  	_ =	shalt  }
0x7d: {  	_ =	shalt  }
0x7e: {  	_ =	shalt  }
0x7f: {  	_ =	shalt  }
0x80: {  	_ =	shalt  }
0x81: {  	_ =	shalt  }
0x82: {  	_ =	shalt  }
0x83: {  	_ =	shalt  }
0x84: {  	_ =	shalt  }
0x85: {  	_ =	shalt  }
0x86: {  	_ =	shalt  }
0x87: {  	_ =	shalt  }
.Lfunc_end0:
.L_simem_size_0:
called_computation_lowered:
.L_overlay_start_0:
0x88: {  	s2 =	sld [smem:$0x3FD9]  }
0x89: {  	s3 =	sld [smem:$0x3FFE];
	_ =	sdelay $0x1  }
0x8a: {  	s1 =	srdreg.scid  }
0x8b: {  	s0 =	sand.u32 $0x1, s1  }
0x8c: {  	s17 =	sshll.u32 s0, $0xA;
	s2 =	sadd.s32 s3, s2  }
0x8d: {  	s2 =	sadd.s32 s2, s17  }
0x8e: {  	[smem:$0x3FC0] =	sst s2  }
0x8f: {  	_ = 	snop  }
0x90: {  	s2 =	sld [smem:$0x3FD0];
	(tm) =	ssettm $0x1  }
0x91: {  	s18 =	sld [smem:$0x3FFB];
	_ =	sdelay $0x3  }
0x92: {  	_ =	strace s18  }
0x93: {  	s3 =	sld [smem:$0x3FFC];
	_ =	sdelay $0x3  }
0x94: {  	_ =	strace s3  }
0x95: {  	s3 =	sld [smem:$0x3FFD];
	_ =	sdelay $0x3  }
0x96: {  	_ =	strace s3  }
0x97: {  	_ =	strace $0x8FFFFFFF  }
0x98: {  	s19 =	sld [smem:$0x3FDB];
	_ =	sdelay $0x1  }
0x99: {  	s4 =	simm.s32 $_scs_section_size  }
0x9a: {  	s5 =	simm.s32 $_size__tile_overlayer_lowered;
	s6 =	simm.s32 $_tile_overlayer_lowered  }
0x9b: {  	s22 =	simm.s32 $0x1BFF;
	s21 =	sshll.u32 s6, $0x1;
	s3 =	sadd.s32 s4, s19  }
0x9c: {  	s7 =	simm.s32 $0x0;
	s20 =	sshll.u32 s5, $0x1;
	s5 =	sadd.s32 s21, s3  }
0x9d: {  	[timem:s7], [sflag:s22] =	dma.local [hbm:s5], s20  }
0x9e: {  	_ =	swait.ge [sflag:s22], s20  }
0x9f: {  	s4 =	ssub.s32 $0x0, s20;
	[sflag:s22] =	ssyncset.done $0x0  }
0xa0: {  	[sflag:s22] =	ssyncadd.s32 s4;
	_ =	sdelay $0x1  }
0xa1: {  	s23 =	simm.s32 $0x1B8B  }
0xa2: {  	_ =	swait.ge [sflag:s23], $0x1  }
0xa3: {  	[sflag:s23] =	ssyncset.done $0x0  }
0xa4: {  	s25 =	simm.s32 $0x1B8E;
	s24 =	sld [smem:$0x3FFE];
	[sflag:s23] =	ssyncadd.s32 $0xFFFFFFFF  }
0xa5: {  	s26 =	simm.s32 $execute0_lowered;
	[smem:$0x3FD2] =	sst s25  }
0xa6: {  	s5 =	sshll.u32 s26, $0x1;
	_ =	strace $0x80000046;
	[dreg:$0x1] =	wrdreg $0xFFFFFFFF  }
0xa7: {  	s28 =	simm.s32 $_size_execute0_lowered;
	s3 =	sadd.s32 s3, s5;
	[dreg:$0x0] =	wrdreg $0x0  }
0xa8: {  	s5 =	sshll.u32 s28, $0x1;
	[dreg:$0x2] =	wrdreg s3  }
0xa9: {  	[dreg:$0x3] =	wrdreg s5  }
0xaa: {  	[dreg:$0x4] =	wrdreg $0xC0  }
0xab: {  	_ =	task [dreg:s7], $0x5FFFF  }
0xac: {  	[dreg:$0x1] =	wrdreg $0xFFFFFFFF  }
0xad: {  	[dreg:$0x0] =	wrdreg $0x60  }
0xae: {  	[dreg:$0x2] =	wrdreg s2  }
0xaf: {  	[dreg:$0x3] =	wrdreg s24  }
0xb0: {  	[dreg:$0x4] =	wrdreg $0x3C800  }
0xb1: {  	[dreg:$0x5] =	wrdreg $0x9  }
0xb2: {  	_ =	task.clear_ibuf [dreg:s7], $0x6FFFF;
	_ =	strace $0x90000046  }
0xb3: {  	s29 =	simm.s32 $0x9;
	_ =	strace $0x80000048  }
0xb4: {  	_ =	swait.ge [sflag:s29], $0x1  }
0xb5: {  	[sflag:s29] =	ssyncadd.s32 $0xFFFFFFFF  }
0xb6: {  	_ =	strace $0x90000048  }
0xb7: {  	_ =	sfence  }
0xb8: {  	s30 =	sld [smem:$0x0];
	_ =	sdelay $0x2  }
0xb9: {  	s31 =	sshll.u32 s1, $0xD;
	s1 =	sshrl.u32 s1, $0x2  }
0xba: {  	s3 =	sand.u32 $0x4000, s31;
	s1 =	sadd.s32 s1, s30  }
0xbb: {  	s0 =	sor.u32 s3, s0;
	s1 =	sshll.u32 s1, $0x11  }
0xbc: {  	s0 =	sor.u32 s1, s0  }
0xbd: {  	s0 =	sadd.s32 $0x8F2B, s0  }
0xbe: {  	[sflag:s0] =	ssyncadd.remote.s32 $0x1  }
0xbf: {  	_ =	sfence.sel $0xFFFF  }
0xc0: {  	[dreg:$0x0] =	wrdreg $0xFFFFFFFF;
	(pc) =	sbr.abs _section_cstart, $3  }
0xc1: {  	[dreg:$0x1] =	wrdreg $0xFFFFFFFF  }
0xc2: {  	_ =	task.clear_ibuf [dreg:s7], $0x2FFFF;
	_ =	strace $0x9FFFFFFF  }
0xc3: {  	(tm) =	ssettm $0x7FFFFFFF  }
tec
execute0_lowered:
.L_overlay_start_1:
0x0: {  	(tag) =	ssettag $0x1  }
0x1: {  	s5 =	rddreg [dreg:$0x0]  }
0x2: {  	s3 =	rddreg [dreg:$0x1]  }
0x3: {  	s1 =	rddreg [dreg:$0x2]  }
0x4: {  	s0 =	rddreg [dreg:$0x3];
	s2 =	simm.s32 $0x0;
	s11 =	stileid.u32  }
0x5: {  	s4 =	srdreg.scid;
	s12 =	simm.s32 $0x3C00;
	s7 =	smul.u32 $0x500, s11  }
0x6: {  	[smem:$0x7FF] =	sst s2;
	s4 =	sand.u32 $0x1, s4;
	s8 =	smul.u32 $0x280, s11  }
0x7: {  	s6 =	smul.u32 $0x500, s4;
	_ =	strace $0x80000047;
	s30 =	ssub.s32 $0x2, s4  }
0x8: {  	p0 =	seq.s32 s4, $0x0;
	s9 =	sshrl.u32 s30, $0x1;
	s10 =	sadd.s32 $0x5000, s7  }
0x9: {  	s4 =	sadd.s32 $0x1400, s8;
	s6 =	sadd.s32 s6, s3;
	s9 =	ssub.s32 s30, s9  }
0xa: {  	s3 =	sadd.s32 s8, s1;
	s10 =	smov.u32 @p0 s7;
	p0 =	sne.s32 s11, $0x0  }
0xb: {  	v0 =	vlaneseq.u32;
	s11 =	simm.s32 $0x50;
	s31 =	sadd.s32 s10, s5;
	s5 =	sadd.s32 $0x2C00, s6  }
0xc: {  	v1 =	vimm.f32 $0.0e+00;
	v6 =	vimm.f32 $1.000000000e+00;
	v2 =	vor.u32 $0x10, v0;
	s6 =	smax.u32 s9, $0x1;
	s9 =	simm.s32 $0x1;
	s10 =	simm.s32 $0x1400  }
0xd: {  	v3 =	vor.u32 $0x20, v0;
	v4 =	vor.u32 $0x30, v0;
	v5 =	vor.u32 $0x40, v0;
	s13 =	sshrl.u32 @!p0 s1, $0x3;
	s7 =	sadd.s32 $0xA000, s31;
	s8 =	sadd.s32 $0xA280, s31  }
.LBB2_1:
0xe: {  	s14 =	simm.s32 $0x0;
	s15 =	simm.s32 $0x200  }
.LBB2_2:
0xf: {  	p1 =	sne.s32 s15, $0x9E00;
	[tilespmem:s14+$0x1470] =	vst v1  }
0x10: {  	[tilespmem:s14+$0x1400] =	vst v1  }
0x11: {  	[tilespmem:s14+$0x1410] =	vst v1  }
.Ltmp0:
0x12: {  	[tilespmem:s14+$0x1420] =	vst v1;
	(pc) =	sbr.rel @p1 .LBB2_2-.Ltmp0, $4  }
0x13: {  	[tilespmem:s14+$0x1430] =	vst v1  }
0x14: {  	[tilespmem:s14+$0x1440] =	vst v1  }
0x15: {  	[tilespmem:s14+$0x1450] =	vst v1  }
0x16: {  	[tilespmem:s14+$0x1460] =	vst v1;
	s14 =	sshra.s32 s15, $0x2;
	s15 =	sadd.s32 $0x200, s15  }
0x17: {  	[tilespmem:s14+$0x1470] =	vst v1  }
0x18: {  	[tilespmem:s14+$0x1400] =	vst v1  }
0x19: {  	[tilespmem:s14+$0x1410] =	vst v1  }
0x1a: {  	[tilespmem:s14+$0x1420] =	vst v1  }
0x1b: {  	[tilespmem:s14+$0x1430] =	vst v1  }
0x1c: {  	[tilespmem:s14+$0x1440] =	vst v1  }
0x1d: {  	[tilespmem:s14+$0x1450] =	vst v1  }
0x1e: {  	[tilespmem:s14+$0x1460] =	vst v1  }
0x1f: {  	[tilespmem:$0x3C00] =	vst v0  }
0x20: {  	[tilespmem:$0x3C10] =	vst v2  }
0x21: {  	[tilespmem:$0x3C20] =	vst v3  }
0x22: {  	[tilespmem:$0x3C30] =	vst v4  }
0x23: {  	[tilespmem:$0x3C40] =	vst v5  }
0x24: {  	[spmem:s3] =	stream.linear.scatter [tilespmem:s4], [sflag:$0x1], $0x280, $0x38;
	[tilespmem:$0x3F00] =	vst v63  }
0x25: {  	_ =	swait.ge [sflag:s9], $0x280  }
0x26: {  	[sflag:s9] =	ssyncset.done $0x0  }
0x27: {  	[sflag:s9] =	ssyncadd.s32 $0xFFFFFD80  }
0x28: {  	s31 =	simm.s32 $0x0;
	[bflag:$0x0] =	sbarrier.arrive $0xFFFF  }
0x29: {  	[tilespmem:s31], [sflag:$0x1] =	stream.linear.gather [hbm4b:s7+s31], $0x1400, $0x38;
	[tilespmem:$0x3F00] =	vst v63  }
0x2a: {  	s15 =	sand.u32 $0x7E00, s31;
	_ =	swait.ge [sflag:s9], $0x1400  }
0x2b: {  	s14 =	sand.u32 $0x70, s31;
	s15 =	sshrl.u32 s15, $0x2;
	[sflag:s9] =	ssyncset.done $0x0  }
0x2c: {  	s14 =	sor.u32 s14, s15;
	[sflag:s9] =	ssyncadd.s32 $0xFFFFEC00  }
0x2d: {  	v7 =	vld [tilespmem:s14+$0x0];
	_ =	sdelay $0x4  }
0x2e: {  	s16 =	simm.s32 $0x40  }
0x2f: {  	s16 =	sand.u32 $0x7E00, s16;
	s15 =	simm.s32 $0x80;
	s14 =	simm.s32 $0x10  }
.LBB2_4:
0x30: {  	p1 =	sne.s32 s15, $0x4FC0;
	s17 =	sand.u32 $0x70, s14;
	s16 =	sshrl.u32 s16, $0x2  }
0x31: {  	s16 =	sor.u32 s17, s16;
	[tilespmem:v7+s10+$0x0] =	vst.idx.add.f32.msk $0xffff, v6  }
0x32: {  	v7 =	vld [tilespmem:s16+$0x0];
	_ =	sdelay $0x1  }
.Ltmp1:
0x33: {  	(pc) =	sbr.rel @p1 .LBB2_4-.Ltmp1, $2  }
0x34: {  	_ =	sdelay $0x2  }
0x35: {  	s14 =	sadd.s32 $0x10, s14;
	s16 =	sand.u32 $0x7E00, s15;
	s15 =	sadd.s32 $0x40, s15  }
0x36: {  	_ =	sdelay $0x2  }
0x37: {  	s14 =	sand.u32 $0x70, s14;
	s15 =	sshrl.u32 s16, $0x2  }
0x38: {  	[tilespmem:v7+s10+$0x0] =	vst.idx.add.f32.msk $0xffff, v6;
	s14 =	sor.u32 s14, s15  }
0x39: {  	v7 =	vld [tilespmem:s14+$0x0];
	_ =	sdelay $0x7  }
0x3a: {  	s30 =	simm.s32 $0x0;
	[tilespmem:v7+s10+$0x0] =	vst.idx.add.f32.msk $0xffff, v6  }
0x3b: {  	[tilespmem:s30], [sflag:$0x1] =	stream.linear.gather [hbm4b:s8+s30], $0x1400, $0x38;
	[tilespmem:$0x3F00] =	vst v63  }
0x3c: {  	s31 =	sand.u32 $0x7E00, s30;
	_ =	swait.ge [sflag:s9], $0x1400  }
0x3d: {  	s14 =	sand.u32 $0x70, s30;
	s15 =	sshrl.u32 s31, $0x2;
	[sflag:s9] =	ssyncset.done $0x0  }
0x3e: {  	s15 =	sor.u32 s14, s15;
	[sflag:s9] =	ssyncadd.s32 $0xFFFFEC00  }
0x3f: {  	v7 =	vld [tilespmem:s15+$0x0];
	_ =	sdelay $0x4  }
0x40: {  	s14 =	simm.s32 $0x40  }
0x41: {  	s16 =	simm.s32 $0x10;
	s17 =	sand.u32 $0x7E00, s14;
	s15 =	simm.s32 $0x20  }
.LBB2_6:
0x42: {  	p1 =	sne.s32 s15, $0x13F0;
	s16 =	sand.u32 $0x70, s16;
	s17 =	sshrl.u32 s17, $0x2  }
0x43: {  	s17 =	sor.u32 s16, s17;
	[tilespmem:v7+s10+$0x0] =	vst.idx.add.f32.msk $0xffff, v6;
	s16 =	smov.u32 s15  }
0x44: {  	v7 =	vld [tilespmem:s17+$0x0];
	_ =	sdelay $0x1  }
.Ltmp2:
0x45: {  	(pc) =	sbr.rel @p1 .LBB2_6-.Ltmp2, $3  }
0x46: {  	_ =	sdelay $0x1  }
0x47: {  	s14 =	sadd.s32 $0x40, s14  }
0x48: {  	s15 =	sadd.s32 $0x10, s15;
	s17 =	sand.u32 $0x7E00, s14  }
0x49: {  	_ =	sdelay $0x2  }
0x4a: {  	s14 =	sand.u32 $0x70, s16;
	s15 =	sshrl.u32 s17, $0x2  }
0x4b: {  	[tilespmem:v7+s10+$0x0] =	vst.idx.add.f32.msk $0xffff, v6;
	s14 =	sor.u32 s14, s15  }
0x4c: {  	v7 =	vld [tilespmem:s14+$0x0];
	_ =	sdelay $0x7  }
0x4d: {  	[tilespmem:v7+s10+$0x0] =	vst.idx.add.f32.msk $0xffff, v6  }
0x4e: {  	[spmem:s1] =	stream.indirect.scatter.add.f32 [tilespmem:s10], [sflag:$0x1], $0x80, s12, s11, $0xb8;
	[tilespmem:$0x3F00] =	vst v63  }
0x4f: {  	_ =	swait.ge [sflag:s9], $0x2800  }
0x50: {  	[sflag:s9] =	ssyncset.done $0x0  }
0x51: {  	s2 =	sadd.s32 $0x1, s2;
	[sflag:s9] =	ssyncadd.s32 $0xFFFFD800  }
0x52: {  	p1 =	sne.s32 s2, s6;
	s14 =	simm.s32 @!p0 $0x1C01;
	[bflag:$0x0] =	sbarrier.arrive $0xFFFF  }
0x53: {  	[hbm:s5], [sflag:s14] =	dma.local @!p0 [spmem:s13], $0x500  }
.Ltmp3:
0x54: {  	_ = 	snop;
	(pc) =	sbr.rel @p1 .LBB2_1-.Ltmp3, $4  }
0x55: {  	s14 =	simm.s32 @!p0 $0x1  }
0x56: {  	_ =	swait.ge @!p0 [sflag:s14], $0x500  }
0x57: {  	[sflag:s14] =	ssyncset.done @!p0 $0x0  }
0x58: {  	[sflag:s14] =	ssyncadd.s32 @!p0 $0xFFFFFB00  }
0x59: {  	_ =	sfence.sel $0x180000  }
0x5a: {  	[bflag:$0x0] =	sbarrier.arrive $0xFFFF  }
0x5b: {  	_ =	strace $0x90000047  }
0x5c: {  	s0 =	sadd.s32 @!p0 $0x100000, s0;
	[bflag:$0x2] =	sbarrier.arrive $0xFFFF  }
0x5d: {  	[sflag:s0] =	ssyncadd.tile.s32 @!p0 $0x1;
	_ =	shalt  }
.Lfunc_end2:
_tile_overlayer_lowered:
.L_overlay_start_2:
0x5e: {  	(tag) =	ssettag $0x2  }
0x5f: {  	s0 =	rddreg [dreg:$0x0];
	s2 =	stileid.u32  }
0x60: {  	s1 =	rddreg [dreg:$0x1];
	p0 =	sne.s32 s2, $0x0  }
0x61: {  	s3 =	rddreg [dreg:$0x2];
	[bflag:$0x3] =	sbarrier.arrive $0xFFFF;
	s2 =	simm.s32 @!p0 $0x1C01  }
0x62: {  	[timem:s3], [sflag:s2] =	dma.local @!p0 [hbm:s0], s1  }
0x63: {  	s0 =	simm.s32 @!p0 $0x1  }
0x64: {  	_ =	swait.ge @!p0 [sflag:s0], s1  }
0x65: {  	s1 =	ssub.s32 @!p0 $0x0, s1;
	[sflag:s0] =	ssyncset.done @!p0 $0x0  }
0x66: {  	[sflag:s0] =	ssyncadd.s32 @!p0 s1  }
0x67: {  	[bflag:$0x3] =	sbarrier.arrive $0xFFFF  }
0x68: {  	_ =	shalt  }

</sc_bundles>
